<compile_context>
chip_gen: v7x
topology: tpu7x:2x2x1
jax: 0.10.2.dev20260603
libtpu: 0.0.44.dev20260713+nightly
codegen_flags: <defaults>
</compile_context>

<pallas_src>
import functools

import jax
import jax.numpy as jnp
from jax import lax
from jax.experimental import pallas as pl
from jax.experimental.pallas import tpu as pltpu
from jax.experimental.pallas import tpu_sc as plsc

NBINS = 16384
SHIFT = 32 - 14
NCORES = 2
NSUB = 16
NTILES = NCORES * NSUB
LANES = 16


def _ce_body(labels_ref, weights_ref, logits_ref, loss_ref):
    lg = logits_ref[0, 0]
    lab = labels_ref[0]
    c_dim = lg.shape[0]
    m = jnp.max(lg, axis=0)
    se = jnp.sum(jnp.exp(lg - m[None]), axis=0)
    lse = jnp.log(se) + m
    picked = jnp.zeros_like(lse)
    wp = jnp.zeros_like(lse)
    for c in range(c_dim):
        sel = lab == c
        picked = jnp.where(sel, lg[c], picked)
        wp = jnp.where(sel, weights_ref[0, c], wp)
    loss_ref[0] = (lse - picked) * wp


def _ce_losses_scale(logits, labels3, weights2, scale, b0, nb):
    s, b, c, h, w = logits.shape
    bh = 256
    grid = (nb, h // bh)
    out = pl.pallas_call(
        _ce_body,
        grid=grid,
        in_specs=[
            pl.BlockSpec((1, bh, w), lambda j, r, B=b0: (B + j, r, 0)),
            pl.BlockSpec(memory_space=pltpu.SMEM),
            pl.BlockSpec((1, 1, c, bh, w),
                         lambda j, r, S=scale, B=b0: (S, B + j, 0, r, 0)),
        ],
        out_specs=pl.BlockSpec((1, bh, w), lambda j, r: (j, r, 0)),
        out_shape=jax.ShapeDtypeStruct((nb, h, w), jnp.float32),
    )(labels3, weights2, logits)
    return out.reshape(nb * h, w)


def _hist_body(loss_hbm, cnt_hbm, sum_hbm, buf, hcnt, hsum):
    nr, nw = loss_hbm.shape
    rows = nr // NTILES
    wid = lax.axis_index("s") * NCORES + lax.axis_index("c")

    zeros16 = jnp.zeros((LANES,), jnp.float32)
    ones16 = jnp.ones((LANES,), jnp.float32)

    def zero_body(i, _):
        hcnt[pl.ds(i * LANES, LANES)] = zeros16
        hsum[pl.ds(i * LANES, LANES)] = zeros16
        return 0

    lax.fori_loop(0, NBINS // LANES, zero_body, 0)

    pltpu.sync_copy(loss_hbm.at[pl.ds(wid * rows, rows)], buf)

    @plsc.parallel_loop(0, rows, unroll=2)
    def scat_row(r):
        for c in range(nw // LANES):
            vals = buf[r, pl.ds(c * LANES, LANES)]
            bits = lax.bitcast_convert_type(vals, jnp.int32)
            idx = lax.shift_right_logical(bits, SHIFT)
            plsc.addupdate_scatter(hcnt, [idx], ones16)
            plsc.addupdate_scatter(hsum, [idx], vals)

    pltpu.sync_copy(hcnt, cnt_hbm.at[wid])
    pltpu.sync_copy(hsum, sum_hbm.at[wid])


def _sc_histogram(losses):
    nr, nw = losses.shape
    out_t = jax.ShapeDtypeStruct((NTILES, NBINS), jnp.float32)
    call = pl.kernel(
        _hist_body,
        out_type=[out_t, out_t],
        mesh=plsc.VectorSubcoreMesh(core_axis_name="c", subcore_axis_name="s"),
        compiler_params=pltpu.CompilerParams(needs_layout_passes=False),
        scratch_types=[
            pltpu.VMEM((nr // NTILES, nw), jnp.float32),
            pltpu.VMEM((NBINS,), jnp.float32),
            pltpu.VMEM((NBINS,), jnp.float32),
        ],
    )
    return call(losses)


def _cumsum_lanes(x):
    n = x.shape[1]
    sh = 1
    while sh < n:
        pad = jnp.zeros((x.shape[0], sh), x.dtype)
        x = x + jnp.concatenate([pad, x[:, :-sh]], axis=1)
        sh *= 2
    return x


def _finalize_body(k_top, groups, *refs):
    out_ref = refs[-1]
    refs = refs[:-1]
    cnt_rows, sms_rows = [], []
    i = 0
    for g in groups:
        c_acc, s_acc = None, None
        for _ in range(g):
            c = jnp.sum(refs[i][...], axis=0, keepdims=True)
            s2 = jnp.sum(refs[i + 1][...], axis=0, keepdims=True)
            c_acc = c if c_acc is None else c_acc + c
            s_acc = s2 if s_acc is None else s_acc + s2
            i += 2
        cnt_rows.append(c_acc)
        sms_rows.append(s_acc)
    cnt = jnp.concatenate(cnt_rows, axis=0)
    sms = jnp.concatenate(sms_rows, axis=0)
    cum_c = _cumsum_lanes(cnt)
    cum_s = _cumsum_lanes(sms)
    tot_c = cum_c[:, NBINS - 1 : NBINS]
    tot_s = cum_s[:, NBINS - 1 : NBINS]
    incl_c = tot_c - cum_c + cnt
    incl_s = tot_s - cum_s + sms
    kf = jnp.float32(k_top)
    mask = (incl_c >= kf).astype(jnp.float32)
    bf = jnp.sum(mask, axis=1, keepdims=True) - 1.0
    bi = bf.astype(jnp.int32)
    iota = lax.broadcasted_iota(jnp.int32, cnt.shape, 1)
    oh = iota == bi
    zero = jnp.zeros_like(cnt)
    c_b = jnp.sum(jnp.where(oh, cnt, zero), axis=1, keepdims=True)
    s_b = jnp.sum(jnp.where(oh, sms, zero), axis=1, keepdims=True)
    i_c = jnp.sum(jnp.where(oh, incl_c, zero), axis=1, keepdims=True)
    i_s = jnp.sum(jnp.where(oh, incl_s, zero), axis=1, keepdims=True)
    cab = i_c - c_b
    sab = i_s - s_b
    lo = lax.bitcast_convert_type(bi << SHIFT, jnp.float32)
    hi = lax.bitcast_convert_type((bi + 1) << SHIFT, jnp.float32)
    width = hi - lo
    j = kf - cab
    mu = s_b / c_b
    topj = j * mu + j * (1.0 - j / c_b) * width * 0.5
    mean_s = (sab + topj) / kf
    out_ref[0, 0] = jnp.sum(mean_s) / mean_s.shape[0]


def _finalize(hists, k_top, groups):
    out = pl.pallas_call(
        functools.partial(_finalize_body, k_top, tuple(groups)),
        out_specs=pl.BlockSpec(memory_space=pltpu.SMEM),
        out_shape=jax.ShapeDtypeStruct((1, 1), jnp.float32),
    )(*hists)
    return out[0, 0]


def kernel(logits, labels, weights):
    nscales, b, c, h, w = logits.shape
    labels3 = labels.reshape(b, h, w)
    weights2 = weights.reshape(1, c)
    hists = []
    groups = []
    for s in range(nscales):
        chunks = [(0, b)]
        groups.append(len(chunks))
        for b0, nb in chunks:
            losses = _ce_losses_scale(logits, labels3, weights2, s, b0, nb)
            hists.extend(_sc_histogram(losses))
    k_top = (b * h * w) * 50 // 100
    return _finalize(hists, k_top, groups)

# --- scband reference (transcript-rebuilt; emitter-appended) ---
"""Pipeline reference for scband-period-loss-15367392985502 (READ-ONLY COPY).

The authoritative reference and input builder live on the scoring server;
editing this copy changes nothing except your own understanding.
"""

import jax, jax.numpy as jnp
import numpy as np


def setup_inputs(seed: int = 0) -> dict:
    key = jax.random.key(seed)
    k1, k2 = jax.random.split(key)
    # logits: stacked multi-scale predictions [n_scales, B, C, H, W]
    logits = jax.random.normal(k1, (2, 4, 19, 512, 512), dtype=jnp.float32)
    # labels: [B, 1, H, W], class ids in [0, 19)
    labels = jax.random.randint(k2, (4, 1, 512, 512), 0, 19, dtype=jnp.int32)
    # learned class weights for CrossEntropyLoss(weight=...)
    weights = jnp.ones((19,), dtype=jnp.float32)
    return {"logits": logits, "labels": labels, "weights": weights}


def reference(logits, labels, weights):
    ignore_lb = -255
    n_scales = logits.shape[0]
    lab = labels[:, 0, :, :]  # squeeze(1) -> [B, H, W]
    total = jnp.float32(0.0)
    for i in range(n_scales):
        lg = logits[i]  # [B, C, H, W]; same spatial size as labels -> no interpolate
        logp = jax.nn.log_softmax(lg, axis=1)
        lab_safe = jnp.where(lab == ignore_lb, 0, lab)
        # per-pixel NLL gather: -log p[y]
        nll = -jnp.take_along_axis(logp, lab_safe[:, None, :, :], axis=1)[:, 0]  # [B, H, W]
        # class weighting (CrossEntropyLoss weight=, reduction='none')
        w = jnp.take(weights, lab_safe, axis=0)
        valid = (lab != ignore_lb)
        loss = jnp.where(valid, nll * w, 0.0)
        loss = loss.reshape(-1)
        loss = jnp.sort(loss)[::-1]  # descending sort (OHEM)
        n_min_1 = loss.shape[0] * 50 // 100
        total = total + jnp.mean(loss[:n_min_1])
    return total / n_scales

if __name__ == "__main__":
    import jax
    _d = setup_inputs()
    print(jax.jit(kernel)(*tuple(_d.values())))

</pallas_src>

<mosaic_0001>
#map = affine_map<(d0, d1) -> (0, 0)>
module attributes {stable_mosaic.version = 14 : i64} {
  func.func @_hist_body(%arg0: i32, %arg1: i32, %arg2: memref<2048x512xf32, #tpu.memory_space<hbm>>, %arg3: memref<32x16384xf32, #tpu.memory_space<hbm>>, %arg4: memref<32x16384xf32, #tpu.memory_space<hbm>>, %arg5: memref<64x512xf32, #tpu.memory_space<vmem>>, %arg6: memref<16384xf32, #tpu.memory_space<vmem>>, %arg7: memref<16384xf32, #tpu.memory_space<vmem>>) attributes {dimension_semantics = [#tpu.dimension_semantics<core_parallel>, #tpu.dimension_semantics<subcore_parallel>], iteration_bounds = array<i64: 2, 16>, scalar_prefetch = 0 : i64, scratch_operands = 3 : i64, tpu.core_type = #tpu.core_type<sc_vector_subcore>, window_params = [{transform_indices = #map}, {transform_indices = #map}, {transform_indices = #map}]} {
    %mul3A = arith.constant 2 : i32
    %mul3A_0 = arith.muli %arg1, %mul3A : i32
    %add3A = arith.addi %mul3A_0, %arg0 : i32
    %broadcast_in_dim3A = arith.constant 0.000000e+00 : f32
    %broadcast_in_dim3A_1 = vector.broadcast %broadcast_in_dim3A : f32 to vector<16xf32>
    %broadcast_in_dim3A_2 = arith.constant 1.000000e+00 : f32
    %broadcast_in_dim3A_3 = vector.broadcast %broadcast_in_dim3A_2 : f32 to vector<16xf32>
    %scan3A = arith.constant 0 : i32
    %scan3A_4 = arith.constant 0 : i32
    %scan3A_5 = arith.constant 1024 : i32
    %scan3A_6 = arith.addi %scan3A_4, %scan3A_5 : i32
    %scan3A_7 = arith.constant 1 : i32
    %scan3A_8 = scf.for %scan3A_14 = %scan3A_4 to %scan3A_6 step %scan3A_7 iter_args(%scan3A_15 = %scan3A) -> (i32)  : i32 {
      %mul3A_16 = arith.constant 16 : i32
      %mul3A_17 = arith.muli %scan3A_14, %mul3A_16 : i32
      %swap3A = arith.index_cast %mul3A_17 : i32 to index
      %swap3A_18 = tpu.vector_load %arg6[%swap3A] {strides = array<i32>} : memref<16384xf32, #tpu.memory_space<vmem>>, vector<16xf32>,
      tpu.vector_store %arg6[%swap3A], %broadcast_in_dim3A_1 {strides = array<i32>} : memref<16384xf32, #tpu.memory_space<vmem>>, vector<16xf32>,
      %mul3A_19 = arith.constant 16 : i32
      %mul3A_20 = arith.muli %scan3A_14, %mul3A_19 : i32
      %swap3A_21 = arith.index_cast %mul3A_20 : i32 to index
      %swap3A_22 = tpu.vector_load %arg7[%swap3A_21] {strides = array<i32>} : memref<16384xf32, #tpu.memory_space<vmem>>, vector<16xf32>,
      tpu.vector_store %arg7[%swap3A_21], %broadcast_in_dim3A_1 {strides = array<i32>} : memref<16384xf32, #tpu.memory_space<vmem>>, vector<16xf32>,
      %scan3A_23 = arith.constant 0 : i32
      scf.yield %scan3A_23 : i32
    }
    %scan3A_9 = arith.constant 1024 : i32
    %mul3A_10 = arith.constant 64 : i32
    %mul3A_11 = arith.muli %add3A, %mul3A_10 : i32
    "tpu.region"() ({
      %run_scoped3A = tpu.sem_alloc : memref<!tpu.dma_semaphore, #tpu.memory_space<semaphore_mem>>
      %dma_start3A = arith.constant 0 : i32
      %dma_start3A_14 = tpu.memref_slice %arg2[%mul3A_11, %dma_start3A] : memref<2048x512xf32, #tpu.memory_space<hbm>> -> memref<64x512xf32, #tpu.memory_space<hbm>>
      %dma_start3A_15 = arith.constant 0 : i32
      %dma_start3A_16 = tpu.memref_slice %arg2[%mul3A_11, %dma_start3A_15] : memref<2048x512xf32, #tpu.memory_space<hbm>> -> memref<64x512xf32, #tpu.memory_space<hbm>>
      tpu.enqueue_dma source(%dma_start3A_16 : memref<64x512xf32, #tpu.memory_space<hbm>>) target(%arg5 : memref<64x512xf32, #tpu.memory_space<vmem>>) target_semaphore(%run_scoped3A : memref<!tpu.dma_semaphore, #tpu.memory_space<semaphore_mem>>)
      %dma_wait3A = arith.constant 0 : i32
      %dma_wait3A_17 = tpu.memref_slice %arg2[%mul3A_11, %dma_wait3A] : memref<2048x512xf32, #tpu.memory_space<hbm>> -> memref<64x512xf32, #tpu.memory_space<hbm>>
      %dma_wait3A_18 = arith.constant 0 : i32
      %dma_wait3A_19 = tpu.memref_slice %arg2[%mul3A_11, %dma_wait3A_18] : memref<2048x512xf32, #tpu.memory_space<hbm>> -> memref<64x512xf32, #tpu.memory_space<hbm>>
      tpu.wait_dma2 semaphore(%run_scoped3A : memref<!tpu.dma_semaphore, #tpu.memory_space<semaphore_mem>>) src(%dma_wait3A_19 : memref<64x512xf32, #tpu.memory_space<hbm>>) dst(%arg5 : memref<64x512xf32, #tpu.memory_space<vmem>>)
      tpu.yield
    }) : () -> ()
    %parallel_loop3A = arith.constant 0 : i32
    %parallel_loop3A_12 = arith.constant 64 : i32
    %parallel_loop3A_13 = arith.constant 1 : i32
    scf.for %parallel_loop3A_14 = %parallel_loop3A to %parallel_loop3A_12 step %parallel_loop3A_13  : i32 {
      %parallel_loop3A_15 = arith.index_cast %parallel_loop3A_14 : i32 to index
      %parallel_loop3A_16 = arith.constant 0 : index
      %parallel_loop3A_17 = tpu.vector_load %arg5[%parallel_loop3A_15, %parallel_loop3A_16] {strides = array<i32>} : memref<64x512xf32, #tpu.memory_space<vmem>>, vector<16xf32>,
      %parallel_loop3A_18 = tpu.bitcast %parallel_loop3A_17 : vector<16xf32> -> vector<16xi32>
      %parallel_loop3A_19 = arith.constant 18 : i32
      %parallel_loop3A_20 = vector.broadcast %parallel_loop3A_19 : i32 to vector<16xi32>
      %parallel_loop3A_21 = arith.shrui %parallel_loop3A_18, %parallel_loop3A_20 : vector<16xi32>
      tpu.vector_store_idx %arg6[%parallel_loop3A_21], %broadcast_in_dim3A_3 {add = true} : memref<16384xf32, #tpu.memory_space<vmem>>[vector<16xi32>], vector<16xf32>,
      tpu.vector_store_idx %arg7[%parallel_loop3A_21], %parallel_loop3A_17 {add = true} : memref<16384xf32, #tpu.memory_space<vmem>>[vector<16xi32>], vector<16xf32>,
      %parallel_loop3A_22 = arith.index_cast %parallel_loop3A_14 : i32 to index
      %parallel_loop3A_23 = arith.constant 16 : index
      %parallel_loop3A_24 = tpu.vector_load %arg5[%parallel_loop3A_22, %parallel_loop3A_23] {strides = array<i32>} : memref<64x512xf32, #tpu.memory_space<vmem>>, vector<16xf32>,
      %parallel_loop3A_25 = tpu.bitcast %parallel_loop3A_24 : vector<16xf32> -> vector<16xi32>
      %parallel_loop3A_26 = arith.constant 18 : i32
      %parallel_loop3A_27 = vector.broadcast %parallel_loop3A_26 : i32 to vector<16xi32>
      %parallel_loop3A_28 = arith.shrui %parallel_loop3A_25, %parallel_loop3A_27 : vector<16xi32>
      tpu.vector_store_idx %arg6[%parallel_loop3A_28], %broadcast_in_dim3A_3 {add = true} : memref<16384xf32, #tpu.memory_space<vmem>>[vector<16xi32>], vector<16xf32>,
      tpu.vector_store_idx %arg7[%parallel_loop3A_28], %parallel_loop3A_24 {add = true} : memref<16384xf32, #tpu.memory_space<vmem>>[vector<16xi32>], vector<16xf32>,
      %parallel_loop3A_29 = arith.index_cast %parallel_loop3A_14 : i32 to index
      %parallel_loop3A_30 = arith.constant 32 : index
      %parallel_loop3A_31 = tpu.vector_load %arg5[%parallel_loop3A_29, %parallel_loop3A_30] {strides = array<i32>} : memref<64x512xf32, #tpu.memory_space<vmem>>, vector<16xf32>,
      %parallel_loop3A_32 = tpu.bitcast %parallel_loop3A_31 : vector<16xf32> -> vector<16xi32>
      %parallel_loop3A_33 = arith.constant 18 : i32
      %parallel_loop3A_34 = vector.broadcast %parallel_loop3A_33 : i32 to vector<16xi32>
      %parallel_loop3A_35 = arith.shrui %parallel_loop3A_32, %parallel_loop3A_34 : vector<16xi32>
      tpu.vector_store_idx %arg6[%parallel_loop3A_35], %broadcast_in_dim3A_3 {add = true} : memref<16384xf32, #tpu.memory_space<vmem>>[vector<16xi32>], vector<16xf32>,
      tpu.vector_store_idx %arg7[%parallel_loop3A_35], %parallel_loop3A_31 {add = true} : memref<16384xf32, #tpu.memory_space<vmem>>[vector<16xi32>], vector<16xf32>,
      %parallel_loop3A_36 = arith.index_cast %parallel_loop3A_14 : i32 to index
      %parallel_loop3A_37 = arith.constant 48 : index
      %parallel_loop3A_38 = tpu.vector_load %arg5[%parallel_loop3A_36, %parallel_loop3A_37] {strides = array<i32>} : memref<64x512xf32, #tpu.memory_space<vmem>>, vector<16xf32>,
      %parallel_loop3A_39 = tpu.bitcast %parallel_loop3A_38 : vector<16xf32> -> vector<16xi32>
      %parallel_loop3A_40 = arith.constant 18 : i32
      %parallel_loop3A_41 = vector.broadcast %parallel_loop3A_40 : i32 to vector<16xi32>
      %parallel_loop3A_42 = arith.shrui %parallel_loop3A_39, %parallel_loop3A_41 : vector<16xi32>
      tpu.vector_store_idx %arg6[%parallel_loop3A_42], %broadcast_in_dim3A_3 {add = true} : memref<16384xf32, #tpu.memory_space<vmem>>[vector<16xi32>], vector<16xf32>,
      tpu.vector_store_idx %arg7[%parallel_loop3A_42], %parallel_loop3A_38 {add = true} : memref<16384xf32, #tpu.memory_space<vmem>>[vector<16xi32>], vector<16xf32>,
      %parallel_loop3A_43 = arith.index_cast %parallel_loop3A_14 : i32 to index
      %parallel_loop3A_44 = arith.constant 64 : index
      %parallel_loop3A_45 = tpu.vector_load %arg5[%parallel_loop3A_43, %parallel_loop3A_44] {strides = array<i32>} : memref<64x512xf32, #tpu.memory_space<vmem>>, vector<16xf32>,
      %parallel_loop3A_46 = tpu.bitcast %parallel_loop3A_45 : vector<16xf32> -> vector<16xi32>
      %parallel_loop3A_47 = arith.constant 18 : i32
      %parallel_loop3A_48 = vector.broadcast %parallel_loop3A_47 : i32 to vector<16xi32>
      %parallel_loop3A_49 = arith.shrui %parallel_loop3A_46, %parallel_loop3A_48 : vector<16xi32>
      tpu.vector_store_idx %arg6[%parallel_loop3A_49], %broadcast_in_dim3A_3 {add = true} : memref<16384xf32, #tpu.memory_space<vmem>>[vector<16xi32>], vector<16xf32>,
      tpu.vector_store_idx %arg7[%parallel_loop3A_49], %parallel_loop3A_45 {add = true} : memref<16384xf32, #tpu.memory_space<vmem>>[vector<16xi32>], vector<16xf32>,
      %parallel_loop3A_50 = arith.index_cast %parallel_loop3A_14 : i32 to index
      %parallel_loop3A_51 = arith.constant 80 : index
      %parallel_loop3A_52 = tpu.vector_load %arg5[%parallel_loop3A_50, %parallel_loop3A_51] {strides = array<i32>} : memref<64x512xf32, #tpu.memory_space<vmem>>, vector<16xf32>,
      %parallel_loop3A_53 = tpu.bitcast %parallel_loop3A_52 : vector<16xf32> -> vector<16xi32>
      %parallel_loop3A_54 = arith.constant 18 : i32
      %parallel_loop3A_55 = vector.broadcast %parallel_loop3A_54 : i32 to vector<16xi32>
      %parallel_loop3A_56 = arith.shrui %parallel_loop3A_53, %parallel_loop3A_55 : vector<16xi32>
      tpu.vector_store_idx %arg6[%parallel_loop3A_56], %broadcast_in_dim3A_3 {add = true} : memref<16384xf32, #tpu.memory_space<vmem>>[vector<16xi32>], vector<16xf32>,
      tpu.vector_store_idx %arg7[%parallel_loop3A_56], %parallel_loop3A_52 {add = true} : memref<16384xf32, #tpu.memory_space<vmem>>[vector<16xi32>], vector<16xf32>,
      %parallel_loop3A_57 = arith.index_cast %parallel_loop3A_14 : i32 to index
      %parallel_loop3A_58 = arith.constant 96 : index
      %parallel_loop3A_59 = tpu.vector_load %arg5[%parallel_loop3A_57, %parallel_loop3A_58] {strides = array<i32>} : memref<64x512xf32, #tpu.memory_space<vmem>>, vector<16xf32>,
      %parallel_loop3A_60 = tpu.bitcast %parallel_loop3A_59 : vector<16xf32> -> vector<16xi32>
      %parallel_loop3A_61 = arith.constant 18 : i32
      %parallel_loop3A_62 = vector.broadcast %parallel_loop3A_61 : i32 to vector<16xi32>
      %parallel_loop3A_63 = arith.shrui %parallel_loop3A_60, %parallel_loop3A_62 : vector<16xi32>
      tpu.vector_store_idx %arg6[%parallel_loop3A_63], %broadcast_in_dim3A_3 {add = true} : memref<16384xf32, #tpu.memory_space<vmem>>[vector<16xi32>], vector<16xf32>,
      tpu.vector_store_idx %arg7[%parallel_loop3A_63], %parallel_loop3A_59 {add = true} : memref<16384xf32, #tpu.memory_space<vmem>>[vector<16xi32>], vector<16xf32>,
      %parallel_loop3A_64 = arith.index_cast %parallel_loop3A_14 : i32 to index
      %parallel_loop3A_65 = arith.constant 112 : index
      %parallel_loop3A_66 = tpu.vector_load %arg5[%parallel_loop3A_64, %parallel_loop3A_65] {strides = array<i32>} : memref<64x512xf32, #tpu.memory_space<vmem>>, vector<16xf32>,
      %parallel_loop3A_67 = tpu.bitcast %parallel_loop3A_66 : vector<16xf32> -> vector<16xi32>
      %parallel_loop3A_68 = arith.constant 18 : i32
      %parallel_loop3A_69 = vector.broadcast %parallel_loop3A_68 : i32 to vector<16xi32>
      %parallel_loop3A_70 = arith.shrui %parallel_loop3A_67, %parallel_loop3A_69 : vector<16xi32>
      tpu.vector_store_idx %arg6[%parallel_loop3A_70], %broadcast_in_dim3A_3 {add = true} : memref<16384xf32, #tpu.memory_space<vmem>>[vector<16xi32>], vector<16xf32>,
      tpu.vector_store_idx %arg7[%parallel_loop3A_70], %parallel_loop3A_66 {add = true} : memref<16384xf32, #tpu.memory_space<vmem>>[vector<16xi32>], vector<16xf32>,
      %parallel_loop3A_71 = arith.index_cast %parallel_loop3A_14 : i32 to index
      %parallel_loop3A_72 = arith.constant 128 : index
      %parallel_loop3A_73 = tpu.vector_load %arg5[%parallel_loop3A_71, %parallel_loop3A_72] {strides = array<i32>} : memref<64x512xf32, #tpu.memory_space<vmem>>, vector<16xf32>,
      %parallel_loop3A_74 = tpu.bitcast %parallel_loop3A_73 : vector<16xf32> -> vector<16xi32>
      %parallel_loop3A_75 = arith.constant 18 : i32
      %parallel_loop3A_76 = vector.broadcast %parallel_loop3A_75 : i32 to vector<16xi32>
      %parallel_loop3A_77 = arith.shrui %parallel_loop3A_74, %parallel_loop3A_76 : vector<16xi32>
      tpu.vector_store_idx %arg6[%parallel_loop3A_77], %broadcast_in_dim3A_3 {add = true} : memref<16384xf32, #tpu.memory_space<vmem>>[vector<16xi32>], vector<16xf32>,
      tpu.vector_store_idx %arg7[%parallel_loop3A_77], %parallel_loop3A_73 {add = true} : memref<16384xf32, #tpu.memory_space<vmem>>[vector<16xi32>], vector<16xf32>,
      %parallel_loop3A_78 = arith.index_cast %parallel_loop3A_14 : i32 to index
      %parallel_loop3A_79 = arith.constant 144 : index
      %parallel_loop3A_80 = tpu.vector_load %arg5[%parallel_loop3A_78, %parallel_loop3A_79] {strides = array<i32>} : memref<64x512xf32, #tpu.memory_space<vmem>>, vector<16xf32>,
      %parallel_loop3A_81 = tpu.bitcast %parallel_loop3A_80 : vector<16xf32> -> vector<16xi32>
      %parallel_loop3A_82 = arith.constant 18 : i32
      %parallel_loop3A_83 = vector.broadcast %parallel_loop3A_82 : i32 to vector<16xi32>
      %parallel_loop3A_84 = arith.shrui %parallel_loop3A_81, %parallel_loop3A_83 : vector<16xi32>
      tpu.vector_store_idx %arg6[%parallel_loop3A_84], %broadcast_in_dim3A_3 {add = true} : memref<16384xf32, #tpu.memory_space<vmem>>[vector<16xi32>], vector<16xf32>,
      tpu.vector_store_idx %arg7[%parallel_loop3A_84], %parallel_loop3A_80 {add = true} : memref<16384xf32, #tpu.memory_space<vmem>>[vector<16xi32>], vector<16xf32>,
      %parallel_loop3A_85 = arith.index_cast %parallel_loop3A_14 : i32 to index
      %parallel_loop3A_86 = arith.constant 160 : index
      %parallel_loop3A_87 = tpu.vector_load %arg5[%parallel_loop3A_85, %parallel_loop3A_86] {strides = array<i32>} : memref<64x512xf32, #tpu.memory_space<vmem>>, vector<16xf32>,
      %parallel_loop3A_88 = tpu.bitcast %parallel_loop3A_87 : vector<16xf32> -> vector<16xi32>
      %parallel_loop3A_89 = arith.constant 18 : i32
      %parallel_loop3A_90 = vector.broadcast %parallel_loop3A_89 : i32 to vector<16xi32>
      %parallel_loop3A_91 = arith.shrui %parallel_loop3A_88, %parallel_loop3A_90 : vector<16xi32>
      tpu.vector_store_idx %arg6[%parallel_loop3A_91], %broadcast_in_dim3A_3 {add = true} : memref<16384xf32, #tpu.memory_space<vmem>>[vector<16xi32>], vector<16xf32>,
      tpu.vector_store_idx %arg7[%parallel_loop3A_91], %parallel_loop3A_87 {add = true} : memref<16384xf32, #tpu.memory_space<vmem>>[vector<16xi32>], vector<16xf32>,
      %parallel_loop3A_92 = arith.index_cast %parallel_loop3A_14 : i32 to index
      %parallel_loop3A_93 = arith.constant 176 : index
      %parallel_loop3A_94 = tpu.vector_load %arg5[%parallel_loop3A_92, %parallel_loop3A_93] {strides = array<i32>} : memref<64x512xf32, #tpu.memory_space<vmem>>, vector<16xf32>,
      %parallel_loop3A_95 = tpu.bitcast %parallel_loop3A_94 : vector<16xf32> -> vector<16xi32>
      %parallel_loop3A_96 = arith.constant 18 : i32
      %parallel_loop3A_97 = vector.broadcast %parallel_loop3A_96 : i32 to vector<16xi32>
      %parallel_loop3A_98 = arith.shrui %parallel_loop3A_95, %parallel_loop3A_97 : vector<16xi32>
      tpu.vector_store_idx %arg6[%parallel_loop3A_98], %broadcast_in_dim3A_3 {add = true} : memref<16384xf32, #tpu.memory_space<vmem>>[vector<16xi32>], vector<16xf32>,
      tpu.vector_store_idx %arg7[%parallel_loop3A_98], %parallel_loop3A_94 {add = true} : memref<16384xf32, #tpu.memory_space<vmem>>[vector<16xi32>], vector<16xf32>,
      %parallel_loop3A_99 = arith.index_cast %parallel_loop3A_14 : i32 to index
      %parallel_loop3A_100 = arith.constant 192 : index
      %parallel_loop3A_101 = tpu.vector_load %arg5[%parallel_loop3A_99, %parallel_loop3A_100] {strides = array<i32>} : memref<64x512xf32, #tpu.memory_space<vmem>>, vector<16xf32>,
      %parallel_loop3A_102 = tpu.bitcast %parallel_loop3A_101 : vector<16xf32> -> vector<16xi32>
      %parallel_loop3A_103 = arith.constant 18 : i32
      %parallel_loop3A_104 = vector.broadcast %parallel_loop3A_103 : i32 to vector<16xi32>
      %parallel_loop3A_105 = arith.shrui %parallel_loop3A_102, %parallel_loop3A_104 : vector<16xi32>
      tpu.vector_store_idx %arg6[%parallel_loop3A_105], %broadcast_in_dim3A_3 {add = true} : memref<16384xf32, #tpu.memory_space<vmem>>[vector<16xi32>], vector<16xf32>,
      tpu.vector_store_idx %arg7[%parallel_loop3A_105], %parallel_loop3A_101 {add = true} : memref<16384xf32, #tpu.memory_space<vmem>>[vector<16xi32>], vector<16xf32>,
      %parallel_loop3A_106 = arith.index_cast %parallel_loop3A_14 : i32 to index
      %parallel_loop3A_107 = arith.constant 208 : index
      %parallel_loop3A_108 = tpu.vector_load %arg5[%parallel_loop3A_106, %parallel_loop3A_107] {strides = array<i32>} : memref<64x512xf32, #tpu.memory_space<vmem>>, vector<16xf32>,
      %parallel_loop3A_109 = tpu.bitcast %parallel_loop3A_108 : vector<16xf32> -> vector<16xi32>
      %parallel_loop3A_110 = arith.constant 18 : i32
      %parallel_loop3A_111 = vector.broadcast %parallel_loop3A_110 : i32 to vector<16xi32>
      %parallel_loop3A_112 = arith.shrui %parallel_loop3A_109, %parallel_loop3A_111 : vector<16xi32>
      tpu.vector_store_idx %arg6[%parallel_loop3A_112], %broadcast_in_dim3A_3 {add = true} : memref<16384xf32, #tpu.memory_space<vmem>>[vector<16xi32>], vector<16xf32>,
      tpu.vector_store_idx %arg7[%parallel_loop3A_112], %parallel_loop3A_108 {add = true} : memref<16384xf32, #tpu.memory_space<vmem>>[vector<16xi32>], vector<16xf32>,
      %parallel_loop3A_113 = arith.index_cast %parallel_loop3A_14 : i32 to index
      %parallel_loop3A_114 = arith.constant 224 : index
      %parallel_loop3A_115 = tpu.vector_load %arg5[%parallel_loop3A_113, %parallel_loop3A_114] {strides = array<i32>} : memref<64x512xf32, #tpu.memory_space<vmem>>, vector<16xf32>,
      %parallel_loop3A_116 = tpu.bitcast %parallel_loop3A_115 : vector<16xf32> -> vector<16xi32>
      %parallel_loop3A_117 = arith.constant 18 : i32
      %parallel_loop3A_118 = vector.broadcast %parallel_loop3A_117 : i32 to vector<16xi32>
      %parallel_loop3A_119 = arith.shrui %parallel_loop3A_116, %parallel_loop3A_118 : vector<16xi32>
      tpu.vector_store_idx %arg6[%parallel_loop3A_119], %broadcast_in_dim3A_3 {add = true} : memref<16384xf32, #tpu.memory_space<vmem>>[vector<16xi32>], vector<16xf32>,
      tpu.vector_store_idx %arg7[%parallel_loop3A_119], %parallel_loop3A_115 {add = true} : memref<16384xf32, #tpu.memory_space<vmem>>[vector<16xi32>], vector<16xf32>,
      %parallel_loop3A_120 = arith.index_cast %parallel_loop3A_14 : i32 to index
      %parallel_loop3A_121 = arith.constant 240 : index
      %parallel_loop3A_122 = tpu.vector_load %arg5[%parallel_loop3A_120, %parallel_loop3A_121] {strides = array<i32>} : memref<64x512xf32, #tpu.memory_space<vmem>>, vector<16xf32>,
      %parallel_loop3A_123 = tpu.bitcast %parallel_loop3A_122 : vector<16xf32> -> vector<16xi32>
      %parallel_loop3A_124 = arith.constant 18 : i32
      %parallel_loop3A_125 = vector.broadcast %parallel_loop3A_124 : i32 to vector<16xi32>
      %parallel_loop3A_126 = arith.shrui %parallel_loop3A_123, %parallel_loop3A_125 : vector<16xi32>
      tpu.vector_store_idx %arg6[%parallel_loop3A_126], %broadcast_in_dim3A_3 {add = true} : memref<16384xf32, #tpu.memory_space<vmem>>[vector<16xi32>], vector<16xf32>,
      tpu.vector_store_idx %arg7[%parallel_loop3A_126], %parallel_loop3A_122 {add = true} : memref<16384xf32, #tpu.memory_space<vmem>>[vector<16xi32>], vector<16xf32>,
      %parallel_loop3A_127 = arith.index_cast %parallel_loop3A_14 : i32 to index
      %parallel_loop3A_128 = arith.constant 256 : index
      %parallel_loop3A_129 = tpu.vector_load %arg5[%parallel_loop3A_127, %parallel_loop3A_128] {strides = array<i32>} : memref<64x512xf32, #tpu.memory_space<vmem>>, vector<16xf32>,
      %parallel_loop3A_130 = tpu.bitcast %parallel_loop3A_129 : vector<16xf32> -> vector<16xi32>
      %parallel_loop3A_131 = arith.constant 18 : i32
      %parallel_loop3A_132 = vector.broadcast %parallel_loop3A_131 : i32 to vector<16xi32>
      %parallel_loop3A_133 = arith.shrui %parallel_loop3A_130, %parallel_loop3A_132 : vector<16xi32>
      tpu.vector_store_idx %arg6[%parallel_loop3A_133], %broadcast_in_dim3A_3 {add = true} : memref<16384xf32, #tpu.memory_space<vmem>>[vector<16xi32>], vector<16xf32>,
      tpu.vector_store_idx %arg7[%parallel_loop3A_133], %parallel_loop3A_129 {add = true} : memref<16384xf32, #tpu.memory_space<vmem>>[vector<16xi32>], vector<16xf32>,
      %parallel_loop3A_134 = arith.index_cast %parallel_loop3A_14 : i32 to index
      %parallel_loop3A_135 = arith.constant 272 : index
      %parallel_loop3A_136 = tpu.vector_load %arg5[%parallel_loop3A_134, %parallel_loop3A_135] {strides = array<i32>} : memref<64x512xf32, #tpu.memory_space<vmem>>, vector<16xf32>,
      %parallel_loop3A_137 = tpu.bitcast %parallel_loop3A_136 : vector<16xf32> -> vector<16xi32>
      %parallel_loop3A_138 = arith.constant 18 : i32
      %parallel_loop3A_139 = vector.broadcast %parallel_loop3A_138 : i32 to vector<16xi32>
      %parallel_loop3A_140 = arith.shrui %parallel_loop3A_137, %parallel_loop3A_139 : vector<16xi32>
      tpu.vector_store_idx %arg6[%parallel_loop3A_140], %broadcast_in_dim3A_3 {add = true} : memref<16384xf32, #tpu.memory_space<vmem>>[vector<16xi32>], vector<16xf32>,
      tpu.vector_store_idx %arg7[%parallel_loop3A_140], %parallel_loop3A_136 {add = true} : memref<16384xf32, #tpu.memory_space<vmem>>[vector<16xi32>], vector<16xf32>,
      %parallel_loop3A_141 = arith.index_cast %parallel_loop3A_14 : i32 to index
      %parallel_loop3A_142 = arith.constant 288 : index
      %parallel_loop3A_143 = tpu.vector_load %arg5[%parallel_loop3A_141, %parallel_loop3A_142] {strides = array<i32>} : memref<64x512xf32, #tpu.memory_space<vmem>>, vector<16xf32>,
      %parallel_loop3A_144 = tpu.bitcast %parallel_loop3A_143 : vector<16xf32> -> vector<16xi32>
      %parallel_loop3A_145 = arith.constant 18 : i32
      %parallel_loop3A_146 = vector.broadcast %parallel_loop3A_145 : i32 to vector<16xi32>
      %parallel_loop3A_147 = arith.shrui %parallel_loop3A_144, %parallel_loop3A_146 : vector<16xi32>
      tpu.vector_store_idx %arg6[%parallel_loop3A_147], %broadcast_in_dim3A_3 {add = true} : memref<16384xf32, #tpu.memory_space<vmem>>[vector<16xi32>], vector<16xf32>,
      tpu.vector_store_idx %arg7[%parallel_loop3A_147], %parallel_loop3A_143 {add = true} : memref<16384xf32, #tpu.memory_space<vmem>>[vector<16xi32>], vector<16xf32>,
      %parallel_loop3A_148 = arith.index_cast %parallel_loop3A_14 : i32 to index
      %parallel_loop3A_149 = arith.constant 304 : index
      %parallel_loop3A_150 = tpu.vector_load %arg5[%parallel_loop3A_148, %parallel_loop3A_149] {strides = array<i32>} : memref<64x512xf32, #tpu.memory_space<vmem>>, vector<16xf32>,
      %parallel_loop3A_151 = tpu.bitcast %parallel_loop3A_150 : vector<16xf32> -> vector<16xi32>
      %parallel_loop3A_152 = arith.constant 18 : i32
      %parallel_loop3A_153 = vector.broadcast %parallel_loop3A_152 : i32 to vector<16xi32>
      %parallel_loop3A_154 = arith.shrui %parallel_loop3A_151, %parallel_loop3A_153 : vector<16xi32>
      tpu.vector_store_idx %arg6[%parallel_loop3A_154], %broadcast_in_dim3A_3 {add = true} : memref<16384xf32, #tpu.memory_space<vmem>>[vector<16xi32>], vector<16xf32>,
      tpu.vector_store_idx %arg7[%parallel_loop3A_154], %parallel_loop3A_150 {add = true} : memref<16384xf32, #tpu.memory_space<vmem>>[vector<16xi32>], vector<16xf32>,
      %parallel_loop3A_155 = arith.index_cast %parallel_loop3A_14 : i32 to index
      %parallel_loop3A_156 = arith.constant 320 : index
      %parallel_loop3A_157 = tpu.vector_load %arg5[%parallel_loop3A_155, %parallel_loop3A_156] {strides = array<i32>} : memref<64x512xf32, #tpu.memory_space<vmem>>, vector<16xf32>,
      %parallel_loop3A_158 = tpu.bitcast %parallel_loop3A_157 : vector<16xf32> -> vector<16xi32>
      %parallel_loop3A_159 = arith.constant 18 : i32
      %parallel_loop3A_160 = vector.broadcast %parallel_loop3A_159 : i32 to vector<16xi32>
      %parallel_loop3A_161 = arith.shrui %parallel_loop3A_158, %parallel_loop3A_160 : vector<16xi32>
      tpu.vector_store_idx %arg6[%parallel_loop3A_161], %broadcast_in_dim3A_3 {add = true} : memref<16384xf32, #tpu.memory_space<vmem>>[vector<16xi32>], vector<16xf32>,
      tpu.vector_store_idx %arg7[%parallel_loop3A_161], %parallel_loop3A_157 {add = true} : memref<16384xf32, #tpu.memory_space<vmem>>[vector<16xi32>], vector<16xf32>,
      %parallel_loop3A_162 = arith.index_cast %parallel_loop3A_14 : i32 to index
      %parallel_loop3A_163 = arith.constant 336 : index
      %parallel_loop3A_164 = tpu.vector_load %arg5[%parallel_loop3A_162, %parallel_loop3A_163] {strides = array<i32>} : memref<64x512xf32, #tpu.memory_space<vmem>>, vector<16xf32>,
      %parallel_loop3A_165 = tpu.bitcast %parallel_loop3A_164 : vector<16xf32> -> vector<16xi32>
      %parallel_loop3A_166 = arith.constant 18 : i32
      %parallel_loop3A_167 = vector.broadcast %parallel_loop3A_166 : i32 to vector<16xi32>
      %parallel_loop3A_168 = arith.shrui %parallel_loop3A_165, %parallel_loop3A_167 : vector<16xi32>
      tpu.vector_store_idx %arg6[%parallel_loop3A_168], %broadcast_in_dim3A_3 {add = true} : memref<16384xf32, #tpu.memory_space<vmem>>[vector<16xi32>], vector<16xf32>,
      tpu.vector_store_idx %arg7[%parallel_loop3A_168], %parallel_loop3A_164 {add = true} : memref<16384xf32, #tpu.memory_space<vmem>>[vector<16xi32>], vector<16xf32>,
      %parallel_loop3A_169 = arith.index_cast %parallel_loop3A_14 : i32 to index
      %parallel_loop3A_170 = arith.constant 352 : index
      %parallel_loop3A_171 = tpu.vector_load %arg5[%parallel_loop3A_169, %parallel_loop3A_170] {strides = array<i32>} : memref<64x512xf32, #tpu.memory_space<vmem>>, vector<16xf32>,
      %parallel_loop3A_172 = tpu.bitcast %parallel_loop3A_171 : vector<16xf32> -> vector<16xi32>
      %parallel_loop3A_173 = arith.constant 18 : i32
      %parallel_loop3A_174 = vector.broadcast %parallel_loop3A_173 : i32 to vector<16xi32>
      %parallel_loop3A_175 = arith.shrui %parallel_loop3A_172, %parallel_loop3A_174 : vector<16xi32>
      tpu.vector_store_idx %arg6[%parallel_loop3A_175], %broadcast_in_dim3A_3 {add = true} : memref<16384xf32, #tpu.memory_space<vmem>>[vector<16xi32>], vector<16xf32>,
      tpu.vector_store_idx %arg7[%parallel_loop3A_175], %parallel_loop3A_171 {add = true} : memref<16384xf32, #tpu.memory_space<vmem>>[vector<16xi32>], vector<16xf32>,
      %parallel_loop3A_176 = arith.index_cast %parallel_loop3A_14 : i32 to index
      %parallel_loop3A_177 = arith.constant 368 : index
      %parallel_loop3A_178 = tpu.vector_load %arg5[%parallel_loop3A_176, %parallel_loop3A_177] {strides = array<i32>} : memref<64x512xf32, #tpu.memory_space<vmem>>, vector<16xf32>,
      %parallel_loop3A_179 = tpu.bitcast %parallel_loop3A_178 : vector<16xf32> -> vector<16xi32>
      %parallel_loop3A_180 = arith.constant 18 : i32
      %parallel_loop3A_181 = vector.broadcast %parallel_loop3A_180 : i32 to vector<16xi32>
      %parallel_loop3A_182 = arith.shrui %parallel_loop3A_179, %parallel_loop3A_181 : vector<16xi32>
      tpu.vector_store_idx %arg6[%parallel_loop3A_182], %broadcast_in_dim3A_3 {add = true} : memref<16384xf32, #tpu.memory_space<vmem>>[vector<16xi32>], vector<16xf32>,
      tpu.vector_store_idx %arg7[%parallel_loop3A_182], %parallel_loop3A_178 {add = true} : memref<16384xf32, #tpu.memory_space<vmem>>[vector<16xi32>], vector<16xf32>,
      %parallel_loop3A_183 = arith.index_cast %parallel_loop3A_14 : i32 to index
      %parallel_loop3A_184 = arith.constant 384 : index
      %parallel_loop3A_185 = tpu.vector_load %arg5[%parallel_loop3A_183, %parallel_loop3A_184] {strides = array<i32>} : memref<64x512xf32, #tpu.memory_space<vmem>>, vector<16xf32>,
      %parallel_loop3A_186 = tpu.bitcast %parallel_loop3A_185 : vector<16xf32> -> vector<16xi32>
      %parallel_loop3A_187 = arith.constant 18 : i32
      %parallel_loop3A_188 = vector.broadcast %parallel_loop3A_187 : i32 to vector<16xi32>
      %parallel_loop3A_189 = arith.shrui %parallel_loop3A_186, %parallel_loop3A_188 : vector<16xi32>
      tpu.vector_store_idx %arg6[%parallel_loop3A_189], %broadcast_in_dim3A_3 {add = true} : memref<16384xf32, #tpu.memory_space<vmem>>[vector<16xi32>], vector<16xf32>,
      tpu.vector_store_idx %arg7[%parallel_loop3A_189], %parallel_loop3A_185 {add = true} : memref<16384xf32, #tpu.memory_space<vmem>>[vector<16xi32>], vector<16xf32>,
      %parallel_loop3A_190 = arith.index_cast %parallel_loop3A_14 : i32 to index
      %parallel_loop3A_191 = arith.constant 400 : index
      %parallel_loop3A_192 = tpu.vector_load %arg5[%parallel_loop3A_190, %parallel_loop3A_191] {strides = array<i32>} : memref<64x512xf32, #tpu.memory_space<vmem>>, vector<16xf32>,
      %parallel_loop3A_193 = tpu.bitcast %parallel_loop3A_192 : vector<16xf32> -> vector<16xi32>
      %parallel_loop3A_194 = arith.constant 18 : i32
      %parallel_loop3A_195 = vector.broadcast %parallel_loop3A_194 : i32 to vector<16xi32>
      %parallel_loop3A_196 = arith.shrui %parallel_loop3A_193, %parallel_loop3A_195 : vector<16xi32>
      tpu.vector_store_idx %arg6[%parallel_loop3A_196], %broadcast_in_dim3A_3 {add = true} : memref<16384xf32, #tpu.memory_space<vmem>>[vector<16xi32>], vector<16xf32>,
      tpu.vector_store_idx %arg7[%parallel_loop3A_196], %parallel_loop3A_192 {add = true} : memref<16384xf32, #tpu.memory_space<vmem>>[vector<16xi32>], vector<16xf32>,
      %parallel_loop3A_197 = arith.index_cast %parallel_loop3A_14 : i32 to index
      %parallel_loop3A_198 = arith.constant 416 : index
      %parallel_loop3A_199 = tpu.vector_load %arg5[%parallel_loop3A_197, %parallel_loop3A_198] {strides = array<i32>} : memref<64x512xf32, #tpu.memory_space<vmem>>, vector<16xf32>,
      %parallel_loop3A_200 = tpu.bitcast %parallel_loop3A_199 : vector<16xf32> -> vector<16xi32>
      %parallel_loop3A_201 = arith.constant 18 : i32
      %parallel_loop3A_202 = vector.broadcast %parallel_loop3A_201 : i32 to vector<16xi32>
      %parallel_loop3A_203 = arith.shrui %parallel_loop3A_200, %parallel_loop3A_202 : vector<16xi32>
      tpu.vector_store_idx %arg6[%parallel_loop3A_203], %broadcast_in_dim3A_3 {add = true} : memref<16384xf32, #tpu.memory_space<vmem>>[vector<16xi32>], vector<16xf32>,
      tpu.vector_store_idx %arg7[%parallel_loop3A_203], %parallel_loop3A_199 {add = true} : memref<16384xf32, #tpu.memory_space<vmem>>[vector<16xi32>], vector<16xf32>,
      %parallel_loop3A_204 = arith.index_cast %parallel_loop3A_14 : i32 to index
      %parallel_loop3A_205 = arith.constant 432 : index
      %parallel_loop3A_206 = tpu.vector_load %arg5[%parallel_loop3A_204, %parallel_loop3A_205] {strides = array<i32>} : memref<64x512xf32, #tpu.memory_space<vmem>>, vector<16xf32>,
      %parallel_loop3A_207 = tpu.bitcast %parallel_loop3A_206 : vector<16xf32> -> vector<16xi32>
      %parallel_loop3A_208 = arith.constant 18 : i32
      %parallel_loop3A_209 = vector.broadcast %parallel_loop3A_208 : i32 to vector<16xi32>
      %parallel_loop3A_210 = arith.shrui %parallel_loop3A_207, %parallel_loop3A_209 : vector<16xi32>
      tpu.vector_store_idx %arg6[%parallel_loop3A_210], %broadcast_in_dim3A_3 {add = true} : memref<16384xf32, #tpu.memory_space<vmem>>[vector<16xi32>], vector<16xf32>,
      tpu.vector_store_idx %arg7[%parallel_loop3A_210], %parallel_loop3A_206 {add = true} : memref<16384xf32, #tpu.memory_space<vmem>>[vector<16xi32>], vector<16xf32>,
      %parallel_loop3A_211 = arith.index_cast %parallel_loop3A_14 : i32 to index
      %parallel_loop3A_212 = arith.constant 448 : index
      %parallel_loop3A_213 = tpu.vector_load %arg5[%parallel_loop3A_211, %parallel_loop3A_212] {strides = array<i32>} : memref<64x512xf32, #tpu.memory_space<vmem>>, vector<16xf32>,
      %parallel_loop3A_214 = tpu.bitcast %parallel_loop3A_213 : vector<16xf32> -> vector<16xi32>
      %parallel_loop3A_215 = arith.constant 18 : i32
      %parallel_loop3A_216 = vector.broadcast %parallel_loop3A_215 : i32 to vector<16xi32>
      %parallel_loop3A_217 = arith.shrui %parallel_loop3A_214, %parallel_loop3A_216 : vector<16xi32>
      tpu.vector_store_idx %arg6[%parallel_loop3A_217], %broadcast_in_dim3A_3 {add = true} : memref<16384xf32, #tpu.memory_space<vmem>>[vector<16xi32>], vector<16xf32>,
      tpu.vector_store_idx %arg7[%parallel_loop3A_217], %parallel_loop3A_213 {add = true} : memref<16384xf32, #tpu.memory_space<vmem>>[vector<16xi32>], vector<16xf32>,
      %parallel_loop3A_218 = arith.index_cast %parallel_loop3A_14 : i32 to index
      %parallel_loop3A_219 = arith.constant 464 : index
      %parallel_loop3A_220 = tpu.vector_load %arg5[%parallel_loop3A_218, %parallel_loop3A_219] {strides = array<i32>} : memref<64x512xf32, #tpu.memory_space<vmem>>, vector<16xf32>,
      %parallel_loop3A_221 = tpu.bitcast %parallel_loop3A_220 : vector<16xf32> -> vector<16xi32>
      %parallel_loop3A_222 = arith.constant 18 : i32
      %parallel_loop3A_223 = vector.broadcast %parallel_loop3A_222 : i32 to vector<16xi32>
      %parallel_loop3A_224 = arith.shrui %parallel_loop3A_221, %parallel_loop3A_223 : vector<16xi32>
      tpu.vector_store_idx %arg6[%parallel_loop3A_224], %broadcast_in_dim3A_3 {add = true} : memref<16384xf32, #tpu.memory_space<vmem>>[vector<16xi32>], vector<16xf32>,
      tpu.vector_store_idx %arg7[%parallel_loop3A_224], %parallel_loop3A_220 {add = true} : memref<16384xf32, #tpu.memory_space<vmem>>[vector<16xi32>], vector<16xf32>,
      %parallel_loop3A_225 = arith.index_cast %parallel_loop3A_14 : i32 to index
      %parallel_loop3A_226 = arith.constant 480 : index
      %parallel_loop3A_227 = tpu.vector_load %arg5[%parallel_loop3A_225, %parallel_loop3A_226] {strides = array<i32>} : memref<64x512xf32, #tpu.memory_space<vmem>>, vector<16xf32>,
      %parallel_loop3A_228 = tpu.bitcast %parallel_loop3A_227 : vector<16xf32> -> vector<16xi32>
      %parallel_loop3A_229 = arith.constant 18 : i32
      %parallel_loop3A_230 = vector.broadcast %parallel_loop3A_229 : i32 to vector<16xi32>
      %parallel_loop3A_231 = arith.shrui %parallel_loop3A_228, %parallel_loop3A_230 : vector<16xi32>
      tpu.vector_store_idx %arg6[%parallel_loop3A_231], %broadcast_in_dim3A_3 {add = true} : memref<16384xf32, #tpu.memory_space<vmem>>[vector<16xi32>], vector<16xf32>,
      tpu.vector_store_idx %arg7[%parallel_loop3A_231], %parallel_loop3A_227 {add = true} : memref<16384xf32, #tpu.memory_space<vmem>>[vector<16xi32>], vector<16xf32>,
      %parallel_loop3A_232 = arith.index_cast %parallel_loop3A_14 : i32 to index
      %parallel_loop3A_233 = arith.constant 496 : index
      %parallel_loop3A_234 = tpu.vector_load %arg5[%parallel_loop3A_232, %parallel_loop3A_233] {strides = array<i32>} : memref<64x512xf32, #tpu.memory_space<vmem>>, vector<16xf32>,
      %parallel_loop3A_235 = tpu.bitcast %parallel_loop3A_234 : vector<16xf32> -> vector<16xi32>
      %parallel_loop3A_236 = arith.constant 18 : i32
      %parallel_loop3A_237 = vector.broadcast %parallel_loop3A_236 : i32 to vector<16xi32>
      %parallel_loop3A_238 = arith.shrui %parallel_loop3A_235, %parallel_loop3A_237 : vector<16xi32>
      tpu.vector_store_idx %arg6[%parallel_loop3A_238], %broadcast_in_dim3A_3 {add = true} : memref<16384xf32, #tpu.memory_space<vmem>>[vector<16xi32>], vector<16xf32>,
      tpu.vector_store_idx %arg7[%parallel_loop3A_238], %parallel_loop3A_234 {add = true} : memref<16384xf32, #tpu.memory_space<vmem>>[vector<16xi32>], vector<16xf32>,
    } {sc.loop_unroll_factor = 2 : i64, sc.parallel_access}
    "tpu.region"() ({
      %run_scoped3A = tpu.sem_alloc : memref<!tpu.dma_semaphore, #tpu.memory_space<semaphore_mem>>
      %dma_start3A = arith.constant 0 : i32
      %dma_start3A_14 = tpu.memref_slice %arg3[%add3A, %dma_start3A] : memref<32x16384xf32, #tpu.memory_space<hbm>> -> memref<1x16384xf32, #tpu.memory_space<hbm>>
      %dma_start3A_15 = tpu.memref_squeeze %dma_start3A_14 : memref<1x16384xf32, #tpu.memory_space<hbm>> -> memref<16384xf32, #tpu.memory_space<hbm>>
      %dma_start3A_16 = arith.constant 0 : i32
      %dma_start3A_17 = tpu.memref_slice %arg3[%add3A, %dma_start3A_16] : memref<32x16384xf32, #tpu.memory_space<hbm>> -> memref<1x16384xf32, #tpu.memory_space<hbm>>
      %dma_start3A_18 = tpu.memref_squeeze %dma_start3A_17 : memref<1x16384xf32, #tpu.memory_space<hbm>> -> memref<16384xf32, #tpu.memory_space<hbm>>
      tpu.enqueue_dma source(%arg6 : memref<16384xf32, #tpu.memory_space<vmem>>) target(%dma_start3A_18 : memref<16384xf32, #tpu.memory_space<hbm>>) target_semaphore(%run_scoped3A : memref<!tpu.dma_semaphore, #tpu.memory_space<semaphore_mem>>)
      %dma_wait3A = arith.constant 0 : i32
      %dma_wait3A_19 = tpu.memref_slice %arg3[%add3A, %dma_wait3A] : memref<32x16384xf32, #tpu.memory_space<hbm>> -> memref<1x16384xf32, #tpu.memory_space<hbm>>
      %dma_wait3A_20 = tpu.memref_squeeze %dma_wait3A_19 : memref<1x16384xf32, #tpu.memory_space<hbm>> -> memref<16384xf32, #tpu.memory_space<hbm>>
      %dma_wait3A_21 = arith.constant 0 : i32
      %dma_wait3A_22 = tpu.memref_slice %arg3[%add3A, %dma_wait3A_21] : memref<32x16384xf32, #tpu.memory_space<hbm>> -> memref<1x16384xf32, #tpu.memory_space<hbm>>
      %dma_wait3A_23 = tpu.memref_squeeze %dma_wait3A_22 : memref<1x16384xf32, #tpu.memory_space<hbm>> -> memref<16384xf32, #tpu.memory_space<hbm>>
      tpu.wait_dma2 semaphore(%run_scoped3A : memref<!tpu.dma_semaphore, #tpu.memory_space<semaphore_mem>>) src(%arg6 : memref<16384xf32, #tpu.memory_space<vmem>>) dst(%dma_wait3A_23 : memref<16384xf32, #tpu.memory_space<hbm>>)
      tpu.yield
    }) : () -> ()
    "tpu.region"() ({
      %run_scoped3A = tpu.sem_alloc : memref<!tpu.dma_semaphore, #tpu.memory_space<semaphore_mem>>
      %dma_start3A = arith.constant 0 : i32
      %dma_start3A_14 = tpu.memref_slice %arg4[%add3A, %dma_start3A] : memref<32x16384xf32, #tpu.memory_space<hbm>> -> memref<1x16384xf32, #tpu.memory_space<hbm>>
      %dma_start3A_15 = tpu.memref_squeeze %dma_start3A_14 : memref<1x16384xf32, #tpu.memory_space<hbm>> -> memref<16384xf32, #tpu.memory_space<hbm>>
      %dma_start3A_16 = arith.constant 0 : i32
      %dma_start3A_17 = tpu.memref_slice %arg4[%add3A, %dma_start3A_16] : memref<32x16384xf32, #tpu.memory_space<hbm>> -> memref<1x16384xf32, #tpu.memory_space<hbm>>
      %dma_start3A_18 = tpu.memref_squeeze %dma_start3A_17 : memref<1x16384xf32, #tpu.memory_space<hbm>> -> memref<16384xf32, #tpu.memory_space<hbm>>
      tpu.enqueue_dma source(%arg7 : memref<16384xf32, #tpu.memory_space<vmem>>) target(%dma_start3A_18 : memref<16384xf32, #tpu.memory_space<hbm>>) target_semaphore(%run_scoped3A : memref<!tpu.dma_semaphore, #tpu.memory_space<semaphore_mem>>)
      %dma_wait3A = arith.constant 0 : i32
      %dma_wait3A_19 = tpu.memref_slice %arg4[%add3A, %dma_wait3A] : memref<32x16384xf32, #tpu.memory_space<hbm>> -> memref<1x16384xf32, #tpu.memory_space<hbm>>
      %dma_wait3A_20 = tpu.memref_squeeze %dma_wait3A_19 : memref<1x16384xf32, #tpu.memory_space<hbm>> -> memref<16384xf32, #tpu.memory_space<hbm>>
      %dma_wait3A_21 = arith.constant 0 : i32
      %dma_wait3A_22 = tpu.memref_slice %arg4[%add3A, %dma_wait3A_21] : memref<32x16384xf32, #tpu.memory_space<hbm>> -> memref<1x16384xf32, #tpu.memory_space<hbm>>
      %dma_wait3A_23 = tpu.memref_squeeze %dma_wait3A_22 : memref<1x16384xf32, #tpu.memory_space<hbm>> -> memref<16384xf32, #tpu.memory_space<hbm>>
      tpu.wait_dma2 semaphore(%run_scoped3A : memref<!tpu.dma_semaphore, #tpu.memory_space<semaphore_mem>>) src(%arg7 : memref<16384xf32, #tpu.memory_space<vmem>>) dst(%dma_wait3A_23 : memref<16384xf32, #tpu.memory_space<hbm>>)
      tpu.yield
    }) : () -> ()
    return
  }
}

#map = affine_map<(d0, d1) -> (0, 0)>
module attributes {stable_mosaic.version = 14 : i64} {
  func.func @_hist_body(%arg0: i32, %arg1: i32, %arg2: memref<2048x512xf32, #tpu.memory_space<hbm>>, %arg3: memref<32x16384xf32, #tpu.memory_space<hbm>>, %arg4: memref<32x16384xf32, #tpu.memory_space<hbm>>, %arg5: memref<64x512xf32, #tpu.memory_space<vmem>>, %arg6: memref<16384xf32, #tpu.memory_space<vmem>>, %arg7: memref<16384xf32, #tpu.memory_space<vmem>>) attributes {dimension_semantics = [#tpu.dimension_semantics<core_parallel>, #tpu.dimension_semantics<subcore_parallel>], iteration_bounds = array<i64: 2, 16>, scalar_prefetch = 0 : i64, scratch_operands = 3 : i64, tpu.core_type = #tpu.core_type<sc_vector_subcore>, window_params = [{transform_indices = #map}, {transform_indices = #map}, {transform_indices = #map}]} {
    %mul3A = arith.constant 2 : i32
    %mul3A_0 = arith.muli %arg1, %mul3A : i32
    %add3A = arith.addi %mul3A_0, %arg0 : i32
    %broadcast_in_dim3A = arith.constant 0.000000e+00 : f32
    %broadcast_in_dim3A_1 = vector.broadcast %broadcast_in_dim3A : f32 to vector<16xf32>
    %broadcast_in_dim3A_2 = arith.constant 1.000000e+00 : f32
    %broadcast_in_dim3A_3 = vector.broadcast %broadcast_in_dim3A_2 : f32 to vector<16xf32>
    %scan3A = arith.constant 0 : i32
    %scan3A_4 = arith.constant 0 : i32
    %scan3A_5 = arith.constant 1024 : i32
    %scan3A_6 = arith.addi %scan3A_4, %scan3A_5 : i32
    %scan3A_7 = arith.constant 1 : i32
    %scan3A_8 = scf.for %scan3A_14 = %scan3A_4 to %scan3A_6 step %scan3A_7 iter_args(%scan3A_15 = %scan3A) -> (i32)  : i32 {
      %mul3A_16 = arith.constant 16 : i32
      %mul3A_17 = arith.muli %scan3A_14, %mul3A_16 : i32
      %swap3A = arith.index_cast %mul3A_17 : i32 to index
      %swap3A_18 = tpu.vector_load %arg6[%swap3A] {strides = array<i32>} : memref<16384xf32, #tpu.memory_space<vmem>>, vector<16xf32>,
      tpu.vector_store %arg6[%swap3A], %broadcast_in_dim3A_1 {strides = array<i32>} : memref<16384xf32, #tpu.memory_space<vmem>>, vector<16xf32>,
      %mul3A_19 = arith.constant 16 : i32
      %mul3A_20 = arith.muli %scan3A_14, %mul3A_19 : i32
      %swap3A_21 = arith.index_cast %mul3A_20 : i32 to index
      %swap3A_22 = tpu.vector_load %arg7[%swap3A_21] {strides = array<i32>} : memref<16384xf32, #tpu.memory_space<vmem>>, vector<16xf32>,
      tpu.vector_store %arg7[%swap3A_21], %broadcast_in_dim3A_1 {strides = array<i32>} : memref<16384xf32, #tpu.memory_space<vmem>>, vector<16xf32>,
      %scan3A_23 = arith.constant 0 : i32
      scf.yield %scan3A_23 : i32
    }
    %scan3A_9 = arith.constant 1024 : i32
    %mul3A_10 = arith.constant 64 : i32
    %mul3A_11 = arith.muli %add3A, %mul3A_10 : i32
    "tpu.region"() ({
      %run_scoped3A = tpu.sem_alloc : memref<!tpu.dma_semaphore, #tpu.memory_space<semaphore_mem>>
      %dma_start3A = arith.constant 0 : i32
      %dma_start3A_14 = tpu.memref_slice %arg2[%mul3A_11, %dma_start3A] : memref<2048x512xf32, #tpu.memory_space<hbm>> -> memref<64x512xf32, #tpu.memory_space<hbm>>
      %dma_start3A_15 = arith.constant 0 : i32
      %dma_start3A_16 = tpu.memref_slice %arg2[%mul3A_11, %dma_start3A_15] : memref<2048x512xf32, #tpu.memory_space<hbm>> -> memref<64x512xf32, #tpu.memory_space<hbm>>
      tpu.enqueue_dma source(%dma_start3A_16 : memref<64x512xf32, #tpu.memory_space<hbm>>) target(%arg5 : memref<64x512xf32, #tpu.memory_space<vmem>>) target_semaphore(%run_scoped3A : memref<!tpu.dma_semaphore, #tpu.memory_space<semaphore_mem>>)
      %dma_wait3A = arith.constant 0 : i32
      %dma_wait3A_17 = tpu.memref_slice %arg2[%mul3A_11, %dma_wait3A] : memref<2048x512xf32, #tpu.memory_space<hbm>> -> memref<64x512xf32, #tpu.memory_space<hbm>>
      %dma_wait3A_18 = arith.constant 0 : i32
      %dma_wait3A_19 = tpu.memref_slice %arg2[%mul3A_11, %dma_wait3A_18] : memref<2048x512xf32, #tpu.memory_space<hbm>> -> memref<64x512xf32, #tpu.memory_space<hbm>>
      tpu.wait_dma2 semaphore(%run_scoped3A : memref<!tpu.dma_semaphore, #tpu.memory_space<semaphore_mem>>) src(%dma_wait3A_19 : memref<64x512xf32, #tpu.memory_space<hbm>>) dst(%arg5 : memref<64x512xf32, #tpu.memory_space<vmem>>)
      tpu.yield
    }) : () -> ()
    %parallel_loop3A = arith.constant 0 : i32
    %parallel_loop3A_12 = arith.constant 64 : i32
    %parallel_loop3A_13 = arith.constant 1 : i32
    scf.for %parallel_loop3A_14 = %parallel_loop3A to %parallel_loop3A_12 step %parallel_loop3A_13  : i32 {
      %parallel_loop3A_15 = arith.index_cast %parallel_loop3A_14 : i32 to index
      %parallel_loop3A_16 = arith.constant 0 : index
      %parallel_loop3A_17 = tpu.vector_load %arg5[%parallel_loop3A_15, %parallel_loop3A_16] {strides = array<i32>} : memref<64x512xf32, #tpu.memory_space<vmem>>, vector<16xf32>,
      %parallel_loop3A_18 = tpu.bitcast %parallel_loop3A_17 : vector<16xf32> -> vector<16xi32>
      %parallel_loop3A_19 = arith.constant 18 : i32
      %parallel_loop3A_20 = vector.broadcast %parallel_loop3A_19 : i32 to vector<16xi32>
      %parallel_loop3A_21 = arith.shrui %parallel_loop3A_18, %parallel_loop3A_20 : vector<16xi32>
      tpu.vector_store_idx %arg6[%parallel_loop3A_21], %broadcast_in_dim3A_3 {add = true} : memref<16384xf32, #tpu.memory_space<vmem>>[vector<16xi32>], vector<16xf32>,
      tpu.vector_store_idx %arg7[%parallel_loop3A_21], %parallel_loop3A_17 {add = true} : memref<16384xf32, #tpu.memory_space<vmem>>[vector<16xi32>], vector<16xf32>,
      %parallel_loop3A_22 = arith.index_cast %parallel_loop3A_14 : i32 to index
      %parallel_loop3A_23 = arith.constant 16 : index
      %parallel_loop3A_24 = tpu.vector_load %arg5[%parallel_loop3A_22, %parallel_loop3A_23] {strides = array<i32>} : memref<64x512xf32, #tpu.memory_space<vmem>>, vector<16xf32>,
      %parallel_loop3A_25 = tpu.bitcast %parallel_loop3A_24 : vector<16xf32> -> vector<16xi32>
      %parallel_loop3A_26 = arith.constant 18 : i32
      %parallel_loop3A_27 = vector.broadcast %parallel_loop3A_26 : i32 to vector<16xi32>
      %parallel_loop3A_28 = arith.shrui %parallel_loop3A_25, %parallel_loop3A_27 : vector<16xi32>
      tpu.vector_store_idx %arg6[%parallel_loop3A_28], %broadcast_in_dim3A_3 {add = true} : memref<16384xf32, #tpu.memory_space<vmem>>[vector<16xi32>], vector<16xf32>,
      tpu.vector_store_idx %arg7[%parallel_loop3A_28], %parallel_loop3A_24 {add = true} : memref<16384xf32, #tpu.memory_space<vmem>>[vector<16xi32>], vector<16xf32>,
      %parallel_loop3A_29 = arith.index_cast %parallel_loop3A_14 : i32 to index
      %parallel_loop3A_30 = arith.constant 32 : index
      %parallel_loop3A_31 = tpu.vector_load %arg5[%parallel_loop3A_29, %parallel_loop3A_30] {strides = array<i32>} : memref<64x512xf32, #tpu.memory_space<vmem>>, vector<16xf32>,
      %parallel_loop3A_32 = tpu.bitcast %parallel_loop3A_31 : vector<16xf32> -> vector<16xi32>
      %parallel_loop3A_33 = arith.constant 18 : i32
      %parallel_loop3A_34 = vector.broadcast %parallel_loop3A_33 : i32 to vector<16xi32>
      %parallel_loop3A_35 = arith.shrui %parallel_loop3A_32, %parallel_loop3A_34 : vector<16xi32>
      tpu.vector_store_idx %arg6[%parallel_loop3A_35], %broadcast_in_dim3A_3 {add = true} : memref<16384xf32, #tpu.memory_space<vmem>>[vector<16xi32>], vector<16xf32>,
      tpu.vector_store_idx %arg7[%parallel_loop3A_35], %parallel_loop3A_31 {add = true} : memref<16384xf32, #tpu.memory_space<vmem>>[vector<16xi32>], vector<16xf32>,
      %parallel_loop3A_36 = arith.index_cast %parallel_loop3A_14 : i32 to index
      %parallel_loop3A_37 = arith.constant 48 : index
      %parallel_loop3A_38 = tpu.vector_load %arg5[%parallel_loop3A_36, %parallel_loop3A_37] {strides = array<i32>} : memref<64x512xf32, #tpu.memory_space<vmem>>, vector<16xf32>,
      %parallel_loop3A_39 = tpu.bitcast %parallel_loop3A_38 : vector<16xf32> -> vector<16xi32>
      %parallel_loop3A_40 = arith.constant 18 : i32
      %parallel_loop3A_41 = vector.broadcast %parallel_loop3A_40 : i32 to vector<16xi32>
      %parallel_loop3A_42 = arith.shrui %parallel_loop3A_39, %parallel_loop3A_41 : vector<16xi32>
      tpu.vector_store_idx %arg6[%parallel_loop3A_42], %broadcast_in_dim3A_3 {add = true} : memref<16384xf32, #tpu.memory_space<vmem>>[vector<16xi32>], vector<16xf32>,
      tpu.vector_store_idx %arg7[%parallel_loop3A_42], %parallel_loop3A_38 {add = true} : memref<16384xf32, #tpu.memory_space<vmem>>[vector<16xi32>], vector<16xf32>,
      %parallel_loop3A_43 = arith.index_cast %parallel_loop3A_14 : i32 to index
      %parallel_loop3A_44 = arith.constant 64 : index
      %parallel_loop3A_45 = tpu.vector_load %arg5[%parallel_loop3A_43, %parallel_loop3A_44] {strides = array<i32>} : memref<64x512xf32, #tpu.memory_space<vmem>>, vector<16xf32>,
      %parallel_loop3A_46 = tpu.bitcast %parallel_loop3A_45 : vector<16xf32> -> vector<16xi32>
      %parallel_loop3A_47 = arith.constant 18 : i32
      %parallel_loop3A_48 = vector.broadcast %parallel_loop3A_47 : i32 to vector<16xi32>
      %parallel_loop3A_49 = arith.shrui %parallel_loop3A_46, %parallel_loop3A_48 : vector<16xi32>
      tpu.vector_store_idx %arg6[%parallel_loop3A_49], %broadcast_in_dim3A_3 {add = true} : memref<16384xf32, #tpu.memory_space<vmem>>[vector<16xi32>], vector<16xf32>,
      tpu.vector_store_idx %arg7[%parallel_loop3A_49], %parallel_loop3A_45 {add = true} : memref<16384xf32, #tpu.memory_space<vmem>>[vector<16xi32>], vector<16xf32>,
      %parallel_loop3A_50 = arith.index_cast %parallel_loop3A_14 : i32 to index
      %parallel_loop3A_51 = arith.constant 80 : index
      %parallel_loop3A_52 = tpu.vector_load %arg5[%parallel_loop3A_50, %parallel_loop3A_51] {strides = array<i32>} : memref<64x512xf32, #tpu.memory_space<vmem>>, vector<16xf32>,
      %parallel_loop3A_53 = tpu.bitcast %parallel_loop3A_52 : vector<16xf32> -> vector<16xi32>
      %parallel_loop3A_54 = arith.constant 18 : i32
      %parallel_loop3A_55 = vector.broadcast %parallel_loop3A_54 : i32 to vector<16xi32>
      %parallel_loop3A_56 = arith.shrui %parallel_loop3A_53, %parallel_loop3A_55 : vector<16xi32>
      tpu.vector_store_idx %arg6[%parallel_loop3A_56], %broadcast_in_dim3A_3 {add = true} : memref<16384xf32, #tpu.memory_space<vmem>>[vector<16xi32>], vector<16xf32>,
      tpu.vector_store_idx %arg7[%parallel_loop3A_56], %parallel_loop3A_52 {add = true} : memref<16384xf32, #tpu.memory_space<vmem>>[vector<16xi32>], vector<16xf32>,
      %parallel_loop3A_57 = arith.index_cast %parallel_loop3A_14 : i32 to index
      %parallel_loop3A_58 = arith.constant 96 : index
      %parallel_loop3A_59 = tpu.vector_load %arg5[%parallel_loop3A_57, %parallel_loop3A_58] {strides = array<i32>} : memref<64x512xf32, #tpu.memory_space<vmem>>, vector<16xf32>,
      %parallel_loop3A_60 = tpu.bitcast %parallel_loop3A_59 : vector<16xf32> -> vector<16xi32>
      %parallel_loop3A_61 = arith.constant 18 : i32
      %parallel_loop3A_62 = vector.broadcast %parallel_loop3A_61 : i32 to vector<16xi32>
      %parallel_loop3A_63 = arith.shrui %parallel_loop3A_60, %parallel_loop3A_62 : vector<16xi32>
      tpu.vector_store_idx %arg6[%parallel_loop3A_63], %broadcast_in_dim3A_3 {add = true} : memref<16384xf32, #tpu.memory_space<vmem>>[vector<16xi32>], vector<16xf32>,
      tpu.vector_store_idx %arg7[%parallel_loop3A_63], %parallel_loop3A_59 {add = true} : memref<16384xf32, #tpu.memory_space<vmem>>[vector<16xi32>], vector<16xf32>,
      %parallel_loop3A_64 = arith.index_cast %parallel_loop3A_14 : i32 to index
      %parallel_loop3A_65 = arith.constant 112 : index
      %parallel_loop3A_66 = tpu.vector_load %arg5[%parallel_loop3A_64, %parallel_loop3A_65] {strides = array<i32>} : memref<64x512xf32, #tpu.memory_space<vmem>>, vector<16xf32>,
      %parallel_loop3A_67 = tpu.bitcast %parallel_loop3A_66 : vector<16xf32> -> vector<16xi32>
      %parallel_loop3A_68 = arith.constant 18 : i32
      %parallel_loop3A_69 = vector.broadcast %parallel_loop3A_68 : i32 to vector<16xi32>
      %parallel_loop3A_70 = arith.shrui %parallel_loop3A_67, %parallel_loop3A_69 : vector<16xi32>
      tpu.vector_store_idx %arg6[%parallel_loop3A_70], %broadcast_in_dim3A_3 {add = true} : memref<16384xf32, #tpu.memory_space<vmem>>[vector<16xi32>], vector<16xf32>,
      tpu.vector_store_idx %arg7[%parallel_loop3A_70], %parallel_loop3A_66 {add = true} : memref<16384xf32, #tpu.memory_space<vmem>>[vector<16xi32>], vector<16xf32>,
      %parallel_loop3A_71 = arith.index_cast %parallel_loop3A_14 : i32 to index
      %parallel_loop3A_72 = arith.constant 128 : index
      %parallel_loop3A_73 = tpu.vector_load %arg5[%parallel_loop3A_71, %parallel_loop3A_72] {strides = array<i32>} : memref<64x512xf32, #tpu.memory_space<vmem>>, vector<16xf32>,
      %parallel_loop3A_74 = tpu.bitcast %parallel_loop3A_73 : vector<16xf32> -> vector<16xi32>
      %parallel_loop3A_75 = arith.constant 18 : i32
      %parallel_loop3A_76 = vector.broadcast %parallel_loop3A_75 : i32 to vector<16xi32>
      %parallel_loop3A_77 = arith.shrui %parallel_loop3A_74, %parallel_loop3A_76 : vector<16xi32>
      tpu.vector_store_idx %arg6[%parallel_loop3A_77], %broadcast_in_dim3A_3 {add = true} : memref<16384xf32, #tpu.memory_space<vmem>>[vector<16xi32>], vector<16xf32>,
      tpu.vector_store_idx %arg7[%parallel_loop3A_77], %parallel_loop3A_73 {add = true} : memref<16384xf32, #tpu.memory_space<vmem>>[vector<16xi32>], vector<16xf32>,
      %parallel_loop3A_78 = arith.index_cast %parallel_loop3A_14 : i32 to index
      %parallel_loop3A_79 = arith.constant 144 : index
      %parallel_loop3A_80 = tpu.vector_load %arg5[%parallel_loop3A_78, %parallel_loop3A_79] {strides = array<i32>} : memref<64x512xf32, #tpu.memory_space<vmem>>, vector<16xf32>,
      %parallel_loop3A_81 = tpu.bitcast %parallel_loop3A_80 : vector<16xf32> -> vector<16xi32>
      %parallel_loop3A_82 = arith.constant 18 : i32
      %parallel_loop3A_83 = vector.broadcast %parallel_loop3A_82 : i32 to vector<16xi32>
      %parallel_loop3A_84 = arith.shrui %parallel_loop3A_81, %parallel_loop3A_83 : vector<16xi32>
      tpu.vector_store_idx %arg6[%parallel_loop3A_84], %broadcast_in_dim3A_3 {add = true} : memref<16384xf32, #tpu.memory_space<vmem>>[vector<16xi32>], vector<16xf32>,
      tpu.vector_store_idx %arg7[%parallel_loop3A_84], %parallel_loop3A_80 {add = true} : memref<16384xf32, #tpu.memory_space<vmem>>[vector<16xi32>], vector<16xf32>,
      %parallel_loop3A_85 = arith.index_cast %parallel_loop3A_14 : i32 to index
      %parallel_loop3A_86 = arith.constant 160 : index
      %parallel_loop3A_87 = tpu.vector_load %arg5[%parallel_loop3A_85, %parallel_loop3A_86] {strides = array<i32>} : memref<64x512xf32, #tpu.memory_space<vmem>>, vector<16xf32>,
      %parallel_loop3A_88 = tpu.bitcast %parallel_loop3A_87 : vector<16xf32> -> vector<16xi32>
      %parallel_loop3A_89 = arith.constant 18 : i32
      %parallel_loop3A_90 = vector.broadcast %parallel_loop3A_89 : i32 to vector<16xi32>
      %parallel_loop3A_91 = arith.shrui %parallel_loop3A_88, %parallel_loop3A_90 : vector<16xi32>
      tpu.vector_store_idx %arg6[%parallel_loop3A_91], %broadcast_in_dim3A_3 {add = true} : memref<16384xf32, #tpu.memory_space<vmem>>[vector<16xi32>], vector<16xf32>,
      tpu.vector_store_idx %arg7[%parallel_loop3A_91], %parallel_loop3A_87 {add = true} : memref<16384xf32, #tpu.memory_space<vmem>>[vector<16xi32>], vector<16xf32>,
      %parallel_loop3A_92 = arith.index_cast %parallel_loop3A_14 : i32 to index
      %parallel_loop3A_93 = arith.constant 176 : index
      %parallel_loop3A_94 = tpu.vector_load %arg5[%parallel_loop3A_92, %parallel_loop3A_93] {strides = array<i32>} : memref<64x512xf32, #tpu.memory_space<vmem>>, vector<16xf32>,
      %parallel_loop3A_95 = tpu.bitcast %parallel_loop3A_94 : vector<16xf32> -> vector<16xi32>
      %parallel_loop3A_96 = arith.constant 18 : i32
      %parallel_loop3A_97 = vector.broadcast %parallel_loop3A_96 : i32 to vector<16xi32>
      %parallel_loop3A_98 = arith.shrui %parallel_loop3A_95, %parallel_loop3A_97 : vector<16xi32>
      tpu.vector_store_idx %arg6[%parallel_loop3A_98], %broadcast_in_dim3A_3 {add = true} : memref<16384xf32, #tpu.memory_space<vmem>>[vector<16xi32>], vector<16xf32>,
      tpu.vector_store_idx %arg7[%parallel_loop3A_98], %parallel_loop3A_94 {add = true} : memref<16384xf32, #tpu.memory_space<vmem>>[vector<16xi32>], vector<16xf32>,
      %parallel_loop3A_99 = arith.index_cast %parallel_loop3A_14 : i32 to index
      %parallel_loop3A_100 = arith.constant 192 : index
      %parallel_loop3A_101 = tpu.vector_load %arg5[%parallel_loop3A_99, %parallel_loop3A_100] {strides = array<i32>} : memref<64x512xf32, #tpu.memory_space<vmem>>, vector<16xf32>,
      %parallel_loop3A_102 = tpu.bitcast %parallel_loop3A_101 : vector<16xf32> -> vector<16xi32>
      %parallel_loop3A_103 = arith.constant 18 : i32
      %parallel_loop3A_104 = vector.broadcast %parallel_loop3A_103 : i32 to vector<16xi32>
      %parallel_loop3A_105 = arith.shrui %parallel_loop3A_102, %parallel_loop3A_104 : vector<16xi32>
      tpu.vector_store_idx %arg6[%parallel_loop3A_105], %broadcast_in_dim3A_3 {add = true} : memref<16384xf32, #tpu.memory_space<vmem>>[vector<16xi32>], vector<16xf32>,
      tpu.vector_store_idx %arg7[%parallel_loop3A_105], %parallel_loop3A_101 {add = true} : memref<16384xf32, #tpu.memory_space<vmem>>[vector<16xi32>], vector<16xf32>,
      %parallel_loop3A_106 = arith.index_cast %parallel_loop3A_14 : i32 to index
      %parallel_loop3A_107 = arith.constant 208 : index
      %parallel_loop3A_108 = tpu.vector_load %arg5[%parallel_loop3A_106, %parallel_loop3A_107] {strides = array<i32>} : memref<64x512xf32, #tpu.memory_space<vmem>>, vector<16xf32>,
      %parallel_loop3A_109 = tpu.bitcast %parallel_loop3A_108 : vector<16xf32> -> vector<16xi32>
      %parallel_loop3A_110 = arith.constant 18 : i32
      %parallel_loop3A_111 = vector.broadcast %parallel_loop3A_110 : i32 to vector<16xi32>
      %parallel_loop3A_112 = arith.shrui %parallel_loop3A_109, %parallel_loop3A_111 : vector<16xi32>
      tpu.vector_store_idx %arg6[%parallel_loop3A_112], %broadcast_in_dim3A_3 {add = true} : memref<16384xf32, #tpu.memory_space<vmem>>[vector<16xi32>], vector<16xf32>,
      tpu.vector_store_idx %arg7[%parallel_loop3A_112], %parallel_loop3A_108 {add = true} : memref<16384xf32, #tpu.memory_space<vmem>>[vector<16xi32>], vector<16xf32>,
      %parallel_loop3A_113 = arith.index_cast %parallel_loop3A_14 : i32 to index
      %parallel_loop3A_114 = arith.constant 224 : index
      %parallel_loop3A_115 = tpu.vector_load %arg5[%parallel_loop3A_113, %parallel_loop3A_114] {strides = array<i32>} : memref<64x512xf32, #tpu.memory_space<vmem>>, vector<16xf32>,
      %parallel_loop3A_116 = tpu.bitcast %parallel_loop3A_115 : vector<16xf32> -> vector<16xi32>
      %parallel_loop3A_117 = arith.constant 18 : i32
      %parallel_loop3A_118 = vector.broadcast %parallel_loop3A_117 : i32 to vector<16xi32>
      %parallel_loop3A_119 = arith.shrui %parallel_loop3A_116, %parallel_loop3A_118 : vector<16xi32>
      tpu.vector_store_idx %arg6[%parallel_loop3A_119], %broadcast_in_dim3A_3 {add = true} : memref<16384xf32, #tpu.memory_space<vmem>>[vector<16xi32>], vector<16xf32>,
      tpu.vector_store_idx %arg7[%parallel_loop3A_119], %parallel_loop3A_115 {add = true} : memref<16384xf32, #tpu.memory_space<vmem>>[vector<16xi32>], vector<16xf32>,
      %parallel_loop3A_120 = arith.index_cast %parallel_loop3A_14 : i32 to index
      %parallel_loop3A_121 = arith.constant 240 : index
      %parallel_loop3A_122 = tpu.vector_load %arg5[%parallel_loop3A_120, %parallel_loop3A_121] {strides = array<i32>} : memref<64x512xf32, #tpu.memory_space<vmem>>, vector<16xf32>,
      %parallel_loop3A_123 = tpu.bitcast %parallel_loop3A_122 : vector<16xf32> -> vector<16xi32>
      %parallel_loop3A_124 = arith.constant 18 : i32
      %parallel_loop3A_125 = vector.broadcast %parallel_loop3A_124 : i32 to vector<16xi32>
      %parallel_loop3A_126 = arith.shrui %parallel_loop3A_123, %parallel_loop3A_125 : vector<16xi32>
      tpu.vector_store_idx %arg6[%parallel_loop3A_126], %broadcast_in_dim3A_3 {add = true} : memref<16384xf32, #tpu.memory_space<vmem>>[vector<16xi32>], vector<16xf32>,
      tpu.vector_store_idx %arg7[%parallel_loop3A_126], %parallel_loop3A_122 {add = true} : memref<16384xf32, #tpu.memory_space<vmem>>[vector<16xi32>], vector<16xf32>,
      %parallel_loop3A_127 = arith.index_cast %parallel_loop3A_14 : i32 to index
      %parallel_loop3A_128 = arith.constant 256 : index
      %parallel_loop3A_129 = tpu.vector_load %arg5[%parallel_loop3A_127, %parallel_loop3A_128] {strides = array<i32>} : memref<64x512xf32, #tpu.memory_space<vmem>>, vector<16xf32>,
      %parallel_loop3A_130 = tpu.bitcast %parallel_loop3A_129 : vector<16xf32> -> vector<16xi32>
      %parallel_loop3A_131 = arith.constant 18 : i32
      %parallel_loop3A_132 = vector.broadcast %parallel_loop3A_131 : i32 to vector<16xi32>
      %parallel_loop3A_133 = arith.shrui %parallel_loop3A_130, %parallel_loop3A_132 : vector<16xi32>
      tpu.vector_store_idx %arg6[%parallel_loop3A_133], %broadcast_in_dim3A_3 {add = true} : memref<16384xf32, #tpu.memory_space<vmem>>[vector<16xi32>], vector<16xf32>,
      tpu.vector_store_idx %arg7[%parallel_loop3A_133], %parallel_loop3A_129 {add = true} : memref<16384xf32, #tpu.memory_space<vmem>>[vector<16xi32>], vector<16xf32>,
      %parallel_loop3A_134 = arith.index_cast %parallel_loop3A_14 : i32 to index
      %parallel_loop3A_135 = arith.constant 272 : index
      %parallel_loop3A_136 = tpu.vector_load %arg5[%parallel_loop3A_134, %parallel_loop3A_135] {strides = array<i32>} : memref<64x512xf32, #tpu.memory_space<vmem>>, vector<16xf32>,
      %parallel_loop3A_137 = tpu.bitcast %parallel_loop3A_136 : vector<16xf32> -> vector<16xi32>
      %parallel_loop3A_138 = arith.constant 18 : i32
      %parallel_loop3A_139 = vector.broadcast %parallel_loop3A_138 : i32 to vector<16xi32>
      %parallel_loop3A_140 = arith.shrui %parallel_loop3A_137, %parallel_loop3A_139 : vector<16xi32>
      tpu.vector_store_idx %arg6[%parallel_loop3A_140], %broadcast_in_dim3A_3 {add = true} : memref<16384xf32, #tpu.memory_space<vmem>>[vector<16xi32>], vector<16xf32>,
      tpu.vector_store_idx %arg7[%parallel_loop3A_140], %parallel_loop3A_136 {add = true} : memref<16384xf32, #tpu.memory_space<vmem>>[vector<16xi32>], vector<16xf32>,
      %parallel_loop3A_141 = arith.index_cast %parallel_loop3A_14 : i32 to index
      %parallel_loop3A_142 = arith.constant 288 : index
      %parallel_loop3A_143 = tpu.vector_load %arg5[%parallel_loop3A_141, %parallel_loop3A_142] {strides = array<i32>} : memref<64x512xf32, #tpu.memory_space<vmem>>, vector<16xf32>,
      %parallel_loop3A_144 = tpu.bitcast %parallel_loop3A_143 : vector<16xf32> -> vector<16xi32>
      %parallel_loop3A_145 = arith.constant 18 : i32
      %parallel_loop3A_146 = vector.broadcast %parallel_loop3A_145 : i32 to vector<16xi32>
      %parallel_loop3A_147 = arith.shrui %parallel_loop3A_144, %parallel_loop3A_146 : vector<16xi32>
      tpu.vector_store_idx %arg6[%parallel_loop3A_147], %broadcast_in_dim3A_3 {add = true} : memref<16384xf32, #tpu.memory_space<vmem>>[vector<16xi32>], vector<16xf32>,
      tpu.vector_store_idx %arg7[%parallel_loop3A_147], %parallel_loop3A_143 {add = true} : memref<16384xf32, #tpu.memory_space<vmem>>[vector<16xi32>], vector<16xf32>,
      %parallel_loop3A_148 = arith.index_cast %parallel_loop3A_14 : i32 to index
      %parallel_loop3A_149 = arith.constant 304 : index
      %parallel_loop3A_150 = tpu.vector_load %arg5[%parallel_loop3A_148, %parallel_loop3A_149] {strides = array<i32>} : memref<64x512xf32, #tpu.memory_space<vmem>>, vector<16xf32>,
      %parallel_loop3A_151 = tpu.bitcast %parallel_loop3A_150 : vector<16xf32> -> vector<16xi32>
      %parallel_loop3A_152 = arith.constant 18 : i32
      %parallel_loop3A_153 = vector.broadcast %parallel_loop3A_152 : i32 to vector<16xi32>
      %parallel_loop3A_154 = arith.shrui %parallel_loop3A_151, %parallel_loop3A_153 : vector<16xi32>
      tpu.vector_store_idx %arg6[%parallel_loop3A_154], %broadcast_in_dim3A_3 {add = true} : memref<16384xf32, #tpu.memory_space<vmem>>[vector<16xi32>], vector<16xf32>,
      tpu.vector_store_idx %arg7[%parallel_loop3A_154], %parallel_loop3A_150 {add = true} : memref<16384xf32, #tpu.memory_space<vmem>>[vector<16xi32>], vector<16xf32>,
      %parallel_loop3A_155 = arith.index_cast %parallel_loop3A_14 : i32 to index
      %parallel_loop3A_156 = arith.constant 320 : index
      %parallel_loop3A_157 = tpu.vector_load %arg5[%parallel_loop3A_155, %parallel_loop3A_156] {strides = array<i32>} : memref<64x512xf32, #tpu.memory_space<vmem>>, vector<16xf32>,
      %parallel_loop3A_158 = tpu.bitcast %parallel_loop3A_157 : vector<16xf32> -> vector<16xi32>
      %parallel_loop3A_159 = arith.constant 18 : i32
      %parallel_loop3A_160 = vector.broadcast %parallel_loop3A_159 : i32 to vector<16xi32>
      %parallel_loop3A_161 = arith.shrui %parallel_loop3A_158, %parallel_loop3A_160 : vector<16xi32>
      tpu.vector_store_idx %arg6[%parallel_loop3A_161], %broadcast_in_dim3A_3 {add = true} : memref<16384xf32, #tpu.memory_space<vmem>>[vector<16xi32>], vector<16xf32>,
      tpu.vector_store_idx %arg7[%parallel_loop3A_161], %parallel_loop3A_157 {add = true} : memref<16384xf32, #tpu.memory_space<vmem>>[vector<16xi32>], vector<16xf32>,
      %parallel_loop3A_162 = arith.index_cast %parallel_loop3A_14 : i32 to index
      %parallel_loop3A_163 = arith.constant 336 : index
      %parallel_loop3A_164 = tpu.vector_load %arg5[%parallel_loop3A_162, %parallel_loop3A_163] {strides = array<i32>} : memref<64x512xf32, #tpu.memory_space<vmem>>, vector<16xf32>,
      %parallel_loop3A_165 = tpu.bitcast %parallel_loop3A_164 : vector<16xf32> -> vector<16xi32>
      %parallel_loop3A_166 = arith.constant 18 : i32
      %parallel_loop3A_167 = vector.broadcast %parallel_loop3A_166 : i32 to vector<16xi32>
      %parallel_loop3A_168 = arith.shrui %parallel_loop3A_165, %parallel_loop3A_167 : vector<16xi32>
      tpu.vector_store_idx %arg6[%parallel_loop3A_168], %broadcast_in_dim3A_3 {add = true} : memref<16384xf32, #tpu.memory_space<vmem>>[vector<16xi32>], vector<16xf32>,
      tpu.vector_store_idx %arg7[%parallel_loop3A_168], %parallel_loop3A_164 {add = true} : memref<16384xf32, #tpu.memory_space<vmem>>[vector<16xi32>], vector<16xf32>,
      %parallel_loop3A_169 = arith.index_cast %parallel_loop3A_14 : i32 to index
      %parallel_loop3A_170 = arith.constant 352 : index
      %parallel_loop3A_171 = tpu.vector_load %arg5[%parallel_loop3A_169, %parallel_loop3A_170] {strides = array<i32>} : memref<64x512xf32, #tpu.memory_space<vmem>>, vector<16xf32>,
      %parallel_loop3A_172 = tpu.bitcast %parallel_loop3A_171 : vector<16xf32> -> vector<16xi32>
      %parallel_loop3A_173 = arith.constant 18 : i32
      %parallel_loop3A_174 = vector.broadcast %parallel_loop3A_173 : i32 to vector<16xi32>
      %parallel_loop3A_175 = arith.shrui %parallel_loop3A_172, %parallel_loop3A_174 : vector<16xi32>
      tpu.vector_store_idx %arg6[%parallel_loop3A_175], %broadcast_in_dim3A_3 {add = true} : memref<16384xf32, #tpu.memory_space<vmem>>[vector<16xi32>], vector<16xf32>,
      tpu.vector_store_idx %arg7[%parallel_loop3A_175], %parallel_loop3A_171 {add = true} : memref<16384xf32, #tpu.memory_space<vmem>>[vector<16xi32>], vector<16xf32>,
      %parallel_loop3A_176 = arith.index_cast %parallel_loop3A_14 : i32 to index
      %parallel_loop3A_177 = arith.constant 368 : index
      %parallel_loop3A_178 = tpu.vector_load %arg5[%parallel_loop3A_176, %parallel_loop3A_177] {strides = array<i32>} : memref<64x512xf32, #tpu.memory_space<vmem>>, vector<16xf32>,
      %parallel_loop3A_179 = tpu.bitcast %parallel_loop3A_178 : vector<16xf32> -> vector<16xi32>
      %parallel_loop3A_180 = arith.constant 18 : i32
      %parallel_loop3A_181 = vector.broadcast %parallel_loop3A_180 : i32 to vector<16xi32>
      %parallel_loop3A_182 = arith.shrui %parallel_loop3A_179, %parallel_loop3A_181 : vector<16xi32>
      tpu.vector_store_idx %arg6[%parallel_loop3A_182], %broadcast_in_dim3A_3 {add = true} : memref<16384xf32, #tpu.memory_space<vmem>>[vector<16xi32>], vector<16xf32>,
      tpu.vector_store_idx %arg7[%parallel_loop3A_182], %parallel_loop3A_178 {add = true} : memref<16384xf32, #tpu.memory_space<vmem>>[vector<16xi32>], vector<16xf32>,
      %parallel_loop3A_183 = arith.index_cast %parallel_loop3A_14 : i32 to index
      %parallel_loop3A_184 = arith.constant 384 : index
      %parallel_loop3A_185 = tpu.vector_load %arg5[%parallel_loop3A_183, %parallel_loop3A_184] {strides = array<i32>} : memref<64x512xf32, #tpu.memory_space<vmem>>, vector<16xf32>,
      %parallel_loop3A_186 = tpu.bitcast %parallel_loop3A_185 : vector<16xf32> -> vector<16xi32>
      %parallel_loop3A_187 = arith.constant 18 : i32
      %parallel_loop3A_188 = vector.broadcast %parallel_loop3A_187 : i32 to vector<16xi32>
      %parallel_loop3A_189 = arith.shrui %parallel_loop3A_186, %parallel_loop3A_188 : vector<16xi32>
      tpu.vector_store_idx %arg6[%parallel_loop3A_189], %broadcast_in_dim3A_3 {add = true} : memref<16384xf32, #tpu.memory_space<vmem>>[vector<16xi32>], vector<16xf32>,
      tpu.vector_store_idx %arg7[%parallel_loop3A_189], %parallel_loop3A_185 {add = true} : memref<16384xf32, #tpu.memory_space<vmem>>[vector<16xi32>], vector<16xf32>,
      %parallel_loop3A_190 = arith.index_cast %parallel_loop3A_14 : i32 to index
      %parallel_loop3A_191 = arith.constant 400 : index
      %parallel_loop3A_192 = tpu.vector_load %arg5[%parallel_loop3A_190, %parallel_loop3A_191] {strides = array<i32>} : memref<64x512xf32, #tpu.memory_space<vmem>>, vector<16xf32>,
      %parallel_loop3A_193 = tpu.bitcast %parallel_loop3A_192 : vector<16xf32> -> vector<16xi32>
      %parallel_loop3A_194 = arith.constant 18 : i32
      %parallel_loop3A_195 = vector.broadcast %parallel_loop3A_194 : i32 to vector<16xi32>
      %parallel_loop3A_196 = arith.shrui %parallel_loop3A_193, %parallel_loop3A_195 : vector<16xi32>
      tpu.vector_store_idx %arg6[%parallel_loop3A_196], %broadcast_in_dim3A_3 {add = true} : memref<16384xf32, #tpu.memory_space<vmem>>[vector<16xi32>], vector<16xf32>,
      tpu.vector_store_idx %arg7[%parallel_loop3A_196], %parallel_loop3A_192 {add = true} : memref<16384xf32, #tpu.memory_space<vmem>>[vector<16xi32>], vector<16xf32>,
      %parallel_loop3A_197 = arith.index_cast %parallel_loop3A_14 : i32 to index
      %parallel_loop3A_198 = arith.constant 416 : index
      %parallel_loop3A_199 = tpu.vector_load %arg5[%parallel_loop3A_197, %parallel_loop3A_198] {strides = array<i32>} : memref<64x512xf32, #tpu.memory_space<vmem>>, vector<16xf32>,
      %parallel_loop3A_200 = tpu.bitcast %parallel_loop3A_199 : vector<16xf32> -> vector<16xi32>
      %parallel_loop3A_201 = arith.constant 18 : i32
      %parallel_loop3A_202 = vector.broadcast %parallel_loop3A_201 : i32 to vector<16xi32>
      %parallel_loop3A_203 = arith.shrui %parallel_loop3A_200, %parallel_loop3A_202 : vector<16xi32>
      tpu.vector_store_idx %arg6[%parallel_loop3A_203], %broadcast_in_dim3A_3 {add = true} : memref<16384xf32, #tpu.memory_space<vmem>>[vector<16xi32>], vector<16xf32>,
      tpu.vector_store_idx %arg7[%parallel_loop3A_203], %parallel_loop3A_199 {add = true} : memref<16384xf32, #tpu.memory_space<vmem>>[vector<16xi32>], vector<16xf32>,
      %parallel_loop3A_204 = arith.index_cast %parallel_loop3A_14 : i32 to index
      %parallel_loop3A_205 = arith.constant 432 : index
      %parallel_loop3A_206 = tpu.vector_load %arg5[%parallel_loop3A_204, %parallel_loop3A_205] {strides = array<i32>} : memref<64x512xf32, #tpu.memory_space<vmem>>, vector<16xf32>,
      %parallel_loop3A_207 = tpu.bitcast %parallel_loop3A_206 : vector<16xf32> -> vector<16xi32>
      %parallel_loop3A_208 = arith.constant 18 : i32
      %parallel_loop3A_209 = vector.broadcast %parallel_loop3A_208 : i32 to vector<16xi32>
      %parallel_loop3A_210 = arith.shrui %parallel_loop3A_207, %parallel_loop3A_209 : vector<16xi32>
      tpu.vector_store_idx %arg6[%parallel_loop3A_210], %broadcast_in_dim3A_3 {add = true} : memref<16384xf32, #tpu.memory_space<vmem>>[vector<16xi32>], vector<16xf32>,
      tpu.vector_store_idx %arg7[%parallel_loop3A_210], %parallel_loop3A_206 {add = true} : memref<16384xf32, #tpu.memory_space<vmem>>[vector<16xi32>], vector<16xf32>,
      %parallel_loop3A_211 = arith.index_cast %parallel_loop3A_14 : i32 to index
      %parallel_loop3A_212 = arith.constant 448 : index
      %parallel_loop3A_213 = tpu.vector_load %arg5[%parallel_loop3A_211, %parallel_loop3A_212] {strides = array<i32>} : memref<64x512xf32, #tpu.memory_space<vmem>>, vector<16xf32>,
      %parallel_loop3A_214 = tpu.bitcast %parallel_loop3A_213 : vector<16xf32> -> vector<16xi32>
      %parallel_loop3A_215 = arith.constant 18 : i32
      %parallel_loop3A_216 = vector.broadcast %parallel_loop3A_215 : i32 to vector<16xi32>
      %parallel_loop3A_217 = arith.shrui %parallel_loop3A_214, %parallel_loop3A_216 : vector<16xi32>
      tpu.vector_store_idx %arg6[%parallel_loop3A_217], %broadcast_in_dim3A_3 {add = true} : memref<16384xf32, #tpu.memory_space<vmem>>[vector<16xi32>], vector<16xf32>,
      tpu.vector_store_idx %arg7[%parallel_loop3A_217], %parallel_loop3A_213 {add = true} : memref<16384xf32, #tpu.memory_space<vmem>>[vector<16xi32>], vector<16xf32>,
      %parallel_loop3A_218 = arith.index_cast %parallel_loop3A_14 : i32 to index
      %parallel_loop3A_219 = arith.constant 464 : index
      %parallel_loop3A_220 = tpu.vector_load %arg5[%parallel_loop3A_218, %parallel_loop3A_219] {strides = array<i32>} : memref<64x512xf32, #tpu.memory_space<vmem>>, vector<16xf32>,
      %parallel_loop3A_221 = tpu.bitcast %parallel_loop3A_220 : vector<16xf32> -> vector<16xi32>
      %parallel_loop3A_222 = arith.constant 18 : i32
      %parallel_loop3A_223 = vector.broadcast %parallel_loop3A_222 : i32 to vector<16xi32>
      %parallel_loop3A_224 = arith.shrui %parallel_loop3A_221, %parallel_loop3A_223 : vector<16xi32>
      tpu.vector_store_idx %arg6[%parallel_loop3A_224], %broadcast_in_dim3A_3 {add = true} : memref<16384xf32, #tpu.memory_space<vmem>>[vector<16xi32>], vector<16xf32>,
      tpu.vector_store_idx %arg7[%parallel_loop3A_224], %parallel_loop3A_220 {add = true} : memref<16384xf32, #tpu.memory_space<vmem>>[vector<16xi32>], vector<16xf32>,
      %parallel_loop3A_225 = arith.index_cast %parallel_loop3A_14 : i32 to index
      %parallel_loop3A_226 = arith.constant 480 : index
      %parallel_loop3A_227 = tpu.vector_load %arg5[%parallel_loop3A_225, %parallel_loop3A_226] {strides = array<i32>} : memref<64x512xf32, #tpu.memory_space<vmem>>, vector<16xf32>,
      %parallel_loop3A_228 = tpu.bitcast %parallel_loop3A_227 : vector<16xf32> -> vector<16xi32>
      %parallel_loop3A_229 = arith.constant 18 : i32
      %parallel_loop3A_230 = vector.broadcast %parallel_loop3A_229 : i32 to vector<16xi32>
      %parallel_loop3A_231 = arith.shrui %parallel_loop3A_228, %parallel_loop3A_230 : vector<16xi32>
      tpu.vector_store_idx %arg6[%parallel_loop3A_231], %broadcast_in_dim3A_3 {add = true} : memref<16384xf32, #tpu.memory_space<vmem>>[vector<16xi32>], vector<16xf32>,
      tpu.vector_store_idx %arg7[%parallel_loop3A_231], %parallel_loop3A_227 {add = true} : memref<16384xf32, #tpu.memory_space<vmem>>[vector<16xi32>], vector<16xf32>,
      %parallel_loop3A_232 = arith.index_cast %parallel_loop3A_14 : i32 to index
      %parallel_loop3A_233 = arith.constant 496 : index
      %parallel_loop3A_234 = tpu.vector_load %arg5[%parallel_loop3A_232, %parallel_loop3A_233] {strides = array<i32>} : memref<64x512xf32, #tpu.memory_space<vmem>>, vector<16xf32>,
      %parallel_loop3A_235 = tpu.bitcast %parallel_loop3A_234 : vector<16xf32> -> vector<16xi32>
      %parallel_loop3A_236 = arith.constant 18 : i32
      %parallel_loop3A_237 = vector.broadcast %parallel_loop3A_236 : i32 to vector<16xi32>
      %parallel_loop3A_238 = arith.shrui %parallel_loop3A_235, %parallel_loop3A_237 : vector<16xi32>
      tpu.vector_store_idx %arg6[%parallel_loop3A_238], %broadcast_in_dim3A_3 {add = true} : memref<16384xf32, #tpu.memory_space<vmem>>[vector<16xi32>], vector<16xf32>,
      tpu.vector_store_idx %arg7[%parallel_loop3A_238], %parallel_loop3A_234 {add = true} : memref<16384xf32, #tpu.memory_space<vmem>>[vector<16xi32>], vector<16xf32>,
    } {sc.loop_unroll_factor = 2 : i64, sc.parallel_access}
    "tpu.region"() ({
      %run_scoped3A = tpu.sem_alloc : memref<!tpu.dma_semaphore, #tpu.memory_space<semaphore_mem>>
      %dma_start3A = arith.constant 0 : i32
      %dma_start3A_14 = tpu.memref_slice %arg3[%add3A, %dma_start3A] : memref<32x16384xf32, #tpu.memory_space<hbm>> -> memref<1x16384xf32, #tpu.memory_space<hbm>>
      %dma_start3A_15 = tpu.memref_squeeze %dma_start3A_14 : memref<1x16384xf32, #tpu.memory_space<hbm>> -> memref<16384xf32, #tpu.memory_space<hbm>>
      %dma_start3A_16 = arith.constant 0 : i32
      %dma_start3A_17 = tpu.memref_slice %arg3[%add3A, %dma_start3A_16] : memref<32x16384xf32, #tpu.memory_space<hbm>> -> memref<1x16384xf32, #tpu.memory_space<hbm>>
      %dma_start3A_18 = tpu.memref_squeeze %dma_start3A_17 : memref<1x16384xf32, #tpu.memory_space<hbm>> -> memref<16384xf32, #tpu.memory_space<hbm>>
      tpu.enqueue_dma source(%arg6 : memref<16384xf32, #tpu.memory_space<vmem>>) target(%dma_start3A_18 : memref<16384xf32, #tpu.memory_space<hbm>>) target_semaphore(%run_scoped3A : memref<!tpu.dma_semaphore, #tpu.memory_space<semaphore_mem>>)
      %dma_wait3A = arith.constant 0 : i32
      %dma_wait3A_19 = tpu.memref_slice %arg3[%add3A, %dma_wait3A] : memref<32x16384xf32, #tpu.memory_space<hbm>> -> memref<1x16384xf32, #tpu.memory_space<hbm>>
      %dma_wait3A_20 = tpu.memref_squeeze %dma_wait3A_19 : memref<1x16384xf32, #tpu.memory_space<hbm>> -> memref<16384xf32, #tpu.memory_space<hbm>>
      %dma_wait3A_21 = arith.constant 0 : i32
      %dma_wait3A_22 = tpu.memref_slice %arg3[%add3A, %dma_wait3A_21] : memref<32x16384xf32, #tpu.memory_space<hbm>> -> memref<1x16384xf32, #tpu.memory_space<hbm>>
      %dma_wait3A_23 = tpu.memref_squeeze %dma_wait3A_22 : memref<1x16384xf32, #tpu.memory_space<hbm>> -> memref<16384xf32, #tpu.memory_space<hbm>>
      tpu.wait_dma2 semaphore(%run_scoped3A : memref<!tpu.dma_semaphore, #tpu.memory_space<semaphore_mem>>) src(%arg6 : memref<16384xf32, #tpu.memory_space<vmem>>) dst(%dma_wait3A_23 : memref<16384xf32, #tpu.memory_space<hbm>>)
      tpu.yield
    }) : () -> ()
    "tpu.region"() ({
      %run_scoped3A = tpu.sem_alloc : memref<!tpu.dma_semaphore, #tpu.memory_space<semaphore_mem>>
      %dma_start3A = arith.constant 0 : i32
      %dma_start3A_14 = tpu.memref_slice %arg4[%add3A, %dma_start3A] : memref<32x16384xf32, #tpu.memory_space<hbm>> -> memref<1x16384xf32, #tpu.memory_space<hbm>>
      %dma_start3A_15 = tpu.memref_squeeze %dma_start3A_14 : memref<1x16384xf32, #tpu.memory_space<hbm>> -> memref<16384xf32, #tpu.memory_space<hbm>>
      %dma_start3A_16 = arith.constant 0 : i32
      %dma_start3A_17 = tpu.memref_slice %arg4[%add3A, %dma_start3A_16] : memref<32x16384xf32, #tpu.memory_space<hbm>> -> memref<1x16384xf32, #tpu.memory_space<hbm>>
      %dma_start3A_18 = tpu.memref_squeeze %dma_start3A_17 : memref<1x16384xf32, #tpu.memory_space<hbm>> -> memref<16384xf32, #tpu.memory_space<hbm>>
      tpu.enqueue_dma source(%arg7 : memref<16384xf32, #tpu.memory_space<vmem>>) target(%dma_start3A_18 : memref<16384xf32, #tpu.memory_space<hbm>>) target_semaphore(%run_scoped3A : memref<!tpu.dma_semaphore, #tpu.memory_space<semaphore_mem>>)
      %dma_wait3A = arith.constant 0 : i32
      %dma_wait3A_19 = tpu.memref_slice %arg4[%add3A, %dma_wait3A] : memref<32x16384xf32, #tpu.memory_space<hbm>> -> memref<1x16384xf32, #tpu.memory_space<hbm>>
      %dma_wait3A_20 = tpu.memref_squeeze %dma_wait3A_19 : memref<1x16384xf32, #tpu.memory_space<hbm>> -> memref<16384xf32, #tpu.memory_space<hbm>>
      %dma_wait3A_21 = arith.constant 0 : i32
      %dma_wait3A_22 = tpu.memref_slice %arg4[%add3A, %dma_wait3A_21] : memref<32x16384xf32, #tpu.memory_space<hbm>> -> memref<1x16384xf32, #tpu.memory_space<hbm>>
      %dma_wait3A_23 = tpu.memref_squeeze %dma_wait3A_22 : memref<1x16384xf32, #tpu.memory_space<hbm>> -> memref<16384xf32, #tpu.memory_space<hbm>>
      tpu.wait_dma2 semaphore(%run_scoped3A : memref<!tpu.dma_semaphore, #tpu.memory_space<semaphore_mem>>) src(%arg7 : memref<16384xf32, #tpu.memory_space<vmem>>) dst(%dma_wait3A_23 : memref<16384xf32, #tpu.memory_space<hbm>>)
      tpu.yield
    }) : () -> ()
    return
  }
}

module attributes {stable_mosaic.version = 14 : i64} {
  func.func @_ce_body(%arg0: i32, %arg1: i32, %arg2: memref<1x256x512xi32, #tpu.memory_space<vmem>>, %arg3: memref<1x19xf32, #tpu.memory_space<smem>>, %arg4: memref<1x1x19x256x512xf32, #tpu.memory_space<vmem>>, %arg5: memref<1x256x512xf32, #tpu.memory_space<vmem>>) attributes {dimension_semantics = [#tpu.dimension_semantics<arbitrary>, #tpu.dimension_semantics<arbitrary>], iteration_bounds = array<i64: 4, 2>, scalar_prefetch = 0 : i64, scratch_operands = 0 : i64, tpu.core_type = #tpu.core_type<tc>, window_params = [{transform_indices = @transform_0, window_bounds = array<i64: 1, 256, 512>}, {transform_indices = @transform_1, window_bounds = array<i64: 1, 19>}, {transform_indices = @transform_2, window_bounds = array<i64: 1, 1, 19, 256, 512>}, {transform_indices = @transform_3, window_bounds = array<i64: 1, 256, 512>}]} {
    %get3A = arith.constant 0 : index
    %get3A_0 = arith.constant 0 : index
    %get3A_1 = arith.constant 0 : index
    %get3A_2 = arith.constant 0 : index
    %get3A_3 = arith.constant 0 : index
    %get3A_4 = vector.load %arg4[%get3A, %get3A_0, %get3A_1, %get3A_2, %get3A_3] : memref<1x1x19x256x512xf32, #tpu.memory_space<vmem>>, vector<1x1x19x256x512xf32>
    %get3A_5 = vector.shape_cast %get3A_4 : vector<1x1x19x256x512xf32> to vector<19x256x512xf32>
    %get3A_6 = arith.constant 0 : index
    %get3A_7 = arith.constant 0 : index
    %get3A_8 = arith.constant 0 : index
    %get3A_9 = vector.load %arg2[%get3A_6, %get3A_7, %get3A_8] : memref<1x256x512xi32, #tpu.memory_space<vmem>>, vector<1x256x512xi32>
    %get3A_10 = vector.shape_cast %get3A_9 : vector<1x256x512xi32> to vector<256x512xi32>
    %reduce_max3A = arith.constant dense<0xFF800000> : vector<256x512xf32>
    %reduce_max3A_11 = vector.multi_reduction <maximumf>, %get3A_5, %reduce_max3A [0] : vector<19x256x512xf32> to vector<256x512xf32>
    %broadcast_in_dim3A = vector.shape_cast %reduce_max3A_11 : vector<256x512xf32> to vector<1x256x512xf32>
    %sub3A = vector.broadcast %broadcast_in_dim3A : vector<1x256x512xf32> to vector<19x256x512xf32>
    %sub3A_12 = arith.subf %get3A_5, %sub3A : vector<19x256x512xf32>
    %exp3A = math.exp %sub3A_12 : vector<19x256x512xf32>
    %reduce_sum3A = arith.constant dense<0.000000e+00> : vector<256x512xf32>
    %reduce_sum3A_13 = vector.multi_reduction <add>, %exp3A, %reduce_sum3A [0] : vector<19x256x512xf32> to vector<256x512xf32>
    %log3A = math.log %reduce_sum3A_13 : vector<256x512xf32>
    %add3A = arith.addf %log3A, %reduce_max3A_11 : vector<256x512xf32>
    %broadcast_in_dim3A_14 = arith.constant 0.000000e+00 : f32
    %broadcast_in_dim3A_15 = vector.broadcast %broadcast_in_dim3A_14 : f32 to vector<256x512xf32>
    %broadcast_in_dim3A_16 = arith.constant 0.000000e+00 : f32
    %broadcast_in_dim3A_17 = vector.broadcast %broadcast_in_dim3A_16 : f32 to vector<256x512xf32>
    %eq3A = arith.constant 0 : i32
    %eq3A_18 = vector.broadcast %eq3A : i32 to vector<256x512xi32>
    %eq3A_19 = arith.cmpi eq, %get3A_10, %eq3A_18 : vector<256x512xi32>
    %slice3A = vector.extract_strided_slice %get3A_5 {offsets = [0, 0, 0], sizes = [1, 256, 512], strides = [1, 1, 1]} : vector<19x256x512xf32> to vector<1x256x512xf32>
    %squeeze3A = vector.shape_cast %slice3A : vector<1x256x512xf32> to vector<256x512xf32>
    %select_n3A = arith.select %eq3A_19, %squeeze3A, %broadcast_in_dim3A_15 : vector<256x512xi1>, vector<256x512xf32>
    %get3A_20 = arith.constant 0 : index
    %get3A_21 = arith.constant 0 : index
    %get3A_22 = memref.load %arg3[%get3A_20, %get3A_21] : memref<1x19xf32, #tpu.memory_space<smem>>
    %broadcast_in_dim3A_23 = vector.broadcast %get3A_22 : f32 to vector<256x512xf32>
    %select_n3A_24 = arith.select %eq3A_19, %broadcast_in_dim3A_23, %broadcast_in_dim3A_17 : vector<256x512xi1>, vector<256x512xf32>
    %eq3A_25 = arith.constant 1 : i32
    %eq3A_26 = vector.broadcast %eq3A_25 : i32 to vector<256x512xi32>
    %eq3A_27 = arith.cmpi eq, %get3A_10, %eq3A_26 : vector<256x512xi32>
    %slice3A_28 = vector.extract_strided_slice %get3A_5 {offsets = [1, 0, 0], sizes = [1, 256, 512], strides = [1, 1, 1]} : vector<19x256x512xf32> to vector<1x256x512xf32>
    %squeeze3A_29 = vector.shape_cast %slice3A_28 : vector<1x256x512xf32> to vector<256x512xf32>
    %select_n3A_30 = arith.select %eq3A_27, %squeeze3A_29, %select_n3A : vector<256x512xi1>, vector<256x512xf32>
    %get3A_31 = arith.constant 0 : index
    %get3A_32 = arith.constant 1 : index
    %get3A_33 = memref.load %arg3[%get3A_31, %get3A_32] : memref<1x19xf32, #tpu.memory_space<smem>>
    %broadcast_in_dim3A_34 = vector.broadcast %get3A_33 : f32 to vector<256x512xf32>
    %select_n3A_35 = arith.select %eq3A_27, %broadcast_in_dim3A_34, %select_n3A_24 : vector<256x512xi1>, vector<256x512xf32>
    %eq3A_36 = arith.constant 2 : i32
    %eq3A_37 = vector.broadcast %eq3A_36 : i32 to vector<256x512xi32>
    %eq3A_38 = arith.cmpi eq, %get3A_10, %eq3A_37 : vector<256x512xi32>
    %slice3A_39 = vector.extract_strided_slice %get3A_5 {offsets = [2, 0, 0], sizes = [1, 256, 512], strides = [1, 1, 1]} : vector<19x256x512xf32> to vector<1x256x512xf32>
    %squeeze3A_40 = vector.shape_cast %slice3A_39 : vector<1x256x512xf32> to vector<256x512xf32>
    %select_n3A_41 = arith.select %eq3A_38, %squeeze3A_40, %select_n3A_30 : vector<256x512xi1>, vector<256x512xf32>
    %get3A_42 = arith.constant 0 : index
    %get3A_43 = arith.constant 2 : index
    %get3A_44 = memref.load %arg3[%get3A_42, %get3A_43] : memref<1x19xf32, #tpu.memory_space<smem>>
    %broadcast_in_dim3A_45 = vector.broadcast %get3A_44 : f32 to vector<256x512xf32>
    %select_n3A_46 = arith.select %eq3A_38, %broadcast_in_dim3A_45, %select_n3A_35 : vector<256x512xi1>, vector<256x512xf32>
    %eq3A_47 = arith.constant 3 : i32
    %eq3A_48 = vector.broadcast %eq3A_47 : i32 to vector<256x512xi32>
    %eq3A_49 = arith.cmpi eq, %get3A_10, %eq3A_48 : vector<256x512xi32>
    %slice3A_50 = vector.extract_strided_slice %get3A_5 {offsets = [3, 0, 0], sizes = [1, 256, 512], strides = [1, 1, 1]} : vector<19x256x512xf32> to vector<1x256x512xf32>
    %squeeze3A_51 = vector.shape_cast %slice3A_50 : vector<1x256x512xf32> to vector<256x512xf32>
    %select_n3A_52 = arith.select %eq3A_49, %squeeze3A_51, %select_n3A_41 : vector<256x512xi1>, vector<256x512xf32>
    %get3A_53 = arith.constant 0 : index
    %get3A_54 = arith.constant 3 : index
    %get3A_55 = memref.load %arg3[%get3A_53, %get3A_54] : memref<1x19xf32, #tpu.memory_space<smem>>
    %broadcast_in_dim3A_56 = vector.broadcast %get3A_55 : f32 to vector<256x512xf32>
    %select_n3A_57 = arith.select %eq3A_49, %broadcast_in_dim3A_56, %select_n3A_46 : vector<256x512xi1>, vector<256x512xf32>
    %eq3A_58 = arith.constant 4 : i32
    %eq3A_59 = vector.broadcast %eq3A_58 : i32 to vector<256x512xi32>
    %eq3A_60 = arith.cmpi eq, %get3A_10, %eq3A_59 : vector<256x512xi32>
    %slice3A_61 = vector.extract_strided_slice %get3A_5 {offsets = [4, 0, 0], sizes = [1, 256, 512], strides = [1, 1, 1]} : vector<19x256x512xf32> to vector<1x256x512xf32>
    %squeeze3A_62 = vector.shape_cast %slice3A_61 : vector<1x256x512xf32> to vector<256x512xf32>
    %select_n3A_63 = arith.select %eq3A_60, %squeeze3A_62, %select_n3A_52 : vector<256x512xi1>, vector<256x512xf32>
    %get3A_64 = arith.constant 0 : index
    %get3A_65 = arith.constant 4 : index
    %get3A_66 = memref.load %arg3[%get3A_64, %get3A_65] : memref<1x19xf32, #tpu.memory_space<smem>>
    %broadcast_in_dim3A_67 = vector.broadcast %get3A_66 : f32 to vector<256x512xf32>
    %select_n3A_68 = arith.select %eq3A_60, %broadcast_in_dim3A_67, %select_n3A_57 : vector<256x512xi1>, vector<256x512xf32>
    %eq3A_69 = arith.constant 5 : i32
    %eq3A_70 = vector.broadcast %eq3A_69 : i32 to vector<256x512xi32>
    %eq3A_71 = arith.cmpi eq, %get3A_10, %eq3A_70 : vector<256x512xi32>
    %slice3A_72 = vector.extract_strided_slice %get3A_5 {offsets = [5, 0, 0], sizes = [1, 256, 512], strides = [1, 1, 1]} : vector<19x256x512xf32> to vector<1x256x512xf32>
    %squeeze3A_73 = vector.shape_cast %slice3A_72 : vector<1x256x512xf32> to vector<256x512xf32>
    %select_n3A_74 = arith.select %eq3A_71, %squeeze3A_73, %select_n3A_63 : vector<256x512xi1>, vector<256x512xf32>
    %get3A_75 = arith.constant 0 : index
    %get3A_76 = arith.constant 5 : index
    %get3A_77 = memref.load %arg3[%get3A_75, %get3A_76] : memref<1x19xf32, #tpu.memory_space<smem>>
    %broadcast_in_dim3A_78 = vector.broadcast %get3A_77 : f32 to vector<256x512xf32>
    %select_n3A_79 = arith.select %eq3A_71, %broadcast_in_dim3A_78, %select_n3A_68 : vector<256x512xi1>, vector<256x512xf32>
    %eq3A_80 = arith.constant 6 : i32
    %eq3A_81 = vector.broadcast %eq3A_80 : i32 to vector<256x512xi32>
    %eq3A_82 = arith.cmpi eq, %get3A_10, %eq3A_81 : vector<256x512xi32>
    %slice3A_83 = vector.extract_strided_slice %get3A_5 {offsets = [6, 0, 0], sizes = [1, 256, 512], strides = [1, 1, 1]} : vector<19x256x512xf32> to vector<1x256x512xf32>
    %squeeze3A_84 = vector.shape_cast %slice3A_83 : vector<1x256x512xf32> to vector<256x512xf32>
    %select_n3A_85 = arith.select %eq3A_82, %squeeze3A_84, %select_n3A_74 : vector<256x512xi1>, vector<256x512xf32>
    %get3A_86 = arith.constant 0 : index
    %get3A_87 = arith.constant 6 : index
    %get3A_88 = memref.load %arg3[%get3A_86, %get3A_87] : memref<1x19xf32, #tpu.memory_space<smem>>
    %broadcast_in_dim3A_89 = vector.broadcast %get3A_88 : f32 to vector<256x512xf32>
    %select_n3A_90 = arith.select %eq3A_82, %broadcast_in_dim3A_89, %select_n3A_79 : vector<256x512xi1>, vector<256x512xf32>
    %eq3A_91 = arith.constant 7 : i32
    %eq3A_92 = vector.broadcast %eq3A_91 : i32 to vector<256x512xi32>
    %eq3A_93 = arith.cmpi eq, %get3A_10, %eq3A_92 : vector<256x512xi32>
    %slice3A_94 = vector.extract_strided_slice %get3A_5 {offsets = [7, 0, 0], sizes = [1, 256, 512], strides = [1, 1, 1]} : vector<19x256x512xf32> to vector<1x256x512xf32>
    %squeeze3A_95 = vector.shape_cast %slice3A_94 : vector<1x256x512xf32> to vector<256x512xf32>
    %select_n3A_96 = arith.select %eq3A_93, %squeeze3A_95, %select_n3A_85 : vector<256x512xi1>, vector<256x512xf32>
    %get3A_97 = arith.constant 0 : index
    %get3A_98 = arith.constant 7 : index
    %get3A_99 = memref.load %arg3[%get3A_97, %get3A_98] : memref<1x19xf32, #tpu.memory_space<smem>>
    %broadcast_in_dim3A_100 = vector.broadcast %get3A_99 : f32 to vector<256x512xf32>
    %select_n3A_101 = arith.select %eq3A_93, %broadcast_in_dim3A_100, %select_n3A_90 : vector<256x512xi1>, vector<256x512xf32>
    %eq3A_102 = arith.constant 8 : i32
    %eq3A_103 = vector.broadcast %eq3A_102 : i32 to vector<256x512xi32>
    %eq3A_104 = arith.cmpi eq, %get3A_10, %eq3A_103 : vector<256x512xi32>
    %slice3A_105 = vector.extract_strided_slice %get3A_5 {offsets = [8, 0, 0], sizes = [1, 256, 512], strides = [1, 1, 1]} : vector<19x256x512xf32> to vector<1x256x512xf32>
    %squeeze3A_106 = vector.shape_cast %slice3A_105 : vector<1x256x512xf32> to vector<256x512xf32>
    %select_n3A_107 = arith.select %eq3A_104, %squeeze3A_106, %select_n3A_96 : vector<256x512xi1>, vector<256x512xf32>
    %get3A_108 = arith.constant 0 : index
    %get3A_109 = arith.constant 8 : index
    %get3A_110 = memref.load %arg3[%get3A_108, %get3A_109] : memref<1x19xf32, #tpu.memory_space<smem>>
    %broadcast_in_dim3A_111 = vector.broadcast %get3A_110 : f32 to vector<256x512xf32>
    %select_n3A_112 = arith.select %eq3A_104, %broadcast_in_dim3A_111, %select_n3A_101 : vector<256x512xi1>, vector<256x512xf32>
    %eq3A_113 = arith.constant 9 : i32
    %eq3A_114 = vector.broadcast %eq3A_113 : i32 to vector<256x512xi32>
    %eq3A_115 = arith.cmpi eq, %get3A_10, %eq3A_114 : vector<256x512xi32>
    %slice3A_116 = vector.extract_strided_slice %get3A_5 {offsets = [9, 0, 0], sizes = [1, 256, 512], strides = [1, 1, 1]} : vector<19x256x512xf32> to vector<1x256x512xf32>
    %squeeze3A_117 = vector.shape_cast %slice3A_116 : vector<1x256x512xf32> to vector<256x512xf32>
    %select_n3A_118 = arith.select %eq3A_115, %squeeze3A_117, %select_n3A_107 : vector<256x512xi1>, vector<256x512xf32>
    %get3A_119 = arith.constant 0 : index
    %get3A_120 = arith.constant 9 : index
    %get3A_121 = memref.load %arg3[%get3A_119, %get3A_120] : memref<1x19xf32, #tpu.memory_space<smem>>
    %broadcast_in_dim3A_122 = vector.broadcast %get3A_121 : f32 to vector<256x512xf32>
    %select_n3A_123 = arith.select %eq3A_115, %broadcast_in_dim3A_122, %select_n3A_112 : vector<256x512xi1>, vector<256x512xf32>
    %eq3A_124 = arith.constant 10 : i32
    %eq3A_125 = vector.broadcast %eq3A_124 : i32 to vector<256x512xi32>
    %eq3A_126 = arith.cmpi eq, %get3A_10, %eq3A_125 : vector<256x512xi32>
    %slice3A_127 = vector.extract_strided_slice %get3A_5 {offsets = [10, 0, 0], sizes = [1, 256, 512], strides = [1, 1, 1]} : vector<19x256x512xf32> to vector<1x256x512xf32>
    %squeeze3A_128 = vector.shape_cast %slice3A_127 : vector<1x256x512xf32> to vector<256x512xf32>
    %select_n3A_129 = arith.select %eq3A_126, %squeeze3A_128, %select_n3A_118 : vector<256x512xi1>, vector<256x512xf32>
    %get3A_130 = arith.constant 0 : index
    %get3A_131 = arith.constant 10 : index
    %get3A_132 = memref.load %arg3[%get3A_130, %get3A_131] : memref<1x19xf32, #tpu.memory_space<smem>>
    %broadcast_in_dim3A_133 = vector.broadcast %get3A_132 : f32 to vector<256x512xf32>
    %select_n3A_134 = arith.select %eq3A_126, %broadcast_in_dim3A_133, %select_n3A_123 : vector<256x512xi1>, vector<256x512xf32>
    %eq3A_135 = arith.constant 11 : i32
    %eq3A_136 = vector.broadcast %eq3A_135 : i32 to vector<256x512xi32>
    %eq3A_137 = arith.cmpi eq, %get3A_10, %eq3A_136 : vector<256x512xi32>
    %slice3A_138 = vector.extract_strided_slice %get3A_5 {offsets = [11, 0, 0], sizes = [1, 256, 512], strides = [1, 1, 1]} : vector<19x256x512xf32> to vector<1x256x512xf32>
    %squeeze3A_139 = vector.shape_cast %slice3A_138 : vector<1x256x512xf32> to vector<256x512xf32>
    %select_n3A_140 = arith.select %eq3A_137, %squeeze3A_139, %select_n3A_129 : vector<256x512xi1>, vector<256x512xf32>
    %get3A_141 = arith.constant 0 : index
    %get3A_142 = arith.constant 11 : index
    %get3A_143 = memref.load %arg3[%get3A_141, %get3A_142] : memref<1x19xf32, #tpu.memory_space<smem>>
    %broadcast_in_dim3A_144 = vector.broadcast %get3A_143 : f32 to vector<256x512xf32>
    %select_n3A_145 = arith.select %eq3A_137, %broadcast_in_dim3A_144, %select_n3A_134 : vector<256x512xi1>, vector<256x512xf32>
    %eq3A_146 = arith.constant 12 : i32
    %eq3A_147 = vector.broadcast %eq3A_146 : i32 to vector<256x512xi32>
    %eq3A_148 = arith.cmpi eq, %get3A_10, %eq3A_147 : vector<256x512xi32>
    %slice3A_149 = vector.extract_strided_slice %get3A_5 {offsets = [12, 0, 0], sizes = [1, 256, 512], strides = [1, 1, 1]} : vector<19x256x512xf32> to vector<1x256x512xf32>
    %squeeze3A_150 = vector.shape_cast %slice3A_149 : vector<1x256x512xf32> to vector<256x512xf32>
    %select_n3A_151 = arith.select %eq3A_148, %squeeze3A_150, %select_n3A_140 : vector<256x512xi1>, vector<256x512xf32>
    %get3A_152 = arith.constant 0 : index
    %get3A_153 = arith.constant 12 : index
    %get3A_154 = memref.load %arg3[%get3A_152, %get3A_153] : memref<1x19xf32, #tpu.memory_space<smem>>
    %broadcast_in_dim3A_155 = vector.broadcast %get3A_154 : f32 to vector<256x512xf32>
    %select_n3A_156 = arith.select %eq3A_148, %broadcast_in_dim3A_155, %select_n3A_145 : vector<256x512xi1>, vector<256x512xf32>
    %eq3A_157 = arith.constant 13 : i32
    %eq3A_158 = vector.broadcast %eq3A_157 : i32 to vector<256x512xi32>
    %eq3A_159 = arith.cmpi eq, %get3A_10, %eq3A_158 : vector<256x512xi32>
    %slice3A_160 = vector.extract_strided_slice %get3A_5 {offsets = [13, 0, 0], sizes = [1, 256, 512], strides = [1, 1, 1]} : vector<19x256x512xf32> to vector<1x256x512xf32>
    %squeeze3A_161 = vector.shape_cast %slice3A_160 : vector<1x256x512xf32> to vector<256x512xf32>
    %select_n3A_162 = arith.select %eq3A_159, %squeeze3A_161, %select_n3A_151 : vector<256x512xi1>, vector<256x512xf32>
    %get3A_163 = arith.constant 0 : index
    %get3A_164 = arith.constant 13 : index
    %get3A_165 = memref.load %arg3[%get3A_163, %get3A_164] : memref<1x19xf32, #tpu.memory_space<smem>>
    %broadcast_in_dim3A_166 = vector.broadcast %get3A_165 : f32 to vector<256x512xf32>
    %select_n3A_167 = arith.select %eq3A_159, %broadcast_in_dim3A_166, %select_n3A_156 : vector<256x512xi1>, vector<256x512xf32>
    %eq3A_168 = arith.constant 14 : i32
    %eq3A_169 = vector.broadcast %eq3A_168 : i32 to vector<256x512xi32>
    %eq3A_170 = arith.cmpi eq, %get3A_10, %eq3A_169 : vector<256x512xi32>
    %slice3A_171 = vector.extract_strided_slice %get3A_5 {offsets = [14, 0, 0], sizes = [1, 256, 512], strides = [1, 1, 1]} : vector<19x256x512xf32> to vector<1x256x512xf32>
    %squeeze3A_172 = vector.shape_cast %slice3A_171 : vector<1x256x512xf32> to vector<256x512xf32>
    %select_n3A_173 = arith.select %eq3A_170, %squeeze3A_172, %select_n3A_162 : vector<256x512xi1>, vector<256x512xf32>
    %get3A_174 = arith.constant 0 : index
    %get3A_175 = arith.constant 14 : index
    %get3A_176 = memref.load %arg3[%get3A_174, %get3A_175] : memref<1x19xf32, #tpu.memory_space<smem>>
    %broadcast_in_dim3A_177 = vector.broadcast %get3A_176 : f32 to vector<256x512xf32>
    %select_n3A_178 = arith.select %eq3A_170, %broadcast_in_dim3A_177, %select_n3A_167 : vector<256x512xi1>, vector<256x512xf32>
    %eq3A_179 = arith.constant 15 : i32
    %eq3A_180 = vector.broadcast %eq3A_179 : i32 to vector<256x512xi32>
    %eq3A_181 = arith.cmpi eq, %get3A_10, %eq3A_180 : vector<256x512xi32>
    %slice3A_182 = vector.extract_strided_slice %get3A_5 {offsets = [15, 0, 0], sizes = [1, 256, 512], strides = [1, 1, 1]} : vector<19x256x512xf32> to vector<1x256x512xf32>
    %squeeze3A_183 = vector.shape_cast %slice3A_182 : vector<1x256x512xf32> to vector<256x512xf32>
    %select_n3A_184 = arith.select %eq3A_181, %squeeze3A_183, %select_n3A_173 : vector<256x512xi1>, vector<256x512xf32>
    %get3A_185 = arith.constant 0 : index
    %get3A_186 = arith.constant 15 : index
    %get3A_187 = memref.load %arg3[%get3A_185, %get3A_186] : memref<1x19xf32, #tpu.memory_space<smem>>
    %broadcast_in_dim3A_188 = vector.broadcast %get3A_187 : f32 to vector<256x512xf32>
    %select_n3A_189 = arith.select %eq3A_181, %broadcast_in_dim3A_188, %select_n3A_178 : vector<256x512xi1>, vector<256x512xf32>
    %eq3A_190 = arith.constant 16 : i32
    %eq3A_191 = vector.broadcast %eq3A_190 : i32 to vector<256x512xi32>
    %eq3A_192 = arith.cmpi eq, %get3A_10, %eq3A_191 : vector<256x512xi32>
    %slice3A_193 = vector.extract_strided_slice %get3A_5 {offsets = [16, 0, 0], sizes = [1, 256, 512], strides = [1, 1, 1]} : vector<19x256x512xf32> to vector<1x256x512xf32>
    %squeeze3A_194 = vector.shape_cast %slice3A_193 : vector<1x256x512xf32> to vector<256x512xf32>
    %select_n3A_195 = arith.select %eq3A_192, %squeeze3A_194, %select_n3A_184 : vector<256x512xi1>, vector<256x512xf32>
    %get3A_196 = arith.constant 0 : index
    %get3A_197 = arith.constant 16 : index
    %get3A_198 = memref.load %arg3[%get3A_196, %get3A_197] : memref<1x19xf32, #tpu.memory_space<smem>>
    %broadcast_in_dim3A_199 = vector.broadcast %get3A_198 : f32 to vector<256x512xf32>
    %select_n3A_200 = arith.select %eq3A_192, %broadcast_in_dim3A_199, %select_n3A_189 : vector<256x512xi1>, vector<256x512xf32>
    %eq3A_201 = arith.constant 17 : i32
    %eq3A_202 = vector.broadcast %eq3A_201 : i32 to vector<256x512xi32>
    %eq3A_203 = arith.cmpi eq, %get3A_10, %eq3A_202 : vector<256x512xi32>
    %slice3A_204 = vector.extract_strided_slice %get3A_5 {offsets = [17, 0, 0], sizes = [1, 256, 512], strides = [1, 1, 1]} : vector<19x256x512xf32> to vector<1x256x512xf32>
    %squeeze3A_205 = vector.shape_cast %slice3A_204 : vector<1x256x512xf32> to vector<256x512xf32>
    %select_n3A_206 = arith.select %eq3A_203, %squeeze3A_205, %select_n3A_195 : vector<256x512xi1>, vector<256x512xf32>
    %get3A_207 = arith.constant 0 : index
    %get3A_208 = arith.constant 17 : index
    %get3A_209 = memref.load %arg3[%get3A_207, %get3A_208] : memref<1x19xf32, #tpu.memory_space<smem>>
    %broadcast_in_dim3A_210 = vector.broadcast %get3A_209 : f32 to vector<256x512xf32>
    %select_n3A_211 = arith.select %eq3A_203, %broadcast_in_dim3A_210, %select_n3A_200 : vector<256x512xi1>, vector<256x512xf32>
    %eq3A_212 = arith.constant 18 : i32
    %eq3A_213 = vector.broadcast %eq3A_212 : i32 to vector<256x512xi32>
    %eq3A_214 = arith.cmpi eq, %get3A_10, %eq3A_213 : vector<256x512xi32>
    %slice3A_215 = vector.extract_strided_slice %get3A_5 {offsets = [18, 0, 0], sizes = [1, 256, 512], strides = [1, 1, 1]} : vector<19x256x512xf32> to vector<1x256x512xf32>
    %squeeze3A_216 = vector.shape_cast %slice3A_215 : vector<1x256x512xf32> to vector<256x512xf32>
    %select_n3A_217 = arith.select %eq3A_214, %squeeze3A_216, %select_n3A_206 : vector<256x512xi1>, vector<256x512xf32>
    %get3A_218 = arith.constant 0 : index
    %get3A_219 = arith.constant 18 : index
    %get3A_220 = memref.load %arg3[%get3A_218, %get3A_219] : memref<1x19xf32, #tpu.memory_space<smem>>
    %broadcast_in_dim3A_221 = vector.broadcast %get3A_220 : f32 to vector<256x512xf32>
    %select_n3A_222 = arith.select %eq3A_214, %broadcast_in_dim3A_221, %select_n3A_211 : vector<256x512xi1>, vector<256x512xf32>
    %sub3A_223 = arith.subf %add3A, %select_n3A_217 : vector<256x512xf32>
    %mul3A = arith.mulf %sub3A_223, %select_n3A_222 : vector<256x512xf32>
    %swap3A = arith.constant 0 : index
    %swap3A_224 = arith.constant 0 : index
    %swap3A_225 = arith.constant 0 : index
    %swap3A_226 = vector.load %arg5[%swap3A, %swap3A_224, %swap3A_225] : memref<1x256x512xf32, #tpu.memory_space<vmem>>, vector<1x256x512xf32>
    %swap3A_227 = vector.shape_cast %swap3A_226 : vector<1x256x512xf32> to vector<256x512xf32>
    %swap3A_228 = vector.shape_cast %mul3A : vector<256x512xf32> to vector<1x256x512xf32>
    tpu.vector_store %arg5[%swap3A, %swap3A_224, %swap3A_225], %swap3A_228 {strides = array<i32>} : memref<1x256x512xf32, #tpu.memory_space<vmem>>, vector<1x256x512xf32>,
    return
  }
  func.func @transform_0(%arg0: i32, %arg1: i32) -> (i32, i32, i32) {
    %add3A = arith.constant 0 : i32
    %add3A_0 = arith.addi %add3A, %arg0 : i32
    %c0_i32 = arith.constant 0 : i32
    %c0_i32_1 = arith.constant 0 : i32
    return %add3A_0, %arg1, %c0_i32 : i32, i32, i32
  }
  func.func @transform_1(%arg0: i32, %arg1: i32) -> (i32, i32) {
    %c0_i32 = arith.constant 0 : i32
    %c0_i32_0 = arith.constant 0 : i32
    %c0_i32_1 = arith.constant 0 : i32
    return %c0_i32, %c0_i32_0 : i32, i32
  }
  func.func @transform_2(%arg0: i32, %arg1: i32) -> (i32, i32, i32, i32, i32) {
    %add3A = arith.constant 0 : i32
    %add3A_0 = arith.addi %add3A, %arg0 : i32
    %c0_i32 = arith.constant 0 : i32
    %c0_i32_1 = arith.constant 0 : i32
    %c0_i32_2 = arith.constant 0 : i32
    %c0_i32_3 = arith.constant 0 : i32
    return %c0_i32, %add3A_0, %c0_i32_1, %arg1, %c0_i32_2 : i32, i32, i32, i32, i32
  }
  func.func @transform_3(%arg0: i32, %arg1: i32) -> (i32, i32, i32) {
    %c0_i32 = arith.constant 0 : i32
    %c0_i32_0 = arith.constant 0 : i32
    return %arg0, %arg1, %c0_i32 : i32, i32, i32
  }
}

module attributes {stable_mosaic.version = 14 : i64} {
  func.func @_finalize_body(%arg0: memref<32x16384xf32, #tpu.memory_space<vmem>>, %arg1: memref<32x16384xf32, #tpu.memory_space<vmem>>, %arg2: memref<32x16384xf32, #tpu.memory_space<vmem>>, %arg3: memref<32x16384xf32, #tpu.memory_space<vmem>>, %arg4: memref<1x1xf32, #tpu.memory_space<smem>>) attributes {dimension_semantics = [], scalar_prefetch = 0 : i64, scratch_operands = 0 : i64, tpu.core_type = #tpu.core_type<tc>} {
    %get3A = arith.constant 0 : index
    %get3A_0 = arith.constant 0 : index
    %get3A_1 = vector.load %arg0[%get3A, %get3A_0] : memref<32x16384xf32, #tpu.memory_space<vmem>>, vector<32x16384xf32>
    %reduce_sum3A = arith.constant dense<0.000000e+00> : vector<16384xf32>
    %reduce_sum3A_2 = vector.multi_reduction <add>, %get3A_1, %reduce_sum3A [0] : vector<32x16384xf32> to vector<16384xf32>
    %broadcast_in_dim3A = vector.shape_cast %reduce_sum3A_2 : vector<16384xf32> to vector<1x16384xf32>
    %get3A_3 = arith.constant 0 : index
    %get3A_4 = arith.constant 0 : index
    %get3A_5 = vector.load %arg1[%get3A_3, %get3A_4] : memref<32x16384xf32, #tpu.memory_space<vmem>>, vector<32x16384xf32>
    %reduce_sum3A_6 = arith.constant dense<0.000000e+00> : vector<16384xf32>
    %reduce_sum3A_7 = vector.multi_reduction <add>, %get3A_5, %reduce_sum3A_6 [0] : vector<32x16384xf32> to vector<16384xf32>
    %broadcast_in_dim3A_8 = vector.shape_cast %reduce_sum3A_7 : vector<16384xf32> to vector<1x16384xf32>
    %get3A_9 = arith.constant 0 : index
    %get3A_10 = arith.constant 0 : index
    %get3A_11 = vector.load %arg2[%get3A_9, %get3A_10] : memref<32x16384xf32, #tpu.memory_space<vmem>>, vector<32x16384xf32>
    %reduce_sum3A_12 = arith.constant dense<0.000000e+00> : vector<16384xf32>
    %reduce_sum3A_13 = vector.multi_reduction <add>, %get3A_11, %reduce_sum3A_12 [0] : vector<32x16384xf32> to vector<16384xf32>
    %broadcast_in_dim3A_14 = vector.shape_cast %reduce_sum3A_13 : vector<16384xf32> to vector<1x16384xf32>
    %get3A_15 = arith.constant 0 : index
    %get3A_16 = arith.constant 0 : index
    %get3A_17 = vector.load %arg3[%get3A_15, %get3A_16] : memref<32x16384xf32, #tpu.memory_space<vmem>>, vector<32x16384xf32>
    %reduce_sum3A_18 = arith.constant dense<0.000000e+00> : vector<16384xf32>
    %reduce_sum3A_19 = vector.multi_reduction <add>, %get3A_17, %reduce_sum3A_18 [0] : vector<32x16384xf32> to vector<16384xf32>
    %broadcast_in_dim3A_20 = vector.shape_cast %reduce_sum3A_19 : vector<16384xf32> to vector<1x16384xf32>
    %concatenate3A = tpu.concatenate %broadcast_in_dim3A, %broadcast_in_dim3A_14 in 0 : vector<1x16384xf32>, vector<1x16384xf32> -> vector<2x16384xf32>
    %concatenate3A_21 = tpu.concatenate %broadcast_in_dim3A_8, %broadcast_in_dim3A_20 in 0 : vector<1x16384xf32>, vector<1x16384xf32> -> vector<2x16384xf32>
    %broadcast_in_dim3A_22 = arith.constant 0.000000e+00 : f32
    %broadcast_in_dim3A_23 = vector.broadcast %broadcast_in_dim3A_22 : f32 to vector<2x1xf32>
    %slice3A = vector.extract_strided_slice %concatenate3A {offsets = [0, 0], sizes = [2, 16383], strides = [1, 1]} : vector<2x16384xf32> to vector<2x16383xf32>
    %concatenate3A_24 = tpu.concatenate %broadcast_in_dim3A_23, %slice3A in 1 : vector<2x1xf32>, vector<2x16383xf32> -> vector<2x16384xf32>
    %add3A = arith.addf %concatenate3A, %concatenate3A_24 : vector<2x16384xf32>
    %broadcast_in_dim3A_25 = arith.constant 0.000000e+00 : f32
    %broadcast_in_dim3A_26 = vector.broadcast %broadcast_in_dim3A_25 : f32 to vector<2x2xf32>
    %slice3A_27 = vector.extract_strided_slice %add3A {offsets = [0, 0], sizes = [2, 16382], strides = [1, 1]} : vector<2x16384xf32> to vector<2x16382xf32>
    %concatenate3A_28 = tpu.concatenate %broadcast_in_dim3A_26, %slice3A_27 in 1 : vector<2x2xf32>, vector<2x16382xf32> -> vector<2x16384xf32>
    %add3A_29 = arith.addf %add3A, %concatenate3A_28 : vector<2x16384xf32>
    %broadcast_in_dim3A_30 = arith.constant 0.000000e+00 : f32
    %broadcast_in_dim3A_31 = vector.broadcast %broadcast_in_dim3A_30 : f32 to vector<2x4xf32>
    %slice3A_32 = vector.extract_strided_slice %add3A_29 {offsets = [0, 0], sizes = [2, 16380], strides = [1, 1]} : vector<2x16384xf32> to vector<2x16380xf32>
    %concatenate3A_33 = tpu.concatenate %broadcast_in_dim3A_31, %slice3A_32 in 1 : vector<2x4xf32>, vector<2x16380xf32> -> vector<2x16384xf32>
    %add3A_34 = arith.addf %add3A_29, %concatenate3A_33 : vector<2x16384xf32>
    %broadcast_in_dim3A_35 = arith.constant 0.000000e+00 : f32
    %broadcast_in_dim3A_36 = vector.broadcast %broadcast_in_dim3A_35 : f32 to vector<2x8xf32>
    %slice3A_37 = vector.extract_strided_slice %add3A_34 {offsets = [0, 0], sizes = [2, 16376], strides = [1, 1]} : vector<2x16384xf32> to vector<2x16376xf32>
    %concatenate3A_38 = tpu.concatenate %broadcast_in_dim3A_36, %slice3A_37 in 1 : vector<2x8xf32>, vector<2x16376xf32> -> vector<2x16384xf32>
    %add3A_39 = arith.addf %add3A_34, %concatenate3A_38 : vector<2x16384xf32>
    %broadcast_in_dim3A_40 = arith.constant 0.000000e+00 : f32
    %broadcast_in_dim3A_41 = vector.broadcast %broadcast_in_dim3A_40 : f32 to vector<2x16xf32>
    %slice3A_42 = vector.extract_strided_slice %add3A_39 {offsets = [0, 0], sizes = [2, 16368], strides = [1, 1]} : vector<2x16384xf32> to vector<2x16368xf32>
    %concatenate3A_43 = tpu.concatenate %broadcast_in_dim3A_41, %slice3A_42 in 1 : vector<2x16xf32>, vector<2x16368xf32> -> vector<2x16384xf32>
    %add3A_44 = arith.addf %add3A_39, %concatenate3A_43 : vector<2x16384xf32>
    %broadcast_in_dim3A_45 = arith.constant 0.000000e+00 : f32
    %broadcast_in_dim3A_46 = vector.broadcast %broadcast_in_dim3A_45 : f32 to vector<2x32xf32>
    %slice3A_47 = vector.extract_strided_slice %add3A_44 {offsets = [0, 0], sizes = [2, 16352], strides = [1, 1]} : vector<2x16384xf32> to vector<2x16352xf32>
    %concatenate3A_48 = tpu.concatenate %broadcast_in_dim3A_46, %slice3A_47 in 1 : vector<2x32xf32>, vector<2x16352xf32> -> vector<2x16384xf32>
    %add3A_49 = arith.addf %add3A_44, %concatenate3A_48 : vector<2x16384xf32>
    %broadcast_in_dim3A_50 = arith.constant 0.000000e+00 : f32
    %broadcast_in_dim3A_51 = vector.broadcast %broadcast_in_dim3A_50 : f32 to vector<2x64xf32>
    %slice3A_52 = vector.extract_strided_slice %add3A_49 {offsets = [0, 0], sizes = [2, 16320], strides = [1, 1]} : vector<2x16384xf32> to vector<2x16320xf32>
    %concatenate3A_53 = tpu.concatenate %broadcast_in_dim3A_51, %slice3A_52 in 1 : vector<2x64xf32>, vector<2x16320xf32> -> vector<2x16384xf32>
    %add3A_54 = arith.addf %add3A_49, %concatenate3A_53 : vector<2x16384xf32>
    %broadcast_in_dim3A_55 = arith.constant 0.000000e+00 : f32
    %broadcast_in_dim3A_56 = vector.broadcast %broadcast_in_dim3A_55 : f32 to vector<2x128xf32>
    %slice3A_57 = vector.extract_strided_slice %add3A_54 {offsets = [0, 0], sizes = [2, 16256], strides = [1, 1]} : vector<2x16384xf32> to vector<2x16256xf32>
    %concatenate3A_58 = tpu.concatenate %broadcast_in_dim3A_56, %slice3A_57 in 1 : vector<2x128xf32>, vector<2x16256xf32> -> vector<2x16384xf32>
    %add3A_59 = arith.addf %add3A_54, %concatenate3A_58 : vector<2x16384xf32>
    %broadcast_in_dim3A_60 = arith.constant 0.000000e+00 : f32
    %broadcast_in_dim3A_61 = vector.broadcast %broadcast_in_dim3A_60 : f32 to vector<2x256xf32>
    %slice3A_62 = vector.extract_strided_slice %add3A_59 {offsets = [0, 0], sizes = [2, 16128], strides = [1, 1]} : vector<2x16384xf32> to vector<2x16128xf32>
    %concatenate3A_63 = tpu.concatenate %broadcast_in_dim3A_61, %slice3A_62 in 1 : vector<2x256xf32>, vector<2x16128xf32> -> vector<2x16384xf32>
    %add3A_64 = arith.addf %add3A_59, %concatenate3A_63 : vector<2x16384xf32>
    %broadcast_in_dim3A_65 = arith.constant 0.000000e+00 : f32
    %broadcast_in_dim3A_66 = vector.broadcast %broadcast_in_dim3A_65 : f32 to vector<2x512xf32>
    %slice3A_67 = vector.extract_strided_slice %add3A_64 {offsets = [0, 0], sizes = [2, 15872], strides = [1, 1]} : vector<2x16384xf32> to vector<2x15872xf32>
    %concatenate3A_68 = tpu.concatenate %broadcast_in_dim3A_66, %slice3A_67 in 1 : vector<2x512xf32>, vector<2x15872xf32> -> vector<2x16384xf32>
    %add3A_69 = arith.addf %add3A_64, %concatenate3A_68 : vector<2x16384xf32>
    %broadcast_in_dim3A_70 = arith.constant 0.000000e+00 : f32
    %broadcast_in_dim3A_71 = vector.broadcast %broadcast_in_dim3A_70 : f32 to vector<2x1024xf32>
    %slice3A_72 = vector.extract_strided_slice %add3A_69 {offsets = [0, 0], sizes = [2, 15360], strides = [1, 1]} : vector<2x16384xf32> to vector<2x15360xf32>
    %concatenate3A_73 = tpu.concatenate %broadcast_in_dim3A_71, %slice3A_72 in 1 : vector<2x1024xf32>, vector<2x15360xf32> -> vector<2x16384xf32>
    %add3A_74 = arith.addf %add3A_69, %concatenate3A_73 : vector<2x16384xf32>
    %broadcast_in_dim3A_75 = arith.constant 0.000000e+00 : f32
    %broadcast_in_dim3A_76 = vector.broadcast %broadcast_in_dim3A_75 : f32 to vector<2x2048xf32>
    %slice3A_77 = vector.extract_strided_slice %add3A_74 {offsets = [0, 0], sizes = [2, 14336], strides = [1, 1]} : vector<2x16384xf32> to vector<2x14336xf32>
    %concatenate3A_78 = tpu.concatenate %broadcast_in_dim3A_76, %slice3A_77 in 1 : vector<2x2048xf32>, vector<2x14336xf32> -> vector<2x16384xf32>
    %add3A_79 = arith.addf %add3A_74, %concatenate3A_78 : vector<2x16384xf32>
    %broadcast_in_dim3A_80 = arith.constant 0.000000e+00 : f32
    %broadcast_in_dim3A_81 = vector.broadcast %broadcast_in_dim3A_80 : f32 to vector<2x4096xf32>
    %slice3A_82 = vector.extract_strided_slice %add3A_79 {offsets = [0, 0], sizes = [2, 12288], strides = [1, 1]} : vector<2x16384xf32> to vector<2x12288xf32>
    %concatenate3A_83 = tpu.concatenate %broadcast_in_dim3A_81, %slice3A_82 in 1 : vector<2x4096xf32>, vector<2x12288xf32> -> vector<2x16384xf32>
    %add3A_84 = arith.addf %add3A_79, %concatenate3A_83 : vector<2x16384xf32>
    %broadcast_in_dim3A_85 = arith.constant 0.000000e+00 : f32
    %broadcast_in_dim3A_86 = vector.broadcast %broadcast_in_dim3A_85 : f32 to vector<2x8192xf32>
    %slice3A_87 = vector.extract_strided_slice %add3A_84 {offsets = [0, 0], sizes = [2, 8192], strides = [1, 1]} : vector<2x16384xf32> to vector<2x8192xf32>
    %concatenate3A_88 = tpu.concatenate %broadcast_in_dim3A_86, %slice3A_87 in 1 : vector<2x8192xf32>, vector<2x8192xf32> -> vector<2x16384xf32>
    %add3A_89 = arith.addf %add3A_84, %concatenate3A_88 : vector<2x16384xf32>
    %broadcast_in_dim3A_90 = arith.constant 0.000000e+00 : f32
    %broadcast_in_dim3A_91 = vector.broadcast %broadcast_in_dim3A_90 : f32 to vector<2x1xf32>
    %slice3A_92 = vector.extract_strided_slice %concatenate3A_21 {offsets = [0, 0], sizes = [2, 16383], strides = [1, 1]} : vector<2x16384xf32> to vector<2x16383xf32>
    %concatenate3A_93 = tpu.concatenate %broadcast_in_dim3A_91, %slice3A_92 in 1 : vector<2x1xf32>, vector<2x16383xf32> -> vector<2x16384xf32>
    %add3A_94 = arith.addf %concatenate3A_21, %concatenate3A_93 : vector<2x16384xf32>
    %broadcast_in_dim3A_95 = arith.constant 0.000000e+00 : f32
    %broadcast_in_dim3A_96 = vector.broadcast %broadcast_in_dim3A_95 : f32 to vector<2x2xf32>
    %slice3A_97 = vector.extract_strided_slice %add3A_94 {offsets = [0, 0], sizes = [2, 16382], strides = [1, 1]} : vector<2x16384xf32> to vector<2x16382xf32>
    %concatenate3A_98 = tpu.concatenate %broadcast_in_dim3A_96, %slice3A_97 in 1 : vector<2x2xf32>, vector<2x16382xf32> -> vector<2x16384xf32>
    %add3A_99 = arith.addf %add3A_94, %concatenate3A_98 : vector<2x16384xf32>
    %broadcast_in_dim3A_100 = arith.constant 0.000000e+00 : f32
    %broadcast_in_dim3A_101 = vector.broadcast %broadcast_in_dim3A_100 : f32 to vector<2x4xf32>
    %slice3A_102 = vector.extract_strided_slice %add3A_99 {offsets = [0, 0], sizes = [2, 16380], strides = [1, 1]} : vector<2x16384xf32> to vector<2x16380xf32>
    %concatenate3A_103 = tpu.concatenate %broadcast_in_dim3A_101, %slice3A_102 in 1 : vector<2x4xf32>, vector<2x16380xf32> -> vector<2x16384xf32>
    %add3A_104 = arith.addf %add3A_99, %concatenate3A_103 : vector<2x16384xf32>
    %broadcast_in_dim3A_105 = arith.constant 0.000000e+00 : f32
    %broadcast_in_dim3A_106 = vector.broadcast %broadcast_in_dim3A_105 : f32 to vector<2x8xf32>
    %slice3A_107 = vector.extract_strided_slice %add3A_104 {offsets = [0, 0], sizes = [2, 16376], strides = [1, 1]} : vector<2x16384xf32> to vector<2x16376xf32>
    %concatenate3A_108 = tpu.concatenate %broadcast_in_dim3A_106, %slice3A_107 in 1 : vector<2x8xf32>, vector<2x16376xf32> -> vector<2x16384xf32>
    %add3A_109 = arith.addf %add3A_104, %concatenate3A_108 : vector<2x16384xf32>
    %broadcast_in_dim3A_110 = arith.constant 0.000000e+00 : f32
    %broadcast_in_dim3A_111 = vector.broadcast %broadcast_in_dim3A_110 : f32 to vector<2x16xf32>
    %slice3A_112 = vector.extract_strided_slice %add3A_109 {offsets = [0, 0], sizes = [2, 16368], strides = [1, 1]} : vector<2x16384xf32> to vector<2x16368xf32>
    %concatenate3A_113 = tpu.concatenate %broadcast_in_dim3A_111, %slice3A_112 in 1 : vector<2x16xf32>, vector<2x16368xf32> -> vector<2x16384xf32>
    %add3A_114 = arith.addf %add3A_109, %concatenate3A_113 : vector<2x16384xf32>
    %broadcast_in_dim3A_115 = arith.constant 0.000000e+00 : f32
    %broadcast_in_dim3A_116 = vector.broadcast %broadcast_in_dim3A_115 : f32 to vector<2x32xf32>
    %slice3A_117 = vector.extract_strided_slice %add3A_114 {offsets = [0, 0], sizes = [2, 16352], strides = [1, 1]} : vector<2x16384xf32> to vector<2x16352xf32>
    %concatenate3A_118 = tpu.concatenate %broadcast_in_dim3A_116, %slice3A_117 in 1 : vector<2x32xf32>, vector<2x16352xf32> -> vector<2x16384xf32>
    %add3A_119 = arith.addf %add3A_114, %concatenate3A_118 : vector<2x16384xf32>
    %broadcast_in_dim3A_120 = arith.constant 0.000000e+00 : f32
    %broadcast_in_dim3A_121 = vector.broadcast %broadcast_in_dim3A_120 : f32 to vector<2x64xf32>
    %slice3A_122 = vector.extract_strided_slice %add3A_119 {offsets = [0, 0], sizes = [2, 16320], strides = [1, 1]} : vector<2x16384xf32> to vector<2x16320xf32>
    %concatenate3A_123 = tpu.concatenate %broadcast_in_dim3A_121, %slice3A_122 in 1 : vector<2x64xf32>, vector<2x16320xf32> -> vector<2x16384xf32>
    %add3A_124 = arith.addf %add3A_119, %concatenate3A_123 : vector<2x16384xf32>
    %broadcast_in_dim3A_125 = arith.constant 0.000000e+00 : f32
    %broadcast_in_dim3A_126 = vector.broadcast %broadcast_in_dim3A_125 : f32 to vector<2x128xf32>
    %slice3A_127 = vector.extract_strided_slice %add3A_124 {offsets = [0, 0], sizes = [2, 16256], strides = [1, 1]} : vector<2x16384xf32> to vector<2x16256xf32>
    %concatenate3A_128 = tpu.concatenate %broadcast_in_dim3A_126, %slice3A_127 in 1 : vector<2x128xf32>, vector<2x16256xf32> -> vector<2x16384xf32>
    %add3A_129 = arith.addf %add3A_124, %concatenate3A_128 : vector<2x16384xf32>
    %broadcast_in_dim3A_130 = arith.constant 0.000000e+00 : f32
    %broadcast_in_dim3A_131 = vector.broadcast %broadcast_in_dim3A_130 : f32 to vector<2x256xf32>
    %slice3A_132 = vector.extract_strided_slice %add3A_129 {offsets = [0, 0], sizes = [2, 16128], strides = [1, 1]} : vector<2x16384xf32> to vector<2x16128xf32>
    %concatenate3A_133 = tpu.concatenate %broadcast_in_dim3A_131, %slice3A_132 in 1 : vector<2x256xf32>, vector<2x16128xf32> -> vector<2x16384xf32>
    %add3A_134 = arith.addf %add3A_129, %concatenate3A_133 : vector<2x16384xf32>
    %broadcast_in_dim3A_135 = arith.constant 0.000000e+00 : f32
    %broadcast_in_dim3A_136 = vector.broadcast %broadcast_in_dim3A_135 : f32 to vector<2x512xf32>
    %slice3A_137 = vector.extract_strided_slice %add3A_134 {offsets = [0, 0], sizes = [2, 15872], strides = [1, 1]} : vector<2x16384xf32> to vector<2x15872xf32>
    %concatenate3A_138 = tpu.concatenate %broadcast_in_dim3A_136, %slice3A_137 in 1 : vector<2x512xf32>, vector<2x15872xf32> -> vector<2x16384xf32>
    %add3A_139 = arith.addf %add3A_134, %concatenate3A_138 : vector<2x16384xf32>
    %broadcast_in_dim3A_140 = arith.constant 0.000000e+00 : f32
    %broadcast_in_dim3A_141 = vector.broadcast %broadcast_in_dim3A_140 : f32 to vector<2x1024xf32>
    %slice3A_142 = vector.extract_strided_slice %add3A_139 {offsets = [0, 0], sizes = [2, 15360], strides = [1, 1]} : vector<2x16384xf32> to vector<2x15360xf32>
    %concatenate3A_143 = tpu.concatenate %broadcast_in_dim3A_141, %slice3A_142 in 1 : vector<2x1024xf32>, vector<2x15360xf32> -> vector<2x16384xf32>
    %add3A_144 = arith.addf %add3A_139, %concatenate3A_143 : vector<2x16384xf32>
    %broadcast_in_dim3A_145 = arith.constant 0.000000e+00 : f32
    %broadcast_in_dim3A_146 = vector.broadcast %broadcast_in_dim3A_145 : f32 to vector<2x2048xf32>
    %slice3A_147 = vector.extract_strided_slice %add3A_144 {offsets = [0, 0], sizes = [2, 14336], strides = [1, 1]} : vector<2x16384xf32> to vector<2x14336xf32>
    %concatenate3A_148 = tpu.concatenate %broadcast_in_dim3A_146, %slice3A_147 in 1 : vector<2x2048xf32>, vector<2x14336xf32> -> vector<2x16384xf32>
    %add3A_149 = arith.addf %add3A_144, %concatenate3A_148 : vector<2x16384xf32>
    %broadcast_in_dim3A_150 = arith.constant 0.000000e+00 : f32
    %broadcast_in_dim3A_151 = vector.broadcast %broadcast_in_dim3A_150 : f32 to vector<2x4096xf32>
    %slice3A_152 = vector.extract_strided_slice %add3A_149 {offsets = [0, 0], sizes = [2, 12288], strides = [1, 1]} : vector<2x16384xf32> to vector<2x12288xf32>
    %concatenate3A_153 = tpu.concatenate %broadcast_in_dim3A_151, %slice3A_152 in 1 : vector<2x4096xf32>, vector<2x12288xf32> -> vector<2x16384xf32>
    %add3A_154 = arith.addf %add3A_149, %concatenate3A_153 : vector<2x16384xf32>
    %broadcast_in_dim3A_155 = arith.constant 0.000000e+00 : f32
    %broadcast_in_dim3A_156 = vector.broadcast %broadcast_in_dim3A_155 : f32 to vector<2x8192xf32>
    %slice3A_157 = vector.extract_strided_slice %add3A_154 {offsets = [0, 0], sizes = [2, 8192], strides = [1, 1]} : vector<2x16384xf32> to vector<2x8192xf32>
    %concatenate3A_158 = tpu.concatenate %broadcast_in_dim3A_156, %slice3A_157 in 1 : vector<2x8192xf32>, vector<2x8192xf32> -> vector<2x16384xf32>
    %add3A_159 = arith.addf %add3A_154, %concatenate3A_158 : vector<2x16384xf32>
    %slice3A_160 = vector.extract_strided_slice %add3A_89 {offsets = [0, 16383], sizes = [2, 1], strides = [1, 1]} : vector<2x16384xf32> to vector<2x1xf32>
    %slice3A_161 = vector.extract_strided_slice %add3A_159 {offsets = [0, 16383], sizes = [2, 1], strides = [1, 1]} : vector<2x16384xf32> to vector<2x1xf32>
    %sub3A = vector.broadcast %slice3A_160 : vector<2x1xf32> to vector<2x16384xf32>
    %sub3A_162 = arith.subf %sub3A, %add3A_89 : vector<2x16384xf32>
    %add3A_163 = arith.addf %sub3A_162, %concatenate3A : vector<2x16384xf32>
    %sub3A_164 = vector.broadcast %slice3A_161 : vector<2x1xf32> to vector<2x16384xf32>
    %sub3A_165 = arith.subf %sub3A_164, %add3A_159 : vector<2x16384xf32>
    %add3A_166 = arith.addf %sub3A_165, %concatenate3A_21 : vector<2x16384xf32>
    %ge3A = arith.constant 5.242880e+05 : f32
    %ge3A_167 = vector.broadcast %ge3A : f32 to vector<2x16384xf32>
    %ge3A_168 = arith.cmpf oge, %add3A_163, %ge3A_167 : vector<2x16384xf32>
    %convert_element_type3A = arith.extui %ge3A_168 : vector<2x16384xi1> to vector<2x16384xi32>
    %convert_element_type3A_169 = arith.sitofp %convert_element_type3A : vector<2x16384xi32> to vector<2x16384xf32>
    %reduce_sum3A_170 = arith.constant dense<0.000000e+00> : vector<2xf32>
    %reduce_sum3A_171 = vector.multi_reduction <add>, %convert_element_type3A_169, %reduce_sum3A_170 [1] : vector<2x16384xf32> to vector<2xf32>
    %broadcast_in_dim3A_172 = vector.shape_cast %reduce_sum3A_171 : vector<2xf32> to vector<2x1xf32>
    %sub3A_173 = arith.constant 1.000000e+00 : f32
    %sub3A_174 = vector.broadcast %sub3A_173 : f32 to vector<2x1xf32>
    %sub3A_175 = arith.subf %broadcast_in_dim3A_172, %sub3A_174 : vector<2x1xf32>
    %convert_element_type3A_176 = arith.fptosi %sub3A_175 : vector<2x1xf32> to vector<2x1xi32>
    %iota3A = tpu.iota {dimensions = array<i32: 1>} : vector<2x16384xi32>
    %eq3A = vector.broadcast %convert_element_type3A_176 : vector<2x1xi32> to vector<2x16384xi32>
    %eq3A_177 = arith.cmpi eq, %iota3A, %eq3A : vector<2x16384xi32>
    %broadcast_in_dim3A_178 = arith.constant 0.000000e+00 : f32
    %broadcast_in_dim3A_179 = vector.broadcast %broadcast_in_dim3A_178 : f32 to vector<2x16384xf32>
    %select_n3A = arith.select %eq3A_177, %concatenate3A, %broadcast_in_dim3A_179 : vector<2x16384xi1>, vector<2x16384xf32>
    %reduce_sum3A_180 = arith.constant dense<0.000000e+00> : vector<2xf32>
    %reduce_sum3A_181 = vector.multi_reduction <add>, %select_n3A, %reduce_sum3A_180 [1] : vector<2x16384xf32> to vector<2xf32>
    %broadcast_in_dim3A_182 = vector.shape_cast %reduce_sum3A_181 : vector<2xf32> to vector<2x1xf32>
    %select_n3A_183 = arith.select %eq3A_177, %concatenate3A_21, %broadcast_in_dim3A_179 : vector<2x16384xi1>, vector<2x16384xf32>
    %reduce_sum3A_184 = arith.constant dense<0.000000e+00> : vector<2xf32>
    %reduce_sum3A_185 = vector.multi_reduction <add>, %select_n3A_183, %reduce_sum3A_184 [1] : vector<2x16384xf32> to vector<2xf32>
    %broadcast_in_dim3A_186 = vector.shape_cast %reduce_sum3A_185 : vector<2xf32> to vector<2x1xf32>
    %select_n3A_187 = arith.select %eq3A_177, %add3A_163, %broadcast_in_dim3A_179 : vector<2x16384xi1>, vector<2x16384xf32>
    %reduce_sum3A_188 = arith.constant dense<0.000000e+00> : vector<2xf32>
    %reduce_sum3A_189 = vector.multi_reduction <add>, %select_n3A_187, %reduce_sum3A_188 [1] : vector<2x16384xf32> to vector<2xf32>
    %broadcast_in_dim3A_190 = vector.shape_cast %reduce_sum3A_189 : vector<2xf32> to vector<2x1xf32>
    %select_n3A_191 = arith.select %eq3A_177, %add3A_166, %broadcast_in_dim3A_179 : vector<2x16384xi1>, vector<2x16384xf32>
    %reduce_sum3A_192 = arith.constant dense<0.000000e+00> : vector<2xf32>
    %reduce_sum3A_193 = vector.multi_reduction <add>, %select_n3A_191, %reduce_sum3A_192 [1] : vector<2x16384xf32> to vector<2xf32>
    %broadcast_in_dim3A_194 = vector.shape_cast %reduce_sum3A_193 : vector<2xf32> to vector<2x1xf32>
    %sub3A_195 = arith.subf %broadcast_in_dim3A_190, %broadcast_in_dim3A_182 : vector<2x1xf32>
    %sub3A_196 = arith.subf %broadcast_in_dim3A_194, %broadcast_in_dim3A_186 : vector<2x1xf32>
    %shift_left3A = arith.constant 18 : i32
    %shift_left3A_197 = vector.broadcast %shift_left3A : i32 to vector<2x1xi32>
    %shift_left3A_198 = arith.shli %convert_element_type3A_176, %shift_left3A_197 : vector<2x1xi32>
    %bitcast_convert_type3A = tpu.bitcast %shift_left3A_198 : vector<2x1xi32> -> vector<2x1xf32>
    %add3A_199 = arith.constant 1 : i32
    %add3A_200 = vector.broadcast %add3A_199 : i32 to vector<2x1xi32>
    %add3A_201 = arith.addi %convert_element_type3A_176, %add3A_200 : vector<2x1xi32>
    %shift_left3A_202 = arith.constant 18 : i32
    %shift_left3A_203 = vector.broadcast %shift_left3A_202 : i32 to vector<2x1xi32>
    %shift_left3A_204 = arith.shli %add3A_201, %shift_left3A_203 : vector<2x1xi32>
    %bitcast_convert_type3A_205 = tpu.bitcast %shift_left3A_204 : vector<2x1xi32> -> vector<2x1xf32>
    %sub3A_206 = arith.subf %bitcast_convert_type3A_205, %bitcast_convert_type3A : vector<2x1xf32>
    %sub3A_207 = arith.constant 5.242880e+05 : f32
    %sub3A_208 = vector.broadcast %sub3A_207 : f32 to vector<2x1xf32>
    %sub3A_209 = arith.subf %sub3A_208, %sub3A_195 : vector<2x1xf32>
    %div3A = arith.divf %broadcast_in_dim3A_186, %broadcast_in_dim3A_182 : vector<2x1xf32>
    %mul3A = arith.mulf %sub3A_209, %div3A : vector<2x1xf32>
    %div3A_210 = arith.divf %sub3A_209, %broadcast_in_dim3A_182 : vector<2x1xf32>
    %sub3A_211 = arith.constant 1.000000e+00 : f32
    %sub3A_212 = vector.broadcast %sub3A_211 : f32 to vector<2x1xf32>
    %sub3A_213 = arith.subf %sub3A_212, %div3A_210 : vector<2x1xf32>
    %mul3A_214 = arith.mulf %sub3A_209, %sub3A_213 : vector<2x1xf32>
    %mul3A_215 = arith.mulf %mul3A_214, %sub3A_206 : vector<2x1xf32>
    %mul3A_216 = arith.constant 5.000000e-01 : f32
    %mul3A_217 = vector.broadcast %mul3A_216 : f32 to vector<2x1xf32>
    %mul3A_218 = arith.mulf %mul3A_215, %mul3A_217 : vector<2x1xf32>
    %add3A_219 = arith.addf %mul3A, %mul3A_218 : vector<2x1xf32>
    %add3A_220 = arith.addf %sub3A_196, %add3A_219 : vector<2x1xf32>
    %div3A_221 = arith.constant 5.242880e+05 : f32
    %div3A_222 = vector.broadcast %div3A_221 : f32 to vector<2x1xf32>
    %div3A_223 = arith.divf %add3A_220, %div3A_222 : vector<2x1xf32>
    %reduce_sum3A_224 = vector.shape_cast %div3A_223 : vector<2x1xf32> to vector<1x2x1xf32>
    %reduce_sum3A_225 = arith.constant dense<0.000000e+00> : vector<1xf32>
    %reduce_sum3A_226 = vector.multi_reduction <add>, %reduce_sum3A_224, %reduce_sum3A_225 [1, 2] : vector<1x2x1xf32> to vector<1xf32>
    %reduce_sum3A_227 = vector.shape_cast %reduce_sum3A_226 : vector<1xf32> to vector<1x1x1xf32>
    %reduce_sum3A_228 = vector.extract %reduce_sum3A_227[0, 0, 0] : f32 from vector<1x1x1xf32>
    %div3A_229 = arith.constant 2.000000e+00 : f32
    %div3A_230 = arith.divf %reduce_sum3A_228, %div3A_229 : f32
    %swap3A = arith.constant 0 : index
    %swap3A_231 = arith.constant 0 : index
    %swap3A_232 = memref.load %arg4[%swap3A, %swap3A_231] : memref<1x1xf32, #tpu.memory_space<smem>>
    memref.store %div3A_230, %arg4[%swap3A, %swap3A_231] : memref<1x1xf32, #tpu.memory_space<smem>>
    return
  }
}

module attributes {stable_mosaic.version = 14 : i64} {
  func.func @_ce_body(%arg0: i32, %arg1: i32, %arg2: memref<1x256x512xi32, #tpu.memory_space<vmem>>, %arg3: memref<1x19xf32, #tpu.memory_space<smem>>, %arg4: memref<1x1x19x256x512xf32, #tpu.memory_space<vmem>>, %arg5: memref<1x256x512xf32, #tpu.memory_space<vmem>>) attributes {dimension_semantics = [#tpu.dimension_semantics<arbitrary>, #tpu.dimension_semantics<arbitrary>], iteration_bounds = array<i64: 4, 2>, scalar_prefetch = 0 : i64, scratch_operands = 0 : i64, tpu.core_type = #tpu.core_type<tc>, window_params = [{transform_indices = @transform_0, window_bounds = array<i64: 1, 256, 512>}, {transform_indices = @transform_1, window_bounds = array<i64: 1, 19>}, {transform_indices = @transform_2, window_bounds = array<i64: 1, 1, 19, 256, 512>}, {transform_indices = @transform_3, window_bounds = array<i64: 1, 256, 512>}]} {
    %get3A = arith.constant 0 : index
    %get3A_0 = arith.constant 0 : index
    %get3A_1 = arith.constant 0 : index
    %get3A_2 = arith.constant 0 : index
    %get3A_3 = arith.constant 0 : index
    %get3A_4 = vector.load %arg4[%get3A, %get3A_0, %get3A_1, %get3A_2, %get3A_3] : memref<1x1x19x256x512xf32, #tpu.memory_space<vmem>>, vector<1x1x19x256x512xf32>
    %get3A_5 = vector.shape_cast %get3A_4 : vector<1x1x19x256x512xf32> to vector<19x256x512xf32>
    %get3A_6 = arith.constant 0 : index
    %get3A_7 = arith.constant 0 : index
    %get3A_8 = arith.constant 0 : index
    %get3A_9 = vector.load %arg2[%get3A_6, %get3A_7, %get3A_8] : memref<1x256x512xi32, #tpu.memory_space<vmem>>, vector<1x256x512xi32>
    %get3A_10 = vector.shape_cast %get3A_9 : vector<1x256x512xi32> to vector<256x512xi32>
    %reduce_max3A = arith.constant dense<0xFF800000> : vector<256x512xf32>
    %reduce_max3A_11 = vector.multi_reduction <maximumf>, %get3A_5, %reduce_max3A [0] : vector<19x256x512xf32> to vector<256x512xf32>
    %broadcast_in_dim3A = vector.shape_cast %reduce_max3A_11 : vector<256x512xf32> to vector<1x256x512xf32>
    %sub3A = vector.broadcast %broadcast_in_dim3A : vector<1x256x512xf32> to vector<19x256x512xf32>
    %sub3A_12 = arith.subf %get3A_5, %sub3A : vector<19x256x512xf32>
    %exp3A = math.exp %sub3A_12 : vector<19x256x512xf32>
    %reduce_sum3A = arith.constant dense<0.000000e+00> : vector<256x512xf32>
    %reduce_sum3A_13 = vector.multi_reduction <add>, %exp3A, %reduce_sum3A [0] : vector<19x256x512xf32> to vector<256x512xf32>
    %log3A = math.log %reduce_sum3A_13 : vector<256x512xf32>
    %add3A = arith.addf %log3A, %reduce_max3A_11 : vector<256x512xf32>
    %broadcast_in_dim3A_14 = arith.constant 0.000000e+00 : f32
    %broadcast_in_dim3A_15 = vector.broadcast %broadcast_in_dim3A_14 : f32 to vector<256x512xf32>
    %broadcast_in_dim3A_16 = arith.constant 0.000000e+00 : f32
    %broadcast_in_dim3A_17 = vector.broadcast %broadcast_in_dim3A_16 : f32 to vector<256x512xf32>
    %eq3A = arith.constant 0 : i32
    %eq3A_18 = vector.broadcast %eq3A : i32 to vector<256x512xi32>
    %eq3A_19 = arith.cmpi eq, %get3A_10, %eq3A_18 : vector<256x512xi32>
    %slice3A = vector.extract_strided_slice %get3A_5 {offsets = [0, 0, 0], sizes = [1, 256, 512], strides = [1, 1, 1]} : vector<19x256x512xf32> to vector<1x256x512xf32>
    %squeeze3A = vector.shape_cast %slice3A : vector<1x256x512xf32> to vector<256x512xf32>
    %select_n3A = arith.select %eq3A_19, %squeeze3A, %broadcast_in_dim3A_15 : vector<256x512xi1>, vector<256x512xf32>
    %get3A_20 = arith.constant 0 : index
    %get3A_21 = arith.constant 0 : index
    %get3A_22 = memref.load %arg3[%get3A_20, %get3A_21] : memref<1x19xf32, #tpu.memory_space<smem>>
    %broadcast_in_dim3A_23 = vector.broadcast %get3A_22 : f32 to vector<256x512xf32>
    %select_n3A_24 = arith.select %eq3A_19, %broadcast_in_dim3A_23, %broadcast_in_dim3A_17 : vector<256x512xi1>, vector<256x512xf32>
    %eq3A_25 = arith.constant 1 : i32
    %eq3A_26 = vector.broadcast %eq3A_25 : i32 to vector<256x512xi32>
    %eq3A_27 = arith.cmpi eq, %get3A_10, %eq3A_26 : vector<256x512xi32>
    %slice3A_28 = vector.extract_strided_slice %get3A_5 {offsets = [1, 0, 0], sizes = [1, 256, 512], strides = [1, 1, 1]} : vector<19x256x512xf32> to vector<1x256x512xf32>
    %squeeze3A_29 = vector.shape_cast %slice3A_28 : vector<1x256x512xf32> to vector<256x512xf32>
    %select_n3A_30 = arith.select %eq3A_27, %squeeze3A_29, %select_n3A : vector<256x512xi1>, vector<256x512xf32>
    %get3A_31 = arith.constant 0 : index
    %get3A_32 = arith.constant 1 : index
    %get3A_33 = memref.load %arg3[%get3A_31, %get3A_32] : memref<1x19xf32, #tpu.memory_space<smem>>
    %broadcast_in_dim3A_34 = vector.broadcast %get3A_33 : f32 to vector<256x512xf32>
    %select_n3A_35 = arith.select %eq3A_27, %broadcast_in_dim3A_34, %select_n3A_24 : vector<256x512xi1>, vector<256x512xf32>
    %eq3A_36 = arith.constant 2 : i32
    %eq3A_37 = vector.broadcast %eq3A_36 : i32 to vector<256x512xi32>
    %eq3A_38 = arith.cmpi eq, %get3A_10, %eq3A_37 : vector<256x512xi32>
    %slice3A_39 = vector.extract_strided_slice %get3A_5 {offsets = [2, 0, 0], sizes = [1, 256, 512], strides = [1, 1, 1]} : vector<19x256x512xf32> to vector<1x256x512xf32>
    %squeeze3A_40 = vector.shape_cast %slice3A_39 : vector<1x256x512xf32> to vector<256x512xf32>
    %select_n3A_41 = arith.select %eq3A_38, %squeeze3A_40, %select_n3A_30 : vector<256x512xi1>, vector<256x512xf32>
    %get3A_42 = arith.constant 0 : index
    %get3A_43 = arith.constant 2 : index
    %get3A_44 = memref.load %arg3[%get3A_42, %get3A_43] : memref<1x19xf32, #tpu.memory_space<smem>>
    %broadcast_in_dim3A_45 = vector.broadcast %get3A_44 : f32 to vector<256x512xf32>
    %select_n3A_46 = arith.select %eq3A_38, %broadcast_in_dim3A_45, %select_n3A_35 : vector<256x512xi1>, vector<256x512xf32>
    %eq3A_47 = arith.constant 3 : i32
    %eq3A_48 = vector.broadcast %eq3A_47 : i32 to vector<256x512xi32>
    %eq3A_49 = arith.cmpi eq, %get3A_10, %eq3A_48 : vector<256x512xi32>
    %slice3A_50 = vector.extract_strided_slice %get3A_5 {offsets = [3, 0, 0], sizes = [1, 256, 512], strides = [1, 1, 1]} : vector<19x256x512xf32> to vector<1x256x512xf32>
    %squeeze3A_51 = vector.shape_cast %slice3A_50 : vector<1x256x512xf32> to vector<256x512xf32>
    %select_n3A_52 = arith.select %eq3A_49, %squeeze3A_51, %select_n3A_41 : vector<256x512xi1>, vector<256x512xf32>
    %get3A_53 = arith.constant 0 : index
    %get3A_54 = arith.constant 3 : index
    %get3A_55 = memref.load %arg3[%get3A_53, %get3A_54] : memref<1x19xf32, #tpu.memory_space<smem>>
    %broadcast_in_dim3A_56 = vector.broadcast %get3A_55 : f32 to vector<256x512xf32>
    %select_n3A_57 = arith.select %eq3A_49, %broadcast_in_dim3A_56, %select_n3A_46 : vector<256x512xi1>, vector<256x512xf32>
    %eq3A_58 = arith.constant 4 : i32
    %eq3A_59 = vector.broadcast %eq3A_58 : i32 to vector<256x512xi32>
    %eq3A_60 = arith.cmpi eq, %get3A_10, %eq3A_59 : vector<256x512xi32>
    %slice3A_61 = vector.extract_strided_slice %get3A_5 {offsets = [4, 0, 0], sizes = [1, 256, 512], strides = [1, 1, 1]} : vector<19x256x512xf32> to vector<1x256x512xf32>
    %squeeze3A_62 = vector.shape_cast %slice3A_61 : vector<1x256x512xf32> to vector<256x512xf32>
    %select_n3A_63 = arith.select %eq3A_60, %squeeze3A_62, %select_n3A_52 : vector<256x512xi1>, vector<256x512xf32>
    %get3A_64 = arith.constant 0 : index
    %get3A_65 = arith.constant 4 : index
    %get3A_66 = memref.load %arg3[%get3A_64, %get3A_65] : memref<1x19xf32, #tpu.memory_space<smem>>
    %broadcast_in_dim3A_67 = vector.broadcast %get3A_66 : f32 to vector<256x512xf32>
    %select_n3A_68 = arith.select %eq3A_60, %broadcast_in_dim3A_67, %select_n3A_57 : vector<256x512xi1>, vector<256x512xf32>
    %eq3A_69 = arith.constant 5 : i32
    %eq3A_70 = vector.broadcast %eq3A_69 : i32 to vector<256x512xi32>
    %eq3A_71 = arith.cmpi eq, %get3A_10, %eq3A_70 : vector<256x512xi32>
    %slice3A_72 = vector.extract_strided_slice %get3A_5 {offsets = [5, 0, 0], sizes = [1, 256, 512], strides = [1, 1, 1]} : vector<19x256x512xf32> to vector<1x256x512xf32>
    %squeeze3A_73 = vector.shape_cast %slice3A_72 : vector<1x256x512xf32> to vector<256x512xf32>
    %select_n3A_74 = arith.select %eq3A_71, %squeeze3A_73, %select_n3A_63 : vector<256x512xi1>, vector<256x512xf32>
    %get3A_75 = arith.constant 0 : index
    %get3A_76 = arith.constant 5 : index
    %get3A_77 = memref.load %arg3[%get3A_75, %get3A_76] : memref<1x19xf32, #tpu.memory_space<smem>>
    %broadcast_in_dim3A_78 = vector.broadcast %get3A_77 : f32 to vector<256x512xf32>
    %select_n3A_79 = arith.select %eq3A_71, %broadcast_in_dim3A_78, %select_n3A_68 : vector<256x512xi1>, vector<256x512xf32>
    %eq3A_80 = arith.constant 6 : i32
    %eq3A_81 = vector.broadcast %eq3A_80 : i32 to vector<256x512xi32>
    %eq3A_82 = arith.cmpi eq, %get3A_10, %eq3A_81 : vector<256x512xi32>
    %slice3A_83 = vector.extract_strided_slice %get3A_5 {offsets = [6, 0, 0], sizes = [1, 256, 512], strides = [1, 1, 1]} : vector<19x256x512xf32> to vector<1x256x512xf32>
    %squeeze3A_84 = vector.shape_cast %slice3A_83 : vector<1x256x512xf32> to vector<256x512xf32>
    %select_n3A_85 = arith.select %eq3A_82, %squeeze3A_84, %select_n3A_74 : vector<256x512xi1>, vector<256x512xf32>
    %get3A_86 = arith.constant 0 : index
    %get3A_87 = arith.constant 6 : index
    %get3A_88 = memref.load %arg3[%get3A_86, %get3A_87] : memref<1x19xf32, #tpu.memory_space<smem>>
    %broadcast_in_dim3A_89 = vector.broadcast %get3A_88 : f32 to vector<256x512xf32>
    %select_n3A_90 = arith.select %eq3A_82, %broadcast_in_dim3A_89, %select_n3A_79 : vector<256x512xi1>, vector<256x512xf32>
    %eq3A_91 = arith.constant 7 : i32
    %eq3A_92 = vector.broadcast %eq3A_91 : i32 to vector<256x512xi32>
    %eq3A_93 = arith.cmpi eq, %get3A_10, %eq3A_92 : vector<256x512xi32>
    %slice3A_94 = vector.extract_strided_slice %get3A_5 {offsets = [7, 0, 0], sizes = [1, 256, 512], strides = [1, 1, 1]} : vector<19x256x512xf32> to vector<1x256x512xf32>
    %squeeze3A_95 = vector.shape_cast %slice3A_94 : vector<1x256x512xf32> to vector<256x512xf32>
    %select_n3A_96 = arith.select %eq3A_93, %squeeze3A_95, %select_n3A_85 : vector<256x512xi1>, vector<256x512xf32>
    %get3A_97 = arith.constant 0 : index
    %get3A_98 = arith.constant 7 : index
    %get3A_99 = memref.load %arg3[%get3A_97, %get3A_98] : memref<1x19xf32, #tpu.memory_space<smem>>
    %broadcast_in_dim3A_100 = vector.broadcast %get3A_99 : f32 to vector<256x512xf32>
    %select_n3A_101 = arith.select %eq3A_93, %broadcast_in_dim3A_100, %select_n3A_90 : vector<256x512xi1>, vector<256x512xf32>
    %eq3A_102 = arith.constant 8 : i32
    %eq3A_103 = vector.broadcast %eq3A_102 : i32 to vector<256x512xi32>
    %eq3A_104 = arith.cmpi eq, %get3A_10, %eq3A_103 : vector<256x512xi32>
    %slice3A_105 = vector.extract_strided_slice %get3A_5 {offsets = [8, 0, 0], sizes = [1, 256, 512], strides = [1, 1, 1]} : vector<19x256x512xf32> to vector<1x256x512xf32>
    %squeeze3A_106 = vector.shape_cast %slice3A_105 : vector<1x256x512xf32> to vector<256x512xf32>
    %select_n3A_107 = arith.select %eq3A_104, %squeeze3A_106, %select_n3A_96 : vector<256x512xi1>, vector<256x512xf32>
    %get3A_108 = arith.constant 0 : index
    %get3A_109 = arith.constant 8 : index
    %get3A_110 = memref.load %arg3[%get3A_108, %get3A_109] : memref<1x19xf32, #tpu.memory_space<smem>>
    %broadcast_in_dim3A_111 = vector.broadcast %get3A_110 : f32 to vector<256x512xf32>
    %select_n3A_112 = arith.select %eq3A_104, %broadcast_in_dim3A_111, %select_n3A_101 : vector<256x512xi1>, vector<256x512xf32>
    %eq3A_113 = arith.constant 9 : i32
    %eq3A_114 = vector.broadcast %eq3A_113 : i32 to vector<256x512xi32>
    %eq3A_115 = arith.cmpi eq, %get3A_10, %eq3A_114 : vector<256x512xi32>
    %slice3A_116 = vector.extract_strided_slice %get3A_5 {offsets = [9, 0, 0], sizes = [1, 256, 512], strides = [1, 1, 1]} : vector<19x256x512xf32> to vector<1x256x512xf32>
    %squeeze3A_117 = vector.shape_cast %slice3A_116 : vector<1x256x512xf32> to vector<256x512xf32>
    %select_n3A_118 = arith.select %eq3A_115, %squeeze3A_117, %select_n3A_107 : vector<256x512xi1>, vector<256x512xf32>
    %get3A_119 = arith.constant 0 : index
    %get3A_120 = arith.constant 9 : index
    %get3A_121 = memref.load %arg3[%get3A_119, %get3A_120] : memref<1x19xf32, #tpu.memory_space<smem>>
    %broadcast_in_dim3A_122 = vector.broadcast %get3A_121 : f32 to vector<256x512xf32>
    %select_n3A_123 = arith.select %eq3A_115, %broadcast_in_dim3A_122, %select_n3A_112 : vector<256x512xi1>, vector<256x512xf32>
    %eq3A_124 = arith.constant 10 : i32
    %eq3A_125 = vector.broadcast %eq3A_124 : i32 to vector<256x512xi32>
    %eq3A_126 = arith.cmpi eq, %get3A_10, %eq3A_125 : vector<256x512xi32>
    %slice3A_127 = vector.extract_strided_slice %get3A_5 {offsets = [10, 0, 0], sizes = [1, 256, 512], strides = [1, 1, 1]} : vector<19x256x512xf32> to vector<1x256x512xf32>
    %squeeze3A_128 = vector.shape_cast %slice3A_127 : vector<1x256x512xf32> to vector<256x512xf32>
    %select_n3A_129 = arith.select %eq3A_126, %squeeze3A_128, %select_n3A_118 : vector<256x512xi1>, vector<256x512xf32>
    %get3A_130 = arith.constant 0 : index
    %get3A_131 = arith.constant 10 : index
    %get3A_132 = memref.load %arg3[%get3A_130, %get3A_131] : memref<1x19xf32, #tpu.memory_space<smem>>
    %broadcast_in_dim3A_133 = vector.broadcast %get3A_132 : f32 to vector<256x512xf32>
    %select_n3A_134 = arith.select %eq3A_126, %broadcast_in_dim3A_133, %select_n3A_123 : vector<256x512xi1>, vector<256x512xf32>
    %eq3A_135 = arith.constant 11 : i32
    %eq3A_136 = vector.broadcast %eq3A_135 : i32 to vector<256x512xi32>
    %eq3A_137 = arith.cmpi eq, %get3A_10, %eq3A_136 : vector<256x512xi32>
    %slice3A_138 = vector.extract_strided_slice %get3A_5 {offsets = [11, 0, 0], sizes = [1, 256, 512], strides = [1, 1, 1]} : vector<19x256x512xf32> to vector<1x256x512xf32>
    %squeeze3A_139 = vector.shape_cast %slice3A_138 : vector<1x256x512xf32> to vector<256x512xf32>
    %select_n3A_140 = arith.select %eq3A_137, %squeeze3A_139, %select_n3A_129 : vector<256x512xi1>, vector<256x512xf32>
    %get3A_141 = arith.constant 0 : index
    %get3A_142 = arith.constant 11 : index
    %get3A_143 = memref.load %arg3[%get3A_141, %get3A_142] : memref<1x19xf32, #tpu.memory_space<smem>>
    %broadcast_in_dim3A_144 = vector.broadcast %get3A_143 : f32 to vector<256x512xf32>
    %select_n3A_145 = arith.select %eq3A_137, %broadcast_in_dim3A_144, %select_n3A_134 : vector<256x512xi1>, vector<256x512xf32>
    %eq3A_146 = arith.constant 12 : i32
    %eq3A_147 = vector.broadcast %eq3A_146 : i32 to vector<256x512xi32>
    %eq3A_148 = arith.cmpi eq, %get3A_10, %eq3A_147 : vector<256x512xi32>
    %slice3A_149 = vector.extract_strided_slice %get3A_5 {offsets = [12, 0, 0], sizes = [1, 256, 512], strides = [1, 1, 1]} : vector<19x256x512xf32> to vector<1x256x512xf32>
    %squeeze3A_150 = vector.shape_cast %slice3A_149 : vector<1x256x512xf32> to vector<256x512xf32>
    %select_n3A_151 = arith.select %eq3A_148, %squeeze3A_150, %select_n3A_140 : vector<256x512xi1>, vector<256x512xf32>
    %get3A_152 = arith.constant 0 : index
    %get3A_153 = arith.constant 12 : index
    %get3A_154 = memref.load %arg3[%get3A_152, %get3A_153] : memref<1x19xf32, #tpu.memory_space<smem>>
    %broadcast_in_dim3A_155 = vector.broadcast %get3A_154 : f32 to vector<256x512xf32>
    %select_n3A_156 = arith.select %eq3A_148, %broadcast_in_dim3A_155, %select_n3A_145 : vector<256x512xi1>, vector<256x512xf32>
    %eq3A_157 = arith.constant 13 : i32
    %eq3A_158 = vector.broadcast %eq3A_157 : i32 to vector<256x512xi32>
    %eq3A_159 = arith.cmpi eq, %get3A_10, %eq3A_158 : vector<256x512xi32>
    %slice3A_160 = vector.extract_strided_slice %get3A_5 {offsets = [13, 0, 0], sizes = [1, 256, 512], strides = [1, 1, 1]} : vector<19x256x512xf32> to vector<1x256x512xf32>
    %squeeze3A_161 = vector.shape_cast %slice3A_160 : vector<1x256x512xf32> to vector<256x512xf32>
    %select_n3A_162 = arith.select %eq3A_159, %squeeze3A_161, %select_n3A_151 : vector<256x512xi1>, vector<256x512xf32>
    %get3A_163 = arith.constant 0 : index
    %get3A_164 = arith.constant 13 : index
    %get3A_165 = memref.load %arg3[%get3A_163, %get3A_164] : memref<1x19xf32, #tpu.memory_space<smem>>
    %broadcast_in_dim3A_166 = vector.broadcast %get3A_165 : f32 to vector<256x512xf32>
    %select_n3A_167 = arith.select %eq3A_159, %broadcast_in_dim3A_166, %select_n3A_156 : vector<256x512xi1>, vector<256x512xf32>
    %eq3A_168 = arith.constant 14 : i32
    %eq3A_169 = vector.broadcast %eq3A_168 : i32 to vector<256x512xi32>
    %eq3A_170 = arith.cmpi eq, %get3A_10, %eq3A_169 : vector<256x512xi32>
    %slice3A_171 = vector.extract_strided_slice %get3A_5 {offsets = [14, 0, 0], sizes = [1, 256, 512], strides = [1, 1, 1]} : vector<19x256x512xf32> to vector<1x256x512xf32>
    %squeeze3A_172 = vector.shape_cast %slice3A_171 : vector<1x256x512xf32> to vector<256x512xf32>
    %select_n3A_173 = arith.select %eq3A_170, %squeeze3A_172, %select_n3A_162 : vector<256x512xi1>, vector<256x512xf32>
    %get3A_174 = arith.constant 0 : index
    %get3A_175 = arith.constant 14 : index
    %get3A_176 = memref.load %arg3[%get3A_174, %get3A_175] : memref<1x19xf32, #tpu.memory_space<smem>>
    %broadcast_in_dim3A_177 = vector.broadcast %get3A_176 : f32 to vector<256x512xf32>
    %select_n3A_178 = arith.select %eq3A_170, %broadcast_in_dim3A_177, %select_n3A_167 : vector<256x512xi1>, vector<256x512xf32>
    %eq3A_179 = arith.constant 15 : i32
    %eq3A_180 = vector.broadcast %eq3A_179 : i32 to vector<256x512xi32>
    %eq3A_181 = arith.cmpi eq, %get3A_10, %eq3A_180 : vector<256x512xi32>
    %slice3A_182 = vector.extract_strided_slice %get3A_5 {offsets = [15, 0, 0], sizes = [1, 256, 512], strides = [1, 1, 1]} : vector<19x256x512xf32> to vector<1x256x512xf32>
    %squeeze3A_183 = vector.shape_cast %slice3A_182 : vector<1x256x512xf32> to vector<256x512xf32>
    %select_n3A_184 = arith.select %eq3A_181, %squeeze3A_183, %select_n3A_173 : vector<256x512xi1>, vector<256x512xf32>
    %get3A_185 = arith.constant 0 : index
    %get3A_186 = arith.constant 15 : index
    %get3A_187 = memref.load %arg3[%get3A_185, %get3A_186] : memref<1x19xf32, #tpu.memory_space<smem>>
    %broadcast_in_dim3A_188 = vector.broadcast %get3A_187 : f32 to vector<256x512xf32>
    %select_n3A_189 = arith.select %eq3A_181, %broadcast_in_dim3A_188, %select_n3A_178 : vector<256x512xi1>, vector<256x512xf32>
    %eq3A_190 = arith.constant 16 : i32
    %eq3A_191 = vector.broadcast %eq3A_190 : i32 to vector<256x512xi32>
    %eq3A_192 = arith.cmpi eq, %get3A_10, %eq3A_191 : vector<256x512xi32>
    %slice3A_193 = vector.extract_strided_slice %get3A_5 {offsets = [16, 0, 0], sizes = [1, 256, 512], strides = [1, 1, 1]} : vector<19x256x512xf32> to vector<1x256x512xf32>
    %squeeze3A_194 = vector.shape_cast %slice3A_193 : vector<1x256x512xf32> to vector<256x512xf32>
    %select_n3A_195 = arith.select %eq3A_192, %squeeze3A_194, %select_n3A_184 : vector<256x512xi1>, vector<256x512xf32>
    %get3A_196 = arith.constant 0 : index
    %get3A_197 = arith.constant 16 : index
    %get3A_198 = memref.load %arg3[%get3A_196, %get3A_197] : memref<1x19xf32, #tpu.memory_space<smem>>
    %broadcast_in_dim3A_199 = vector.broadcast %get3A_198 : f32 to vector<256x512xf32>
    %select_n3A_200 = arith.select %eq3A_192, %broadcast_in_dim3A_199, %select_n3A_189 : vector<256x512xi1>, vector<256x512xf32>
    %eq3A_201 = arith.constant 17 : i32
    %eq3A_202 = vector.broadcast %eq3A_201 : i32 to vector<256x512xi32>
    %eq3A_203 = arith.cmpi eq, %get3A_10, %eq3A_202 : vector<256x512xi32>
    %slice3A_204 = vector.extract_strided_slice %get3A_5 {offsets = [17, 0, 0], sizes = [1, 256, 512], strides = [1, 1, 1]} : vector<19x256x512xf32> to vector<1x256x512xf32>
    %squeeze3A_205 = vector.shape_cast %slice3A_204 : vector<1x256x512xf32> to vector<256x512xf32>
    %select_n3A_206 = arith.select %eq3A_203, %squeeze3A_205, %select_n3A_195 : vector<256x512xi1>, vector<256x512xf32>
    %get3A_207 = arith.constant 0 : index
    %get3A_208 = arith.constant 17 : index
    %get3A_209 = memref.load %arg3[%get3A_207, %get3A_208] : memref<1x19xf32, #tpu.memory_space<smem>>
    %broadcast_in_dim3A_210 = vector.broadcast %get3A_209 : f32 to vector<256x512xf32>
    %select_n3A_211 = arith.select %eq3A_203, %broadcast_in_dim3A_210, %select_n3A_200 : vector<256x512xi1>, vector<256x512xf32>
    %eq3A_212 = arith.constant 18 : i32
    %eq3A_213 = vector.broadcast %eq3A_212 : i32 to vector<256x512xi32>
    %eq3A_214 = arith.cmpi eq, %get3A_10, %eq3A_213 : vector<256x512xi32>
    %slice3A_215 = vector.extract_strided_slice %get3A_5 {offsets = [18, 0, 0], sizes = [1, 256, 512], strides = [1, 1, 1]} : vector<19x256x512xf32> to vector<1x256x512xf32>
    %squeeze3A_216 = vector.shape_cast %slice3A_215 : vector<1x256x512xf32> to vector<256x512xf32>
    %select_n3A_217 = arith.select %eq3A_214, %squeeze3A_216, %select_n3A_206 : vector<256x512xi1>, vector<256x512xf32>
    %get3A_218 = arith.constant 0 : index
    %get3A_219 = arith.constant 18 : index
    %get3A_220 = memref.load %arg3[%get3A_218, %get3A_219] : memref<1x19xf32, #tpu.memory_space<smem>>
    %broadcast_in_dim3A_221 = vector.broadcast %get3A_220 : f32 to vector<256x512xf32>
    %select_n3A_222 = arith.select %eq3A_214, %broadcast_in_dim3A_221, %select_n3A_211 : vector<256x512xi1>, vector<256x512xf32>
    %sub3A_223 = arith.subf %add3A, %select_n3A_217 : vector<256x512xf32>
    %mul3A = arith.mulf %sub3A_223, %select_n3A_222 : vector<256x512xf32>
    %swap3A = arith.constant 0 : index
    %swap3A_224 = arith.constant 0 : index
    %swap3A_225 = arith.constant 0 : index
    %swap3A_226 = vector.load %arg5[%swap3A, %swap3A_224, %swap3A_225] : memref<1x256x512xf32, #tpu.memory_space<vmem>>, vector<1x256x512xf32>
    %swap3A_227 = vector.shape_cast %swap3A_226 : vector<1x256x512xf32> to vector<256x512xf32>
    %swap3A_228 = vector.shape_cast %mul3A : vector<256x512xf32> to vector<1x256x512xf32>
    tpu.vector_store %arg5[%swap3A, %swap3A_224, %swap3A_225], %swap3A_228 {strides = array<i32>} : memref<1x256x512xf32, #tpu.memory_space<vmem>>, vector<1x256x512xf32>,
    return
  }
  func.func @transform_0(%arg0: i32, %arg1: i32) -> (i32, i32, i32) {
    %add3A = arith.constant 0 : i32
    %add3A_0 = arith.addi %add3A, %arg0 : i32
    %c0_i32 = arith.constant 0 : i32
    %c0_i32_1 = arith.constant 0 : i32
    return %add3A_0, %arg1, %c0_i32 : i32, i32, i32
  }
  func.func @transform_1(%arg0: i32, %arg1: i32) -> (i32, i32) {
    %c0_i32 = arith.constant 0 : i32
    %c0_i32_0 = arith.constant 0 : i32
    %c0_i32_1 = arith.constant 0 : i32
    return %c0_i32, %c0_i32_0 : i32, i32
  }
  func.func @transform_2(%arg0: i32, %arg1: i32) -> (i32, i32, i32, i32, i32) {
    %add3A = arith.constant 0 : i32
    %add3A_0 = arith.addi %add3A, %arg0 : i32
    %c1_i32 = arith.constant 1 : i32
    %c0_i32 = arith.constant 0 : i32
    %c0_i32_1 = arith.constant 0 : i32
    %c0_i32_2 = arith.constant 0 : i32
    return %c1_i32, %add3A_0, %c0_i32, %arg1, %c0_i32_1 : i32, i32, i32, i32, i32
  }
  func.func @transform_3(%arg0: i32, %arg1: i32) -> (i32, i32, i32) {
    %c0_i32 = arith.constant 0 : i32
    %c0_i32_0 = arith.constant 0 : i32
    return %arg0, %arg1, %c0_i32 : i32, i32, i32
  }
}

</mosaic_0001>

<sc_bundles>
// kernel: kernel.10.cloned.1.call-start
scs
__scs_entry_jumppad:
0x0: {  	(pc) =	sbr.rel $0x88, $3  }
0x1: {  	(tag) =	ssettag $0x0;
	lr =	simm.s32 $0x1  }
0x2: {  	[smem:$0x3F9E] =	sst lr;
	_ =	strace $0xD0000000  }
0x3: {  	_ = 	snop  }
0x4: {  	_ = 	snop  }
0x5: {  	_ = 	snop  }
0x6: {  	_ = 	snop  }
0x7: {  	_ = 	snop  }
__scs_overlays_trampoline_lowered:
0x8: {  	[smem:$0x3FAD] =	sst s0  }
0x9: {  	[smem:$0x3FAE] =	sst s1  }
0xa: {  	[smem:$0x3FAF] =	sst s2  }
0xb: {  	[smem:$0x3FB0] =	sst s3  }
0xc: {  	[smem:$0x3FB1] =	sst s4  }
0xd: {  	[smem:$0x3FB2] =	sst s5  }
0xe: {  	[smem:$0x3FB3] =	sst s6  }
0xf: {  	[smem:$0x3FB4] =	sst s7  }
0x10: {  	[smem:$0x3FB5] =	sst s8  }
0x11: {  	[smem:$0x3FB6] =	sst s9;
	s0 =	simm.s32 @!p0 $0x0  }
0x12: {  	s1 =	sld [smem:$0x3F9C];
	s0 =	simm.s32 @p0 $0x1  }
0x13: {  	[smem:$0x3FB7] =	sst s0;
	s0 =	simm.s32 @!p1 $0x0  }
0x14: {  	s2 =	sld [smem:$0x3F9B];
	s0 =	simm.s32 @p1 $0x1  }
0x15: {  	[smem:$0x3FB8] =	sst s0;
	s0 =	simm.s32 @!p2 $0x0  }
0x16: {  	s3 =	sld [smem:$0x3FDB];
	s0 =	simm.s32 @p2 $0x1  }
0x17: {  	s4 =	simm.s32 $0x1BF5;
	[smem:$0x3FBA] =	sst s0  }
0x18: {  	s0 =	sld [smem:$0x3F9D];
	_ =	swait.ge [sflag:s4], $0x0  }
0x19: {  	s7 =	sld [smem:$0x3F9E]  }
0x1a: {  	s8 =	sadd.s32 $0xFFFFE003, lr  }
0x1b: {  	s9 =	sadd.s32 $0xFFFFFEF7, lr;
	s5 =	simm.s32 $0xFFFFFFFF;
	p2 =	slt.u32 s8, $0xFFFFF086  }
0x1c: {  	p1 =	slt.u32 s9, $0xF7A;
	s5 =	simm.s32 @!p2 $0x0  }
0x1d: {  	s5 =	simm.s32 @p1 $0x1;
	p0 =	seq.s32 s7, s2  }
0x1e: {  	s7 =	smul.u32 @!p0 $0xF7A, s2;
	p2 =	seq.s32 @!p0 s5, $0x0  }
0x1f: {  	s9 =	smul.u32 $0xF7A, s1;
	s8 =	simm.s32 @!p0 $0x1BF5;
	p2 =	por !p2, p0  }
0x20: {  	[sflag:s8] =	ssyncset.s32 @!p0 $0xFFFFF086;
	s6 =	sadd.s32 @!p0 s3, s7;
	s7 =	simm.s32 @!p0 $0x108  }
0x21: {  	s3 =	sadd.s32 s3, s9;
	s6 =	sadd.s32 @!p0 $0x88, s6;
	s7 =	simm.s32 @p2 $0x1082  }
0x22: {  	[simem:s7], [sflag:s8] =	dma.local @!p0 [hbm:s6], $0xF7A  }
0x23: {  	s9 =	sor.u32 $0xD0000000, s2;
	s6 =	simm.s32 $0x108;
	_ =	swait.ge @!p0 [sflag:s8], $0x0  }
0x24: {  	s3 =	sadd.s32 $0x88, s3;
	s6 =	simm.s32 @!p1 $0x1082;
	[sflag:s4] =	ssyncset.s32 $0xFFFFF086  }
0x25: {  	[simem:s6], [sflag:s4] =	dma.local [hbm:s3], $0xF7A  }
0x26: {  	[smem:$0x3F9E] =	sst s1;
	(tag) =	ssettag s2;
	_ =	strace s9  }
0x27: {  	s1 =	sld [smem:$0x3FAE]  }
0x28: {  	s2 =	sld [smem:$0x3FAF]  }
0x29: {  	s4 =	sld [smem:$0x3FB1]  }
0x2a: {  	p0 =	seq.s32 s5, $0x0;
	s5 =	sld [smem:$0x3FB2]  }
0x2b: {  	s6 =	sld [smem:$0x3FB3]  }
0x2c: {  	s7 =	sld [smem:$0x3FB4]  }
0x2d: {  	s3 =	simm.s32 $0x108;
	s8 =	sld [smem:$0x3FB5]  }
0x2e: {  	s3 =	simm.s32 @!p0 $0x1082;
	s9 =	sld [smem:$0x3FB6]  }
0x2f: {  	lr =	sadd.s32 s0, s3;
	s0 =	sld [smem:$0x3FAD]  }
0x30: {  	s3 =	sld [smem:$0x3FB0]  }
0x31: {  	[smem:$0x3FB9] =	sst s10  }
0x32: {  	s10 =	sld [smem:$0x3FB7];
	_ =	sdelay $0x3  }
0x33: {  	p0 =	seq.s32 s10, $0x1;
	s10 =	sld [smem:$0x3FB9];
	_ =	sdelay $0x3  }
0x34: {  	[smem:$0x3FB9] =	sst s10  }
0x35: {  	s10 =	sld [smem:$0x3FB8];
	_ =	sdelay $0x3  }
0x36: {  	p1 =	seq.s32 s10, $0x1;
	s10 =	sld [smem:$0x3FB9];
	_ =	sdelay $0x3  }
0x37: {  	[smem:$0x3FB9] =	sst s10  }
0x38: {  	s10 =	sld [smem:$0x3FBA]  }
0x39: {  	_ = 	snop;
	(pc) =	sbr.ind lr, $3  }
0x3a: {  	_ = 	snop  }
0x3b: {  	_ = 	snop  }
0x3c: {  	p2 =	seq.s32 s10, $0x1;
	s10 =	sld [smem:$0x3FB9]  }
0x3d: {  	_ =	shalt  }
0x3e: {  	_ =	shalt  }
0x3f: {  	_ =	shalt  }
0x40: {  	_ =	shalt  }
0x41: {  	_ =	shalt  }
0x42: {  	_ =	shalt  }
0x43: {  	_ =	shalt  }
0x44: {  	_ =	shalt  }
0x45: {  	_ =	shalt  }
0x46: {  	_ =	shalt  }
0x47: {  	_ =	shalt  }
0x48: {  	_ =	shalt  }
0x49: {  	_ =	shalt  }
0x4a: {  	_ =	shalt  }
0x4b: {  	_ =	shalt  }
0x4c: {  	_ =	shalt  }
0x4d: {  	_ =	shalt  }
0x4e: {  	_ =	shalt  }
0x4f: {  	_ =	shalt  }
0x50: {  	_ =	shalt  }
0x51: {  	_ =	shalt  }
0x52: {  	_ =	shalt  }
0x53: {  	_ =	shalt  }
0x54: {  	_ =	shalt  }
0x55: {  	_ =	shalt  }
0x56: {  	_ =	shalt  }
0x57: {  	_ =	shalt  }
0x58: {  	_ =	shalt  }
0x59: {  	_ =	shalt  }
0x5a: {  	_ =	shalt  }
0x5b: {  	_ =	shalt  }
0x5c: {  	_ =	shalt  }
0x5d: {  	_ =	shalt  }
0x5e: {  	_ =	shalt  }
0x5f: {  	_ =	shalt  }
0x60: {  	_ =	shalt  }
0x61: {  	_ =	shalt  }
0x62: {  	_ =	shalt  }
0x63: {  	_ =	shalt  }
0x64: {  	_ =	shalt  }
0x65: {  	_ =	shalt  }
0x66: {  	_ =	shalt  }
0x67: {  	_ =	shalt  }
0x68: {  	_ =	shalt  }
0x69: {  	_ =	shalt  }
0x6a: {  	_ =	shalt  }
0x6b: {  	_ =	shalt  }
0x6c: {  	_ =	shalt  }
0x6d: {  	_ =	shalt  }
0x6e: {  	_ =	shalt  }
0x6f: {  	_ =	shalt  }
0x70: {  	_ =	shalt  }
0x71: {  	_ =	shalt  }
0x72: {  	_ =	shalt  }
0x73: {  	_ =	shalt  }
0x74: {  	_ =	shalt  }
0x75: {  	_ =	shalt  }
0x76: {  	_ =	shalt  }
0x77: {  	_ =	shalt  }
0x78: {  	_ =	shalt  }
0x79: {  	_ =	shalt  }
0x7a: {  	_ =	shalt  }
0x7b: {  	_ =	shalt  }
0x7c: {  	_ =	shalt  }
0x7d: {  	_ =	shalt  }
0x7e: {  	_ =	shalt  }
0x7f: {  	_ =	shalt  }
0x80: {  	_ =	shalt  }
0x81: {  	_ =	shalt  }
0x82: {  	_ =	shalt  }
0x83: {  	_ =	shalt  }
0x84: {  	_ =	shalt  }
0x85: {  	_ =	shalt  }
0x86: {  	_ =	shalt  }
0x87: {  	_ =	shalt  }
.Lfunc_end0:
.L_simem_size_0:
called_computation.1_lowered:
.L_overlay_start_0:
0x88: {  	s2 =	sld [smem:$0x3FD9]  }
0x89: {  	s3 =	sld [smem:$0x3FFE];
	_ =	sdelay $0x1  }
0x8a: {  	s1 =	srdreg.scid  }
0x8b: {  	s0 =	sand.u32 $0x1, s1  }
0x8c: {  	s17 =	sshll.u32 s0, $0xA;
	s2 =	sadd.s32 s3, s2  }
0x8d: {  	s2 =	sadd.s32 s2, s17  }
0x8e: {  	[smem:$0x3FC5] =	sst s2  }
0x8f: {  	_ = 	snop  }
0x90: {  	(tm) =	ssettm $0x1  }
0x91: {  	s18 =	sld [smem:$0x3FFB];
	_ =	sdelay $0x3  }
0x92: {  	_ =	strace s18  }
0x93: {  	s2 =	sld [smem:$0x3FFC];
	_ =	sdelay $0x3  }
0x94: {  	_ =	strace s2  }
0x95: {  	s2 =	sld [smem:$0x3FFD];
	_ =	sdelay $0x3  }
0x96: {  	_ =	strace s2  }
0x97: {  	_ =	strace $0x8FFFFFFF  }
0x98: {  	s19 =	sld [smem:$0x3FDB];
	_ =	sdelay $0x1  }
0x99: {  	s20 =	simm.s32 $_scs_section_size  }
0x9a: {  	s4 =	simm.s32 $_size__tile_overlayer_lowered;
	s5 =	simm.s32 $_tile_overlayer_lowered  }
0x9b: {  	s6 =	simm.s32 $0x1BFF;
	s21 =	sshll.u32 s5, $0x1;
	s3 =	sadd.s32 s20, s19  }
0x9c: {  	s22 =	simm.s32 $0x0;
	s4 =	sshll.u32 s4, $0x1;
	s5 =	sadd.s32 s21, s3  }
0x9d: {  	[timem:s22], [sflag:s6] =	dma.local [hbm:s5], s4  }
0x9e: {  	_ =	swait.ge [sflag:s6], s4  }
0x9f: {  	s4 =	ssub.s32 $0x0, s4;
	[sflag:s6] =	ssyncset.done $0x0  }
0xa0: {  	[sflag:s6] =	ssyncadd.s32 s4;
	_ =	sdelay $0x1  }
0xa1: {  	s23 =	simm.s32 $0x1B8B  }
0xa2: {  	_ =	swait.ge [sflag:s23], $0x1  }
0xa3: {  	[sflag:s23] =	ssyncset.done $0x0  }
0xa4: {  	[sflag:s23] =	ssyncadd.s32 $0xFFFFFFFF  }
0xa5: {  	s4 =	sld [smem:$0x0]  }
0xa6: {  	s5 =	sand.u32 $0xFFFFFFFE, s1  }
0xa7: {  	p0 =	sne.s32 s1, s5  }
0xa8: {  	s5 =	sshll.u32 @p0 s5, $0xE  }
0xa9: {  	s5 =	sadd.s32 @p0 $0x11B8D, s5;
	s6 =	sshll.u32 @p0 s4, $0x11  }
0xaa: {  	s5 =	sor.u32 @p0 s6, s5  }
0xab: {  	[sflag:s5] =	ssyncadd.remote.s32 @p0 $0x1;
	_ =	sdelay $0x1  }
0xac: {  	s5 =	simm.s32 @p0 $0x1B8D  }
0xad: {  	_ =	swait.eq @p0 [sflag:s5], $0x1  }
0xae: {  	[sflag:s5] =	ssyncadd.s32 @p0 $0xFFFFFFFF  }
0xaf: {  	s6 =	sshll.u32 @!p0 s1, $0xE  }
0xb0: {  	s6 =	sor.u32 @!p0 $0x4000, s6;
	s5 =	simm.s32 @!p0 $0x1B8D  }
0xb1: {  	s4 =	sshll.u32 @!p0 s4, $0x11;
	s6 =	sadd.s32 @!p0 $0x11B8D, s6;
	_ =	swait.eq @!p0 [sflag:s5], $0x1  }
0xb2: {  	s4 =	sor.u32 @!p0 s4, s6;
	[sflag:s5] =	ssyncadd.s32 @!p0 $0xFFFFFFFF  }
0xb3: {  	s25 =	simm.s32 $0x1B8E;
	s24 =	sld [smem:$0x3FFE];
	[sflag:s4] =	ssyncadd.remote.s32 @!p0 $0x1  }
0xb4: {  	s26 =	simm.s32 $execute0_lowered;
	[smem:$0x3FD2] =	sst s25  }
0xb5: {  	s5 =	sshll.u32 s26, $0x1;
	_ =	strace $0x80000049;
	[dreg:$0x1] =	wrdreg $0xFFFFFFFF  }
0xb6: {  	s28 =	simm.s32 $_size_execute0_lowered;
	s3 =	sadd.s32 s3, s5;
	[dreg:$0x0] =	wrdreg $0x0  }
0xb7: {  	s5 =	sshll.u32 s28, $0x1;
	[dreg:$0x2] =	wrdreg s3  }
0xb8: {  	[dreg:$0x3] =	wrdreg s5  }
0xb9: {  	[dreg:$0x4] =	wrdreg $0xC0  }
0xba: {  	_ =	task [dreg:s22], $0x5FFFF  }
0xbb: {  	[dreg:$0x1] =	wrdreg $0xFFFFFFFF  }
0xbc: {  	[dreg:$0x0] =	wrdreg $0x60  }
0xbd: {  	[dreg:$0x2] =	wrdreg s24  }
0xbe: {  	[dreg:$0x3] =	wrdreg $0xA  }
0xbf: {  	_ =	task.clear_ibuf [dreg:s22], $0x4FFFF;
	_ =	strace $0x90000049  }
0xc0: {  	s29 =	simm.s32 $0xA;
	_ =	strace $0x8000004B  }
0xc1: {  	_ =	swait.ge [sflag:s29], $0x1  }
0xc2: {  	[sflag:s29] =	ssyncadd.s32 $0xFFFFFFFF  }
0xc3: {  	_ =	strace $0x9000004B  }
0xc4: {  	_ =	sfence  }
0xc5: {  	s30 =	sld [smem:$0x0];
	_ =	sdelay $0x2  }
0xc6: {  	s31 =	sshll.u32 s1, $0xD;
	s1 =	sshrl.u32 s1, $0x2  }
0xc7: {  	s4 =	sand.u32 $0x4000, s31;
	s1 =	sadd.s32 s1, s30  }
0xc8: {  	s0 =	sor.u32 s4, s0;
	s1 =	sshll.u32 s1, $0x11  }
0xc9: {  	s0 =	sor.u32 s1, s0  }
0xca: {  	s0 =	sadd.s32 $0x8F2B, s0  }
0xcb: {  	[sflag:s0] =	ssyncadd.remote.s32 $0x1  }
0xcc: {  	_ =	sfence.sel $0xFFFF  }
0xcd: {  	[dreg:$0x0] =	wrdreg $0xFFFFFFFF;
	(pc) =	sbr.abs _section_cstart, $3  }
0xce: {  	[dreg:$0x1] =	wrdreg $0xFFFFFFFF  }
0xcf: {  	_ =	task.clear_ibuf [dreg:s22], $0x2FFFF;
	_ =	strace $0x9FFFFFFF  }
0xd0: {  	(tm) =	ssettm $0x7FFFFFFF  }
0xd1: {  	_ =	shalt  }
tec
execute0_lowered:
.L_overlay_start_1:
0x0: {  	(tag) =	ssettag $0x1  }
0x1: {  	s1 =	srdreg.scid;
	s0 =	stileid.u32  }
0x2: {  	s3 =	rddreg [dreg:$0x0];
	s2 =	simm.s32 $0x0;
	s8 =	simm.s32 $0x8000  }
0x3: {  	s9 =	simm.s32 $0xC000;
	s4 =	sand.u32 $0x1, s1;
	s5 =	sshll.u32 s0, $0x1  }
0x4: {  	s10 =	simm.s32 $0x80;
	s11 =	simm.s32 $0x400;
	s5 =	sor.u32 s4, s5  }
0x5: {  	[smem:$0x7FF] =	sst s2;
	s6 =	sshll.u32 s0, $0xC;
	s7 =	sshll.u32 s5, $0x4  }
0x6: {  	s1 =	rddreg [dreg:$0x1];
	_ =	strace $0x8000004A;
	s6 =	sor.u32 s6, s7  }
0x7: {  	s4 =	ssub.s32 $0x2, s4;
	s5 =	sshll.u32 s5, $0xC;
	s6 =	sand.u32 $0xC070, s6  }
0x8: {  	s31 =	sshrl.u32 s4, $0x1;
	s5 =	sadd.s32 s5, s3;
	s6 =	sadd.s32 s6, s3  }
0x9: {  	s7 =	ssub.s32 s4, s31;
	s3 =	sadd.s32 $0x42000, s5;
	s4 =	sadd.s32 $0x62000, s6  }
0xa: {  	v0 =	vimm.f32 $0.0e+00;
	v1 =	vimm.f32 $1.000000000e+00;
	s5 =	sadd.s32 $0x72000, s6;
	s6 =	smax.u32 s7, $0x1;
	s7 =	simm.s32 $0x1  }
.LBB2_1:
0xb: {  	s12 =	simm.s32 $0x40;
	s13 =	simm.s32 $0x0  }
.LBB2_2:
0xc: {  	p0 =	sne.s32 s12, $0xFFC0;
	[tilespmem:s13+$0x8000] =	vst v0;
	s14 =	smov.u32 s12;
	s12 =	sadd.s32 $0x40, s12  }
.Ltmp0:
0xd: {  	[tilespmem:s13+$0xC000] =	vst v0;
	(pc) =	sbr.rel @p0 .LBB2_2-.Ltmp0, $2  }
0xe: {  	_ =	sdelay $0x2  }
0xf: {  	s13 =	sshra.s32 s14, $0x2  }
0x10: {  	[tilespmem:s13+$0x8000] =	vst v0  }
0x11: {  	[tilespmem:s13+$0xC000] =	vst v0;
	s12 =	simm.s32 $0x0  }
0x12: {  	[tilespmem:s12], [sflag:$0x1] =	stream.linear.gather [hbm4b:s3+s12], $0x8000, $0x38;
	[tilespmem:$0x10000] =	vst v63  }
0x13: {  	_ =	swait.ge [sflag:s7], $0x8000  }
0x14: {  	s30 =	sand.u32 $0x7000, s12;
	s14 =	sand.u32 $0x300, s12;
	[sflag:s7] =	ssyncset.done $0x0  }
0x15: {  	s15 =	sor.u32 s14, s30;
	[sflag:s7] =	ssyncadd.s32 $0xFFFF8000  }
0x16: {  	v2 =	vld [tilespmem:s15+$0x80];
	_ =	sdelay $0x4  }
0x17: {  	v3 =	vshrl.u32 v2, $0x12  }
0x18: {  	v4 =	vld [tilespmem:s15+$0x0];
	_ =	sdelay $0x3  }
0x19: {  	[tilespmem:v3+s8+$0x0] =	vst.idx.add.f32.msk $0xffff, v1  }
0x1a: {  	v5 =	vshrl.u32 v4, $0x12;
	[tilespmem:v3+s9+$0x0] =	vst.idx.add.f32.msk $0xffff, v2  }
0x1b: {  	v2 =	vld [tilespmem:s15+$0x90];
	_ =	sdelay $0x3  }
0x1c: {  	[tilespmem:v5+s8+$0x0] =	vst.idx.add.f32.msk $0xffff, v1  }
0x1d: {  	[tilespmem:v5+s9+$0x0] =	vst.idx.add.f32.msk $0xffff, v4;
	v3 =	vshrl.u32 v2, $0x12  }
0x1e: {  	v4 =	vld [tilespmem:s15+$0x10];
	_ =	sdelay $0x3  }
0x1f: {  	[tilespmem:v3+s8+$0x0] =	vst.idx.add.f32.msk $0xffff, v1  }
0x20: {  	v5 =	vshrl.u32 v4, $0x12;
	[tilespmem:v3+s9+$0x0] =	vst.idx.add.f32.msk $0xffff, v2  }
0x21: {  	v2 =	vld [tilespmem:s15+$0xA0];
	_ =	sdelay $0x3  }
0x22: {  	[tilespmem:v5+s8+$0x0] =	vst.idx.add.f32.msk $0xffff, v1  }
0x23: {  	[tilespmem:v5+s9+$0x0] =	vst.idx.add.f32.msk $0xffff, v4;
	v3 =	vshrl.u32 v2, $0x12  }
0x24: {  	v4 =	vld [tilespmem:s15+$0x20];
	_ =	sdelay $0x3  }
0x25: {  	[tilespmem:v3+s8+$0x0] =	vst.idx.add.f32.msk $0xffff, v1  }
0x26: {  	v5 =	vshrl.u32 v4, $0x12;
	[tilespmem:v3+s9+$0x0] =	vst.idx.add.f32.msk $0xffff, v2  }
0x27: {  	v2 =	vld [tilespmem:s15+$0xB0];
	_ =	sdelay $0x3  }
0x28: {  	[tilespmem:v5+s8+$0x0] =	vst.idx.add.f32.msk $0xffff, v1  }
0x29: {  	[tilespmem:v5+s9+$0x0] =	vst.idx.add.f32.msk $0xffff, v4;
	v3 =	vshrl.u32 v2, $0x12  }
0x2a: {  	v4 =	vld [tilespmem:s15+$0x30];
	_ =	sdelay $0x3  }
0x2b: {  	[tilespmem:v3+s8+$0x0] =	vst.idx.add.f32.msk $0xffff, v1  }
0x2c: {  	v5 =	vshrl.u32 v4, $0x12;
	[tilespmem:v3+s9+$0x0] =	vst.idx.add.f32.msk $0xffff, v2  }
0x2d: {  	v2 =	vld [tilespmem:s15+$0xC0];
	_ =	sdelay $0x3  }
0x2e: {  	[tilespmem:v5+s8+$0x0] =	vst.idx.add.f32.msk $0xffff, v1  }
0x2f: {  	[tilespmem:v5+s9+$0x0] =	vst.idx.add.f32.msk $0xffff, v4;
	v3 =	vshrl.u32 v2, $0x12  }
0x30: {  	v4 =	vld [tilespmem:s15+$0x40];
	_ =	sdelay $0x3  }
0x31: {  	[tilespmem:v3+s8+$0x0] =	vst.idx.add.f32.msk $0xffff, v1  }
0x32: {  	v5 =	vshrl.u32 v4, $0x12;
	[tilespmem:v3+s9+$0x0] =	vst.idx.add.f32.msk $0xffff, v2  }
0x33: {  	v2 =	vld [tilespmem:s15+$0xD0];
	_ =	sdelay $0x3  }
0x34: {  	[tilespmem:v5+s8+$0x0] =	vst.idx.add.f32.msk $0xffff, v1  }
0x35: {  	[tilespmem:v5+s9+$0x0] =	vst.idx.add.f32.msk $0xffff, v4;
	v3 =	vshrl.u32 v2, $0x12  }
0x36: {  	v4 =	vld [tilespmem:s15+$0x50];
	_ =	sdelay $0x3  }
0x37: {  	[tilespmem:v3+s8+$0x0] =	vst.idx.add.f32.msk $0xffff, v1  }
0x38: {  	v5 =	vshrl.u32 v4, $0x12;
	[tilespmem:v3+s9+$0x0] =	vst.idx.add.f32.msk $0xffff, v2  }
0x39: {  	v2 =	vld [tilespmem:s15+$0xE0];
	_ =	sdelay $0x3  }
0x3a: {  	[tilespmem:v5+s8+$0x0] =	vst.idx.add.f32.msk $0xffff, v1  }
0x3b: {  	[tilespmem:v5+s9+$0x0] =	vst.idx.add.f32.msk $0xffff, v4;
	v3 =	vshrl.u32 v2, $0x12  }
0x3c: {  	v4 =	vld [tilespmem:s15+$0x60];
	_ =	sdelay $0x3  }
0x3d: {  	[tilespmem:v3+s8+$0x0] =	vst.idx.add.f32.msk $0xffff, v1  }
0x3e: {  	v5 =	vshrl.u32 v4, $0x12;
	[tilespmem:v3+s9+$0x0] =	vst.idx.add.f32.msk $0xffff, v2  }
0x3f: {  	v2 =	vld [tilespmem:s15+$0xF0];
	_ =	sdelay $0x3  }
0x40: {  	[tilespmem:v5+s8+$0x0] =	vst.idx.add.f32.msk $0xffff, v1  }
0x41: {  	[tilespmem:v5+s9+$0x0] =	vst.idx.add.f32.msk $0xffff, v4;
	v3 =	vshrl.u32 v2, $0x12  }
0x42: {  	v4 =	vld [tilespmem:s15+$0x70];
	_ =	sdelay $0x3  }
0x43: {  	[tilespmem:v3+s8+$0x0] =	vst.idx.add.f32.msk $0xffff, v1  }
0x44: {  	v5 =	vshrl.u32 v4, $0x12;
	[tilespmem:v3+s9+$0x0] =	vst.idx.add.f32.msk $0xffff, v2  }
0x45: {  	v2 =	vld [tilespmem:s15+$0x480];
	_ =	sdelay $0x3  }
0x46: {  	[tilespmem:v5+s8+$0x0] =	vst.idx.add.f32.msk $0xffff, v1  }
0x47: {  	[tilespmem:v5+s9+$0x0] =	vst.idx.add.f32.msk $0xffff, v4;
	v3 =	vshrl.u32 v2, $0x12  }
0x48: {  	v4 =	vld [tilespmem:s15+$0x400];
	_ =	sdelay $0x3  }
0x49: {  	[tilespmem:v3+s8+$0x0] =	vst.idx.add.f32.msk $0xffff, v1  }
0x4a: {  	v5 =	vshrl.u32 v4, $0x12;
	[tilespmem:v3+s9+$0x0] =	vst.idx.add.f32.msk $0xffff, v2  }
0x4b: {  	v2 =	vld [tilespmem:s15+$0x490];
	_ =	sdelay $0x3  }
0x4c: {  	[tilespmem:v5+s8+$0x0] =	vst.idx.add.f32.msk $0xffff, v1  }
0x4d: {  	[tilespmem:v5+s9+$0x0] =	vst.idx.add.f32.msk $0xffff, v4;
	v3 =	vshrl.u32 v2, $0x12  }
0x4e: {  	v4 =	vld [tilespmem:s15+$0x410];
	_ =	sdelay $0x3  }
0x4f: {  	[tilespmem:v3+s8+$0x0] =	vst.idx.add.f32.msk $0xffff, v1  }
0x50: {  	v5 =	vshrl.u32 v4, $0x12;
	[tilespmem:v3+s9+$0x0] =	vst.idx.add.f32.msk $0xffff, v2  }
0x51: {  	v2 =	vld [tilespmem:s15+$0x4A0];
	_ =	sdelay $0x3  }
0x52: {  	[tilespmem:v5+s8+$0x0] =	vst.idx.add.f32.msk $0xffff, v1  }
0x53: {  	[tilespmem:v5+s9+$0x0] =	vst.idx.add.f32.msk $0xffff, v4;
	v3 =	vshrl.u32 v2, $0x12  }
0x54: {  	v4 =	vld [tilespmem:s15+$0x420];
	_ =	sdelay $0x3  }
0x55: {  	[tilespmem:v3+s8+$0x0] =	vst.idx.add.f32.msk $0xffff, v1  }
0x56: {  	v5 =	vshrl.u32 v4, $0x12;
	[tilespmem:v3+s9+$0x0] =	vst.idx.add.f32.msk $0xffff, v2  }
0x57: {  	v2 =	vld [tilespmem:s15+$0x4B0];
	_ =	sdelay $0x3  }
0x58: {  	[tilespmem:v5+s8+$0x0] =	vst.idx.add.f32.msk $0xffff, v1  }
0x59: {  	[tilespmem:v5+s9+$0x0] =	vst.idx.add.f32.msk $0xffff, v4;
	v3 =	vshrl.u32 v2, $0x12  }
0x5a: {  	v4 =	vld [tilespmem:s15+$0x430];
	_ =	sdelay $0x3  }
0x5b: {  	[tilespmem:v3+s8+$0x0] =	vst.idx.add.f32.msk $0xffff, v1  }
0x5c: {  	v5 =	vshrl.u32 v4, $0x12;
	[tilespmem:v3+s9+$0x0] =	vst.idx.add.f32.msk $0xffff, v2  }
0x5d: {  	v2 =	vld [tilespmem:s15+$0x4C0];
	_ =	sdelay $0x3  }
0x5e: {  	[tilespmem:v5+s8+$0x0] =	vst.idx.add.f32.msk $0xffff, v1  }
0x5f: {  	[tilespmem:v5+s9+$0x0] =	vst.idx.add.f32.msk $0xffff, v4;
	v3 =	vshrl.u32 v2, $0x12  }
0x60: {  	v4 =	vld [tilespmem:s15+$0x440];
	_ =	sdelay $0x3  }
0x61: {  	[tilespmem:v3+s8+$0x0] =	vst.idx.add.f32.msk $0xffff, v1  }
0x62: {  	v5 =	vshrl.u32 v4, $0x12;
	[tilespmem:v3+s9+$0x0] =	vst.idx.add.f32.msk $0xffff, v2  }
0x63: {  	v2 =	vld [tilespmem:s15+$0x4D0];
	_ =	sdelay $0x3  }
0x64: {  	[tilespmem:v5+s8+$0x0] =	vst.idx.add.f32.msk $0xffff, v1  }
0x65: {  	[tilespmem:v5+s9+$0x0] =	vst.idx.add.f32.msk $0xffff, v4;
	v3 =	vshrl.u32 v2, $0x12  }
0x66: {  	v4 =	vld [tilespmem:s15+$0x450];
	_ =	sdelay $0x3  }
0x67: {  	[tilespmem:v3+s8+$0x0] =	vst.idx.add.f32.msk $0xffff, v1  }
0x68: {  	v5 =	vshrl.u32 v4, $0x12;
	[tilespmem:v3+s9+$0x0] =	vst.idx.add.f32.msk $0xffff, v2  }
0x69: {  	v2 =	vld [tilespmem:s15+$0x4E0];
	_ =	sdelay $0x3  }
0x6a: {  	[tilespmem:v5+s8+$0x0] =	vst.idx.add.f32.msk $0xffff, v1  }
0x6b: {  	[tilespmem:v5+s9+$0x0] =	vst.idx.add.f32.msk $0xffff, v4;
	v3 =	vshrl.u32 v2, $0x12  }
0x6c: {  	v4 =	vld [tilespmem:s15+$0x460];
	_ =	sdelay $0x3  }
0x6d: {  	[tilespmem:v3+s8+$0x0] =	vst.idx.add.f32.msk $0xffff, v1  }
0x6e: {  	v5 =	vshrl.u32 v4, $0x12;
	[tilespmem:v3+s9+$0x0] =	vst.idx.add.f32.msk $0xffff, v2  }
0x6f: {  	v2 =	vld [tilespmem:s15+$0x4F0];
	_ =	sdelay $0x3  }
0x70: {  	[tilespmem:v5+s8+$0x0] =	vst.idx.add.f32.msk $0xffff, v1  }
0x71: {  	[tilespmem:v5+s9+$0x0] =	vst.idx.add.f32.msk $0xffff, v4;
	v3 =	vshrl.u32 v2, $0x12  }
0x72: {  	s31 =	simm.s32 $0x100;
	s13 =	simm.s32 $0x400;
	v4 =	vld [tilespmem:s15+$0x470]  }
0x73: {  	s16 =	sand.u32 $0x7000, s13;
	s14 =	sand.u32 $0x300, s31  }
0x74: {  	s14 =	sor.u32 s14, s16  }
0x75: {  	v5 =	vld [tilespmem:s14+$0x80]  }
0x76: {  	[tilespmem:v3+s8+$0x0] =	vst.idx.add.f32.msk $0xffff, v1  }
0x77: {  	v6 =	vshrl.u32 v4, $0x12;
	[tilespmem:v3+s9+$0x0] =	vst.idx.add.f32.msk $0xffff, v2  }
0x78: {  	v2 =	vld [tilespmem:s15+$0x880];
	_ =	sdelay $0x1  }
0x79: {  	v3 =	vshrl.u32 v5, $0x12  }
0x7a: {  	v7 =	vld [tilespmem:s14+$0x0]  }
0x7b: {  	[tilespmem:v6+s8+$0x0] =	vst.idx.add.f32.msk $0xffff, v1  }
0x7c: {  	[tilespmem:v6+s9+$0x0] =	vst.idx.add.f32.msk $0xffff, v4;
	v4 =	vshrl.u32 v2, $0x12  }
0x7d: {  	v6 =	vld [tilespmem:s15+$0x800]  }
0x7e: {  	[tilespmem:v3+s8+$0x0] =	vst.idx.add.f32.msk $0xffff, v1  }
0x7f: {  	v8 =	vshrl.u32 v7, $0x12;
	[tilespmem:v3+s9+$0x0] =	vst.idx.add.f32.msk $0xffff, v5  }
0x80: {  	v3 =	vld [tilespmem:s14+$0x90]  }
0x81: {  	[tilespmem:v4+s8+$0x0] =	vst.idx.add.f32.msk $0xffff, v1  }
0x82: {  	v5 =	vshrl.u32 v6, $0x12;
	[tilespmem:v4+s9+$0x0] =	vst.idx.add.f32.msk $0xffff, v2  }
0x83: {  	v2 =	vld [tilespmem:s15+$0x890]  }
0x84: {  	[tilespmem:v8+s8+$0x0] =	vst.idx.add.f32.msk $0xffff, v1  }
0x85: {  	[tilespmem:v8+s9+$0x0] =	vst.idx.add.f32.msk $0xffff, v7;
	v4 =	vshrl.u32 v3, $0x12  }
0x86: {  	v7 =	vld [tilespmem:s14+$0x10]  }
0x87: {  	[tilespmem:v5+s8+$0x0] =	vst.idx.add.f32.msk $0xffff, v1  }
0x88: {  	[tilespmem:v5+s9+$0x0] =	vst.idx.add.f32.msk $0xffff, v6;
	v5 =	vshrl.u32 v2, $0x12  }
0x89: {  	v6 =	vld [tilespmem:s15+$0x810]  }
0x8a: {  	[tilespmem:v4+s8+$0x0] =	vst.idx.add.f32.msk $0xffff, v1  }
0x8b: {  	v8 =	vshrl.u32 v7, $0x12;
	[tilespmem:v4+s9+$0x0] =	vst.idx.add.f32.msk $0xffff, v3  }
0x8c: {  	v3 =	vld [tilespmem:s14+$0xA0]  }
0x8d: {  	[tilespmem:v5+s8+$0x0] =	vst.idx.add.f32.msk $0xffff, v1  }
0x8e: {  	v4 =	vshrl.u32 v6, $0x12;
	[tilespmem:v5+s9+$0x0] =	vst.idx.add.f32.msk $0xffff, v2  }
0x8f: {  	v2 =	vld [tilespmem:s15+$0x8A0]  }
0x90: {  	[tilespmem:v8+s8+$0x0] =	vst.idx.add.f32.msk $0xffff, v1  }
0x91: {  	[tilespmem:v8+s9+$0x0] =	vst.idx.add.f32.msk $0xffff, v7;
	v5 =	vshrl.u32 v3, $0x12  }
0x92: {  	v7 =	vld [tilespmem:s14+$0x20]  }
0x93: {  	[tilespmem:v4+s8+$0x0] =	vst.idx.add.f32.msk $0xffff, v1  }
0x94: {  	[tilespmem:v4+s9+$0x0] =	vst.idx.add.f32.msk $0xffff, v6;
	v4 =	vshrl.u32 v2, $0x12  }
0x95: {  	v6 =	vld [tilespmem:s15+$0x820]  }
0x96: {  	[tilespmem:v5+s8+$0x0] =	vst.idx.add.f32.msk $0xffff, v1  }
0x97: {  	v8 =	vshrl.u32 v7, $0x12;
	[tilespmem:v5+s9+$0x0] =	vst.idx.add.f32.msk $0xffff, v3  }
0x98: {  	v3 =	vld [tilespmem:s14+$0xB0]  }
0x99: {  	[tilespmem:v4+s8+$0x0] =	vst.idx.add.f32.msk $0xffff, v1  }
0x9a: {  	v5 =	vshrl.u32 v6, $0x12;
	[tilespmem:v4+s9+$0x0] =	vst.idx.add.f32.msk $0xffff, v2  }
0x9b: {  	v2 =	vld [tilespmem:s15+$0x8B0]  }
0x9c: {  	[tilespmem:v8+s8+$0x0] =	vst.idx.add.f32.msk $0xffff, v1  }
0x9d: {  	[tilespmem:v8+s9+$0x0] =	vst.idx.add.f32.msk $0xffff, v7;
	v4 =	vshrl.u32 v3, $0x12  }
0x9e: {  	v7 =	vld [tilespmem:s14+$0x30]  }
0x9f: {  	[tilespmem:v5+s8+$0x0] =	vst.idx.add.f32.msk $0xffff, v1  }
0xa0: {  	[tilespmem:v5+s9+$0x0] =	vst.idx.add.f32.msk $0xffff, v6;
	v5 =	vshrl.u32 v2, $0x12  }
0xa1: {  	v6 =	vld [tilespmem:s15+$0x830]  }
0xa2: {  	[tilespmem:v4+s8+$0x0] =	vst.idx.add.f32.msk $0xffff, v1  }
0xa3: {  	v8 =	vshrl.u32 v7, $0x12;
	[tilespmem:v4+s9+$0x0] =	vst.idx.add.f32.msk $0xffff, v3  }
0xa4: {  	v3 =	vld [tilespmem:s14+$0xC0]  }
0xa5: {  	[tilespmem:v5+s8+$0x0] =	vst.idx.add.f32.msk $0xffff, v1  }
0xa6: {  	v4 =	vshrl.u32 v6, $0x12;
	[tilespmem:v5+s9+$0x0] =	vst.idx.add.f32.msk $0xffff, v2  }
0xa7: {  	v2 =	vld [tilespmem:s15+$0x8C0]  }
0xa8: {  	[tilespmem:v8+s8+$0x0] =	vst.idx.add.f32.msk $0xffff, v1  }
0xa9: {  	[tilespmem:v8+s9+$0x0] =	vst.idx.add.f32.msk $0xffff, v7;
	v5 =	vshrl.u32 v3, $0x12  }
0xaa: {  	v7 =	vld [tilespmem:s14+$0x40]  }
0xab: {  	[tilespmem:v4+s8+$0x0] =	vst.idx.add.f32.msk $0xffff, v1  }
0xac: {  	[tilespmem:v4+s9+$0x0] =	vst.idx.add.f32.msk $0xffff, v6;
	v4 =	vshrl.u32 v2, $0x12  }
0xad: {  	v6 =	vld [tilespmem:s15+$0x840]  }
0xae: {  	[tilespmem:v5+s8+$0x0] =	vst.idx.add.f32.msk $0xffff, v1  }
0xaf: {  	v8 =	vshrl.u32 v7, $0x12;
	[tilespmem:v5+s9+$0x0] =	vst.idx.add.f32.msk $0xffff, v3  }
0xb0: {  	v3 =	vld [tilespmem:s14+$0xD0]  }
0xb1: {  	[tilespmem:v4+s8+$0x0] =	vst.idx.add.f32.msk $0xffff, v1  }
0xb2: {  	v5 =	vshrl.u32 v6, $0x12;
	[tilespmem:v4+s9+$0x0] =	vst.idx.add.f32.msk $0xffff, v2  }
0xb3: {  	v2 =	vld [tilespmem:s15+$0x8D0]  }
0xb4: {  	[tilespmem:v8+s8+$0x0] =	vst.idx.add.f32.msk $0xffff, v1  }
0xb5: {  	[tilespmem:v8+s9+$0x0] =	vst.idx.add.f32.msk $0xffff, v7;
	v4 =	vshrl.u32 v3, $0x12  }
0xb6: {  	v7 =	vld [tilespmem:s14+$0x50]  }
0xb7: {  	[tilespmem:v5+s8+$0x0] =	vst.idx.add.f32.msk $0xffff, v1  }
0xb8: {  	[tilespmem:v5+s9+$0x0] =	vst.idx.add.f32.msk $0xffff, v6;
	v5 =	vshrl.u32 v2, $0x12  }
0xb9: {  	v6 =	vld [tilespmem:s15+$0x850]  }
0xba: {  	[tilespmem:v4+s8+$0x0] =	vst.idx.add.f32.msk $0xffff, v1  }
0xbb: {  	v8 =	vshrl.u32 v7, $0x12;
	[tilespmem:v4+s9+$0x0] =	vst.idx.add.f32.msk $0xffff, v3  }
0xbc: {  	v3 =	vld [tilespmem:s14+$0xE0]  }
0xbd: {  	[tilespmem:v5+s8+$0x0] =	vst.idx.add.f32.msk $0xffff, v1  }
0xbe: {  	v4 =	vshrl.u32 v6, $0x12;
	[tilespmem:v5+s9+$0x0] =	vst.idx.add.f32.msk $0xffff, v2  }
0xbf: {  	v2 =	vld [tilespmem:s15+$0x8E0]  }
0xc0: {  	[tilespmem:v8+s8+$0x0] =	vst.idx.add.f32.msk $0xffff, v1  }
0xc1: {  	[tilespmem:v8+s9+$0x0] =	vst.idx.add.f32.msk $0xffff, v7;
	v5 =	vshrl.u32 v3, $0x12  }
0xc2: {  	v7 =	vld [tilespmem:s14+$0x60]  }
0xc3: {  	[tilespmem:v4+s8+$0x0] =	vst.idx.add.f32.msk $0xffff, v1  }
0xc4: {  	[tilespmem:v4+s9+$0x0] =	vst.idx.add.f32.msk $0xffff, v6;
	v4 =	vshrl.u32 v2, $0x12  }
0xc5: {  	v6 =	vld [tilespmem:s15+$0x860]  }
0xc6: {  	[tilespmem:v5+s8+$0x0] =	vst.idx.add.f32.msk $0xffff, v1  }
0xc7: {  	v8 =	vshrl.u32 v7, $0x12;
	[tilespmem:v5+s9+$0x0] =	vst.idx.add.f32.msk $0xffff, v3  }
0xc8: {  	v3 =	vld [tilespmem:s14+$0xF0]  }
0xc9: {  	[tilespmem:v4+s8+$0x0] =	vst.idx.add.f32.msk $0xffff, v1  }
0xca: {  	v5 =	vshrl.u32 v6, $0x12;
	[tilespmem:v4+s9+$0x0] =	vst.idx.add.f32.msk $0xffff, v2  }
0xcb: {  	v2 =	vld [tilespmem:s15+$0x8F0]  }
0xcc: {  	[tilespmem:v8+s8+$0x0] =	vst.idx.add.f32.msk $0xffff, v1  }
0xcd: {  	[tilespmem:v8+s9+$0x0] =	vst.idx.add.f32.msk $0xffff, v7;
	v4 =	vshrl.u32 v3, $0x12  }
0xce: {  	v7 =	vld [tilespmem:s14+$0x70]  }
0xcf: {  	[tilespmem:v5+s8+$0x0] =	vst.idx.add.f32.msk $0xffff, v1  }
0xd0: {  	[tilespmem:v5+s9+$0x0] =	vst.idx.add.f32.msk $0xffff, v6;
	v5 =	vshrl.u32 v2, $0x12  }
0xd1: {  	v6 =	vld [tilespmem:s15+$0x870]  }
0xd2: {  	s17 =	sand.u32 $0x3, s12;
	[tilespmem:v4+s8+$0x0] =	vst.idx.add.f32.msk $0xffff, v1  }
0xd3: {  	v8 =	vshrl.u32 v7, $0x12;
	s15 =	sshll.u32 s17, $0x8;
	[tilespmem:v4+s9+$0x0] =	vst.idx.add.f32.msk $0xffff, v3  }
0xd4: {  	s16 =	sadd.s32 $0x0, s15;
	v3 =	vld [tilespmem:s14+$0x480]  }
0xd5: {  	s15 =	sadd.s32 $0x80, s16;
	[tilespmem:v5+s8+$0x0] =	vst.idx.add.f32.msk $0xffff, v1  }
0xd6: {  	s17 =	sor.u32 $0xC00, s15;
	v4 =	vshrl.u32 v6, $0x12;
	[tilespmem:v5+s9+$0x0] =	vst.idx.add.f32.msk $0xffff, v2  }
0xd7: {  	v2 =	vld [tilespmem:s17+$0x0]  }
0xd8: {  	[tilespmem:v8+s8+$0x0] =	vst.idx.add.f32.msk $0xffff, v1  }
0xd9: {  	[tilespmem:v8+s9+$0x0] =	vst.idx.add.f32.msk $0xffff, v7;
	v5 =	vshrl.u32 v3, $0x12  }
0xda: {  	v7 =	vld [tilespmem:s14+$0x400]  }
0xdb: {  	[tilespmem:v4+s8+$0x0] =	vst.idx.add.f32.msk $0xffff, v1  }
0xdc: {  	s18 =	sor.u32 $0xC00, s16;
	[tilespmem:v4+s9+$0x0] =	vst.idx.add.f32.msk $0xffff, v6;
	v4 =	vshrl.u32 v2, $0x12  }
0xdd: {  	v6 =	vld [tilespmem:s18+$0x0]  }
0xde: {  	[tilespmem:v5+s8+$0x0] =	vst.idx.add.f32.msk $0xffff, v1  }
0xdf: {  	v8 =	vshrl.u32 v7, $0x12;
	[tilespmem:v5+s9+$0x0] =	vst.idx.add.f32.msk $0xffff, v3  }
0xe0: {  	v3 =	vld [tilespmem:s14+$0x490]  }
0xe1: {  	[tilespmem:v4+s8+$0x0] =	vst.idx.add.f32.msk $0xffff, v1  }
0xe2: {  	s19 =	sor.u32 $0xC10, s15;
	v5 =	vshrl.u32 v6, $0x12;
	[tilespmem:v4+s9+$0x0] =	vst.idx.add.f32.msk $0xffff, v2  }
0xe3: {  	v2 =	vld [tilespmem:s19+$0x0]  }
0xe4: {  	[tilespmem:v8+s8+$0x0] =	vst.idx.add.f32.msk $0xffff, v1  }
0xe5: {  	[tilespmem:v8+s9+$0x0] =	vst.idx.add.f32.msk $0xffff, v7;
	v4 =	vshrl.u32 v3, $0x12  }
0xe6: {  	v7 =	vld [tilespmem:s14+$0x410]  }
0xe7: {  	[tilespmem:v5+s8+$0x0] =	vst.idx.add.f32.msk $0xffff, v1  }
0xe8: {  	s20 =	sor.u32 $0xC10, s16;
	[tilespmem:v5+s9+$0x0] =	vst.idx.add.f32.msk $0xffff, v6;
	v5 =	vshrl.u32 v2, $0x12  }
0xe9: {  	v6 =	vld [tilespmem:s20+$0x0]  }
0xea: {  	[tilespmem:v4+s8+$0x0] =	vst.idx.add.f32.msk $0xffff, v1  }
0xeb: {  	v8 =	vshrl.u32 v7, $0x12;
	[tilespmem:v4+s9+$0x0] =	vst.idx.add.f32.msk $0xffff, v3  }
0xec: {  	v3 =	vld [tilespmem:s14+$0x4A0]  }
0xed: {  	[tilespmem:v5+s8+$0x0] =	vst.idx.add.f32.msk $0xffff, v1  }
0xee: {  	s21 =	sor.u32 $0xC20, s15;
	v4 =	vshrl.u32 v6, $0x12;
	[tilespmem:v5+s9+$0x0] =	vst.idx.add.f32.msk $0xffff, v2  }
0xef: {  	v2 =	vld [tilespmem:s21+$0x0]  }
0xf0: {  	[tilespmem:v8+s8+$0x0] =	vst.idx.add.f32.msk $0xffff, v1  }
0xf1: {  	[tilespmem:v8+s9+$0x0] =	vst.idx.add.f32.msk $0xffff, v7;
	v5 =	vshrl.u32 v3, $0x12  }
0xf2: {  	v7 =	vld [tilespmem:s14+$0x420]  }
0xf3: {  	[tilespmem:v4+s8+$0x0] =	vst.idx.add.f32.msk $0xffff, v1  }
0xf4: {  	s22 =	sor.u32 $0xC20, s16;
	[tilespmem:v4+s9+$0x0] =	vst.idx.add.f32.msk $0xffff, v6;
	v4 =	vshrl.u32 v2, $0x12  }
0xf5: {  	v6 =	vld [tilespmem:s22+$0x0]  }
0xf6: {  	[tilespmem:v5+s8+$0x0] =	vst.idx.add.f32.msk $0xffff, v1  }
0xf7: {  	v8 =	vshrl.u32 v7, $0x12;
	[tilespmem:v5+s9+$0x0] =	vst.idx.add.f32.msk $0xffff, v3  }
0xf8: {  	v3 =	vld [tilespmem:s14+$0x4B0]  }
0xf9: {  	[tilespmem:v4+s8+$0x0] =	vst.idx.add.f32.msk $0xffff, v1  }
0xfa: {  	s23 =	sor.u32 $0xC30, s15;
	v5 =	vshrl.u32 v6, $0x12;
	[tilespmem:v4+s9+$0x0] =	vst.idx.add.f32.msk $0xffff, v2  }
0xfb: {  	v2 =	vld [tilespmem:s23+$0x0]  }
0xfc: {  	[tilespmem:v8+s8+$0x0] =	vst.idx.add.f32.msk $0xffff, v1  }
0xfd: {  	[tilespmem:v8+s9+$0x0] =	vst.idx.add.f32.msk $0xffff, v7;
	v4 =	vshrl.u32 v3, $0x12  }
0xfe: {  	v7 =	vld [tilespmem:s14+$0x430]  }
0xff: {  	[tilespmem:v5+s8+$0x0] =	vst.idx.add.f32.msk $0xffff, v1  }
0x100: {  	s24 =	sor.u32 $0xC30, s16;
	[tilespmem:v5+s9+$0x0] =	vst.idx.add.f32.msk $0xffff, v6;
	v5 =	vshrl.u32 v2, $0x12  }
0x101: {  	v6 =	vld [tilespmem:s24+$0x0]  }
0x102: {  	[tilespmem:v4+s8+$0x0] =	vst.idx.add.f32.msk $0xffff, v1  }
0x103: {  	v8 =	vshrl.u32 v7, $0x12;
	[tilespmem:v4+s9+$0x0] =	vst.idx.add.f32.msk $0xffff, v3  }
0x104: {  	v3 =	vld [tilespmem:s14+$0x4C0]  }
0x105: {  	[tilespmem:v5+s8+$0x0] =	vst.idx.add.f32.msk $0xffff, v1  }
0x106: {  	s25 =	sor.u32 $0xC40, s15;
	v4 =	vshrl.u32 v6, $0x12;
	[tilespmem:v5+s9+$0x0] =	vst.idx.add.f32.msk $0xffff, v2  }
0x107: {  	v2 =	vld [tilespmem:s25+$0x0]  }
0x108: {  	[tilespmem:v8+s8+$0x0] =	vst.idx.add.f32.msk $0xffff, v1  }
0x109: {  	[tilespmem:v8+s9+$0x0] =	vst.idx.add.f32.msk $0xffff, v7;
	v5 =	vshrl.u32 v3, $0x12  }
0x10a: {  	v7 =	vld [tilespmem:s14+$0x440]  }
0x10b: {  	[tilespmem:v4+s8+$0x0] =	vst.idx.add.f32.msk $0xffff, v1  }
0x10c: {  	s26 =	sor.u32 $0xC40, s16;
	[tilespmem:v4+s9+$0x0] =	vst.idx.add.f32.msk $0xffff, v6;
	v4 =	vshrl.u32 v2, $0x12  }
0x10d: {  	v6 =	vld [tilespmem:s26+$0x0]  }
0x10e: {  	[tilespmem:v5+s8+$0x0] =	vst.idx.add.f32.msk $0xffff, v1  }
0x10f: {  	v8 =	vshrl.u32 v7, $0x12;
	[tilespmem:v5+s9+$0x0] =	vst.idx.add.f32.msk $0xffff, v3  }
0x110: {  	v3 =	vld [tilespmem:s14+$0x4D0]  }
0x111: {  	[tilespmem:v4+s8+$0x0] =	vst.idx.add.f32.msk $0xffff, v1  }
0x112: {  	s28 =	sor.u32 $0xC50, s15;
	v5 =	vshrl.u32 v6, $0x12;
	[tilespmem:v4+s9+$0x0] =	vst.idx.add.f32.msk $0xffff, v2  }
0x113: {  	v2 =	vld [tilespmem:s28+$0x0]  }
0x114: {  	[tilespmem:v8+s8+$0x0] =	vst.idx.add.f32.msk $0xffff, v1  }
0x115: {  	[tilespmem:v8+s9+$0x0] =	vst.idx.add.f32.msk $0xffff, v7;
	v4 =	vshrl.u32 v3, $0x12  }
0x116: {  	v7 =	vld [tilespmem:s14+$0x450]  }
0x117: {  	[tilespmem:v5+s8+$0x0] =	vst.idx.add.f32.msk $0xffff, v1  }
0x118: {  	s29 =	sor.u32 $0xC50, s16;
	[tilespmem:v5+s9+$0x0] =	vst.idx.add.f32.msk $0xffff, v6;
	v5 =	vshrl.u32 v2, $0x12  }
0x119: {  	v6 =	vld [tilespmem:s29+$0x0]  }
0x11a: {  	[tilespmem:v4+s8+$0x0] =	vst.idx.add.f32.msk $0xffff, v1  }
0x11b: {  	v8 =	vshrl.u32 v7, $0x12;
	[tilespmem:v4+s9+$0x0] =	vst.idx.add.f32.msk $0xffff, v3  }
0x11c: {  	v4 =	vld [tilespmem:s14+$0x4E0]  }
0x11d: {  	[tilespmem:v5+s8+$0x0] =	vst.idx.add.f32.msk $0xffff, v1  }
0x11e: {  	s30 =	sor.u32 $0xC60, s15;
	v3 =	vshrl.u32 v6, $0x12;
	[tilespmem:v5+s9+$0x0] =	vst.idx.add.f32.msk $0xffff, v2  }
0x11f: {  	v2 =	vld [tilespmem:s30+$0x0]  }
0x120: {  	[tilespmem:v8+s8+$0x0] =	vst.idx.add.f32.msk $0xffff, v1  }
0x121: {  	[tilespmem:v8+s9+$0x0] =	vst.idx.add.f32.msk $0xffff, v7;
	v5 =	vshrl.u32 v4, $0x12  }
0x122: {  	v7 =	vld [tilespmem:s14+$0x460]  }
0x123: {  	[tilespmem:v3+s8+$0x0] =	vst.idx.add.f32.msk $0xffff, v1  }
0x124: {  	s31 =	sor.u32 $0xC60, s16;
	[tilespmem:v3+s9+$0x0] =	vst.idx.add.f32.msk $0xffff, v6;
	v6 =	vshrl.u32 v2, $0x12  }
0x125: {  	v3 =	vld [tilespmem:s31+$0x0]  }
0x126: {  	[tilespmem:v5+s8+$0x0] =	vst.idx.add.f32.msk $0xffff, v1  }
0x127: {  	v8 =	vshrl.u32 v7, $0x12;
	[tilespmem:v5+s9+$0x0] =	vst.idx.add.f32.msk $0xffff, v4  }
0x128: {  	v5 =	vld [tilespmem:s14+$0x4F0]  }
0x129: {  	[tilespmem:v6+s8+$0x0] =	vst.idx.add.f32.msk $0xffff, v1  }
0x12a: {  	s15 =	sor.u32 $0xC70, s15;
	v4 =	vshrl.u32 v3, $0x12;
	[tilespmem:v6+s9+$0x0] =	vst.idx.add.f32.msk $0xffff, v2  }
0x12b: {  	v2 =	vld [tilespmem:s15+$0x0]  }
0x12c: {  	[tilespmem:v8+s8+$0x0] =	vst.idx.add.f32.msk $0xffff, v1  }
0x12d: {  	[tilespmem:v8+s9+$0x0] =	vst.idx.add.f32.msk $0xffff, v7  }
0x12e: {  	s18 =	sor.u32 $0xC70, s16;
	v6 =	vld [tilespmem:s14+$0x470];
	v7 =	vshrl.u32 v5, $0x12  }
0x12f: {  	s16 =	simm.s32 $0x200;
	s17 =	simm.s32 $0x800;
	[tilespmem:v4+s8+$0x0] =	vst.idx.add.f32.msk $0xffff, v1;
	s15 =	simm.s32 $0x2  }
.LBB2_4:
0x130: {  	s19 =	sand.u32 $0x7000, s17;
	s20 =	sand.u32 $0x300, s16;
	[tilespmem:v4+s9+$0x0] =	vst.idx.add.f32.msk $0xffff, v3;
	v3 =	vshrl.u32 v2, $0x12  }
0x131: {  	s19 =	sor.u32 s20, s19;
	v4 =	vld [tilespmem:s18+$0x0]  }
0x132: {  	v8 =	vld [tilespmem:s19+$0x80]  }
0x133: {  	v9 =	vshrl.u32 v6, $0x12;
	[tilespmem:v7+s8+$0x0] =	vst.idx.add.f32.msk $0xffff, v1  }
0x134: {  	[tilespmem:v7+s9+$0x0] =	vst.idx.add.f32.msk $0xffff, v5  }
0x135: {  	[tilespmem:v3+s8+$0x0] =	vst.idx.add.f32.msk $0xffff, v1  }
0x136: {  	v5 =	vshrl.u32 v4, $0x12;
	[tilespmem:v3+s9+$0x0] =	vst.idx.add.f32.msk $0xffff, v2  }
0x137: {  	v2 =	vld [tilespmem:s14+$0x880]  }
0x138: {  	v3 =	vld [tilespmem:s19+$0x0]  }
0x139: {  	v7 =	vshrl.u32 v8, $0x12;
	[tilespmem:v9+s8+$0x0] =	vst.idx.add.f32.msk $0xffff, v1  }
0x13a: {  	[tilespmem:v9+s9+$0x0] =	vst.idx.add.f32.msk $0xffff, v6  }
0x13b: {  	v6 =	vld [tilespmem:s14+$0x800]  }
0x13c: {  	v9 =	vshrl.u32 v2, $0x12;
	[tilespmem:v5+s8+$0x0] =	vst.idx.add.f32.msk $0xffff, v1  }
0x13d: {  	v10 =	vshrl.u32 v3, $0x12;
	[tilespmem:v5+s9+$0x0] =	vst.idx.add.f32.msk $0xffff, v4  }
0x13e: {  	[tilespmem:v7+s8+$0x0] =	vst.idx.add.f32.msk $0xffff, v1  }
0x13f: {  	[tilespmem:v7+s9+$0x0] =	vst.idx.add.f32.msk $0xffff, v8  }
0x140: {  	v4 =	vld [tilespmem:s19+$0x90];
	v5 =	vshrl.u32 v6, $0x12  }
0x141: {  	[tilespmem:v9+s8+$0x0] =	vst.idx.add.f32.msk $0xffff, v1  }
0x142: {  	[tilespmem:v9+s9+$0x0] =	vst.idx.add.f32.msk $0xffff, v2  }
0x143: {  	v2 =	vld [tilespmem:s14+$0x890]  }
0x144: {  	[tilespmem:v10+s8+$0x0] =	vst.idx.add.f32.msk $0xffff, v1  }
0x145: {  	[tilespmem:v10+s9+$0x0] =	vst.idx.add.f32.msk $0xffff, v3;
	v3 =	vshrl.u32 v4, $0x12  }
0x146: {  	v7 =	vld [tilespmem:s19+$0x10]  }
0x147: {  	[tilespmem:v5+s8+$0x0] =	vst.idx.add.f32.msk $0xffff, v1  }
0x148: {  	[tilespmem:v5+s9+$0x0] =	vst.idx.add.f32.msk $0xffff, v6;
	v5 =	vshrl.u32 v2, $0x12  }
0x149: {  	v6 =	vld [tilespmem:s14+$0x810]  }
0x14a: {  	[tilespmem:v3+s8+$0x0] =	vst.idx.add.f32.msk $0xffff, v1  }
0x14b: {  	v8 =	vshrl.u32 v7, $0x12;
	[tilespmem:v3+s9+$0x0] =	vst.idx.add.f32.msk $0xffff, v4  }
0x14c: {  	v3 =	vld [tilespmem:s19+$0xA0]  }
0x14d: {  	[tilespmem:v5+s8+$0x0] =	vst.idx.add.f32.msk $0xffff, v1  }
0x14e: {  	v4 =	vshrl.u32 v6, $0x12;
	[tilespmem:v5+s9+$0x0] =	vst.idx.add.f32.msk $0xffff, v2  }
0x14f: {  	v2 =	vld [tilespmem:s14+$0x8A0]  }
0x150: {  	[tilespmem:v8+s8+$0x0] =	vst.idx.add.f32.msk $0xffff, v1  }
0x151: {  	[tilespmem:v8+s9+$0x0] =	vst.idx.add.f32.msk $0xffff, v7;
	v5 =	vshrl.u32 v3, $0x12  }
0x152: {  	v7 =	vld [tilespmem:s19+$0x20]  }
0x153: {  	[tilespmem:v4+s8+$0x0] =	vst.idx.add.f32.msk $0xffff, v1  }
0x154: {  	[tilespmem:v4+s9+$0x0] =	vst.idx.add.f32.msk $0xffff, v6;
	v4 =	vshrl.u32 v2, $0x12  }
0x155: {  	s15 =	sadd.s32 $0x2, s15;
	v6 =	vld [tilespmem:s14+$0x820]  }
0x156: {  	p0 =	slt.u32 s15, $0x3E;
	[tilespmem:v5+s8+$0x0] =	vst.idx.add.f32.msk $0xffff, v1  }
0x157: {  	v8 =	vshrl.u32 v7, $0x12;
	[tilespmem:v5+s9+$0x0] =	vst.idx.add.f32.msk $0xffff, v3  }
0x158: {  	v3 =	vld [tilespmem:s19+$0xB0]  }
0x159: {  	[tilespmem:v4+s8+$0x0] =	vst.idx.add.f32.msk $0xffff, v1  }
0x15a: {  	v5 =	vshrl.u32 v6, $0x12;
	[tilespmem:v4+s9+$0x0] =	vst.idx.add.f32.msk $0xffff, v2  }
0x15b: {  	v2 =	vld [tilespmem:s14+$0x8B0]  }
0x15c: {  	[tilespmem:v8+s8+$0x0] =	vst.idx.add.f32.msk $0xffff, v1  }
0x15d: {  	[tilespmem:v8+s9+$0x0] =	vst.idx.add.f32.msk $0xffff, v7;
	v4 =	vshrl.u32 v3, $0x12  }
0x15e: {  	v7 =	vld [tilespmem:s19+$0x30]  }
0x15f: {  	[tilespmem:v5+s8+$0x0] =	vst.idx.add.f32.msk $0xffff, v1  }
0x160: {  	[tilespmem:v5+s9+$0x0] =	vst.idx.add.f32.msk $0xffff, v6;
	v5 =	vshrl.u32 v2, $0x12  }
0x161: {  	v6 =	vld [tilespmem:s14+$0x830]  }
0x162: {  	[tilespmem:v4+s8+$0x0] =	vst.idx.add.f32.msk $0xffff, v1  }
0x163: {  	v8 =	vshrl.u32 v7, $0x12;
	[tilespmem:v4+s9+$0x0] =	vst.idx.add.f32.msk $0xffff, v3  }
0x164: {  	v3 =	vld [tilespmem:s19+$0xC0]  }
0x165: {  	[tilespmem:v5+s8+$0x0] =	vst.idx.add.f32.msk $0xffff, v1  }
0x166: {  	v4 =	vshrl.u32 v6, $0x12;
	[tilespmem:v5+s9+$0x0] =	vst.idx.add.f32.msk $0xffff, v2  }
0x167: {  	v2 =	vld [tilespmem:s14+$0x8C0]  }
0x168: {  	[tilespmem:v8+s8+$0x0] =	vst.idx.add.f32.msk $0xffff, v1  }
0x169: {  	[tilespmem:v8+s9+$0x0] =	vst.idx.add.f32.msk $0xffff, v7;
	v5 =	vshrl.u32 v3, $0x12  }
0x16a: {  	v7 =	vld [tilespmem:s19+$0x40]  }
0x16b: {  	[tilespmem:v4+s8+$0x0] =	vst.idx.add.f32.msk $0xffff, v1  }
0x16c: {  	[tilespmem:v4+s9+$0x0] =	vst.idx.add.f32.msk $0xffff, v6;
	v4 =	vshrl.u32 v2, $0x12  }
0x16d: {  	v6 =	vld [tilespmem:s14+$0x840]  }
0x16e: {  	[tilespmem:v5+s8+$0x0] =	vst.idx.add.f32.msk $0xffff, v1  }
0x16f: {  	v8 =	vshrl.u32 v7, $0x12;
	[tilespmem:v5+s9+$0x0] =	vst.idx.add.f32.msk $0xffff, v3  }
0x170: {  	v3 =	vld [tilespmem:s19+$0xD0]  }
0x171: {  	[tilespmem:v4+s8+$0x0] =	vst.idx.add.f32.msk $0xffff, v1  }
0x172: {  	v5 =	vshrl.u32 v6, $0x12;
	[tilespmem:v4+s9+$0x0] =	vst.idx.add.f32.msk $0xffff, v2  }
0x173: {  	v2 =	vld [tilespmem:s14+$0x8D0]  }
0x174: {  	[tilespmem:v8+s8+$0x0] =	vst.idx.add.f32.msk $0xffff, v1  }
0x175: {  	[tilespmem:v8+s9+$0x0] =	vst.idx.add.f32.msk $0xffff, v7;
	v4 =	vshrl.u32 v3, $0x12  }
0x176: {  	v7 =	vld [tilespmem:s19+$0x50]  }
0x177: {  	[tilespmem:v5+s8+$0x0] =	vst.idx.add.f32.msk $0xffff, v1  }
0x178: {  	[tilespmem:v5+s9+$0x0] =	vst.idx.add.f32.msk $0xffff, v6;
	v5 =	vshrl.u32 v2, $0x12  }
0x179: {  	v6 =	vld [tilespmem:s14+$0x850]  }
0x17a: {  	[tilespmem:v4+s8+$0x0] =	vst.idx.add.f32.msk $0xffff, v1  }
0x17b: {  	v8 =	vshrl.u32 v7, $0x12;
	[tilespmem:v4+s9+$0x0] =	vst.idx.add.f32.msk $0xffff, v3  }
0x17c: {  	v3 =	vld [tilespmem:s19+$0xE0]  }
0x17d: {  	[tilespmem:v5+s8+$0x0] =	vst.idx.add.f32.msk $0xffff, v1  }
0x17e: {  	v4 =	vshrl.u32 v6, $0x12;
	[tilespmem:v5+s9+$0x0] =	vst.idx.add.f32.msk $0xffff, v2  }
0x17f: {  	v2 =	vld [tilespmem:s14+$0x8E0]  }
0x180: {  	[tilespmem:v8+s8+$0x0] =	vst.idx.add.f32.msk $0xffff, v1  }
0x181: {  	[tilespmem:v8+s9+$0x0] =	vst.idx.add.f32.msk $0xffff, v7;
	v5 =	vshrl.u32 v3, $0x12  }
0x182: {  	v7 =	vld [tilespmem:s19+$0x60]  }
0x183: {  	[tilespmem:v4+s8+$0x0] =	vst.idx.add.f32.msk $0xffff, v1  }
0x184: {  	[tilespmem:v4+s9+$0x0] =	vst.idx.add.f32.msk $0xffff, v6;
	v4 =	vshrl.u32 v2, $0x12  }
0x185: {  	v6 =	vld [tilespmem:s14+$0x860]  }
0x186: {  	[tilespmem:v5+s8+$0x0] =	vst.idx.add.f32.msk $0xffff, v1  }
0x187: {  	v8 =	vshrl.u32 v7, $0x12;
	[tilespmem:v5+s9+$0x0] =	vst.idx.add.f32.msk $0xffff, v3  }
0x188: {  	v3 =	vld [tilespmem:s19+$0xF0]  }
0x189: {  	[tilespmem:v4+s8+$0x0] =	vst.idx.add.f32.msk $0xffff, v1  }
0x18a: {  	v5 =	vshrl.u32 v6, $0x12;
	[tilespmem:v4+s9+$0x0] =	vst.idx.add.f32.msk $0xffff, v2  }
0x18b: {  	v2 =	vld [tilespmem:s14+$0x8F0]  }
0x18c: {  	[tilespmem:v8+s8+$0x0] =	vst.idx.add.f32.msk $0xffff, v1  }
0x18d: {  	[tilespmem:v8+s9+$0x0] =	vst.idx.add.f32.msk $0xffff, v7;
	v4 =	vshrl.u32 v3, $0x12  }
0x18e: {  	v7 =	vld [tilespmem:s19+$0x70]  }
0x18f: {  	[tilespmem:v5+s8+$0x0] =	vst.idx.add.f32.msk $0xffff, v1  }
0x190: {  	[tilespmem:v5+s9+$0x0] =	vst.idx.add.f32.msk $0xffff, v6;
	v5 =	vshrl.u32 v2, $0x12  }
0x191: {  	s12 =	sadd.s32 $0x1, s12;
	v6 =	vld [tilespmem:s14+$0x870];
	s14 =	smov.u32 s19  }
0x192: {  	s18 =	sand.u32 $0x3, s12;
	[tilespmem:v4+s8+$0x0] =	vst.idx.add.f32.msk $0xffff, v1  }
0x193: {  	s18 =	sshll.u32 s18, $0x8;
	v8 =	vshrl.u32 v7, $0x12;
	[tilespmem:v4+s9+$0x0] =	vst.idx.add.f32.msk $0xffff, v3  }
0x194: {  	s18 =	sadd.s32 s18, s13;
	s13 =	smov.u32 s17;
	v3 =	vld [tilespmem:s14+$0x480]  }
0x195: {  	s25 =	sor.u32 $0xC00, s18;
	s26 =	sor.u32 $0xC10, s18;
	s19 =	sadd.s32 $0x80, s18;
	[tilespmem:v5+s8+$0x0] =	vst.idx.add.f32.msk $0xffff, v1  }
0x196: {  	s24 =	sor.u32 $0xC20, s18;
	s23 =	sor.u32 $0xC30, s18;
	s28 =	sor.u32 $0xC00, s19;
	v4 =	vshrl.u32 v6, $0x12;
	[tilespmem:v5+s9+$0x0] =	vst.idx.add.f32.msk $0xffff, v2  }
0x197: {  	s22 =	sor.u32 $0xC40, s18;
	s21 =	sor.u32 $0xC50, s18;
	s20 =	sor.u32 $0xC60, s18;
	v2 =	vld [tilespmem:s28+$0x0]  }
0x198: {  	s18 =	sor.u32 $0xC70, s18;
	[tilespmem:v8+s8+$0x0] =	vst.idx.add.f32.msk $0xffff, v1  }
0x199: {  	[tilespmem:v8+s9+$0x0] =	vst.idx.add.f32.msk $0xffff, v7;
	v5 =	vshrl.u32 v3, $0x12  }
0x19a: {  	v7 =	vld [tilespmem:s14+$0x400]  }
0x19b: {  	[tilespmem:v4+s8+$0x0] =	vst.idx.add.f32.msk $0xffff, v1  }
0x19c: {  	[tilespmem:v4+s9+$0x0] =	vst.idx.add.f32.msk $0xffff, v6;
	v4 =	vshrl.u32 v2, $0x12  }
0x19d: {  	v6 =	vld [tilespmem:s25+$0x0]  }
0x19e: {  	[tilespmem:v5+s8+$0x0] =	vst.idx.add.f32.msk $0xffff, v1  }
0x19f: {  	v8 =	vshrl.u32 v7, $0x12;
	[tilespmem:v5+s9+$0x0] =	vst.idx.add.f32.msk $0xffff, v3  }
0x1a0: {  	v3 =	vld [tilespmem:s14+$0x490]  }
0x1a1: {  	[tilespmem:v4+s8+$0x0] =	vst.idx.add.f32.msk $0xffff, v1  }
0x1a2: {  	s25 =	sor.u32 $0xC10, s19;
	v5 =	vshrl.u32 v6, $0x12;
	[tilespmem:v4+s9+$0x0] =	vst.idx.add.f32.msk $0xffff, v2  }
0x1a3: {  	v2 =	vld [tilespmem:s25+$0x0]  }
0x1a4: {  	[tilespmem:v8+s8+$0x0] =	vst.idx.add.f32.msk $0xffff, v1  }
0x1a5: {  	[tilespmem:v8+s9+$0x0] =	vst.idx.add.f32.msk $0xffff, v7;
	v4 =	vshrl.u32 v3, $0x12  }
0x1a6: {  	v7 =	vld [tilespmem:s14+$0x410]  }
0x1a7: {  	[tilespmem:v5+s8+$0x0] =	vst.idx.add.f32.msk $0xffff, v1  }
0x1a8: {  	[tilespmem:v5+s9+$0x0] =	vst.idx.add.f32.msk $0xffff, v6;
	v5 =	vshrl.u32 v2, $0x12  }
0x1a9: {  	v6 =	vld [tilespmem:s26+$0x0]  }
0x1aa: {  	[tilespmem:v4+s8+$0x0] =	vst.idx.add.f32.msk $0xffff, v1  }
0x1ab: {  	v8 =	vshrl.u32 v7, $0x12;
	[tilespmem:v4+s9+$0x0] =	vst.idx.add.f32.msk $0xffff, v3  }
0x1ac: {  	v3 =	vld [tilespmem:s14+$0x4A0]  }
0x1ad: {  	[tilespmem:v5+s8+$0x0] =	vst.idx.add.f32.msk $0xffff, v1  }
0x1ae: {  	s25 =	sor.u32 $0xC20, s19;
	v4 =	vshrl.u32 v6, $0x12;
	[tilespmem:v5+s9+$0x0] =	vst.idx.add.f32.msk $0xffff, v2  }
0x1af: {  	v2 =	vld [tilespmem:s25+$0x0]  }
0x1b0: {  	[tilespmem:v8+s8+$0x0] =	vst.idx.add.f32.msk $0xffff, v1  }
0x1b1: {  	[tilespmem:v8+s9+$0x0] =	vst.idx.add.f32.msk $0xffff, v7;
	v5 =	vshrl.u32 v3, $0x12  }
0x1b2: {  	v7 =	vld [tilespmem:s14+$0x420]  }
0x1b3: {  	[tilespmem:v4+s8+$0x0] =	vst.idx.add.f32.msk $0xffff, v1  }
0x1b4: {  	[tilespmem:v4+s9+$0x0] =	vst.idx.add.f32.msk $0xffff, v6;
	v4 =	vshrl.u32 v2, $0x12  }
0x1b5: {  	v6 =	vld [tilespmem:s24+$0x0]  }
0x1b6: {  	[tilespmem:v5+s8+$0x0] =	vst.idx.add.f32.msk $0xffff, v1  }
0x1b7: {  	v8 =	vshrl.u32 v7, $0x12;
	[tilespmem:v5+s9+$0x0] =	vst.idx.add.f32.msk $0xffff, v3  }
0x1b8: {  	v3 =	vld [tilespmem:s14+$0x4B0]  }
0x1b9: {  	[tilespmem:v4+s8+$0x0] =	vst.idx.add.f32.msk $0xffff, v1  }
0x1ba: {  	s24 =	sor.u32 $0xC30, s19;
	v5 =	vshrl.u32 v6, $0x12;
	[tilespmem:v4+s9+$0x0] =	vst.idx.add.f32.msk $0xffff, v2  }
0x1bb: {  	v2 =	vld [tilespmem:s24+$0x0]  }
0x1bc: {  	[tilespmem:v8+s8+$0x0] =	vst.idx.add.f32.msk $0xffff, v1  }
0x1bd: {  	[tilespmem:v8+s9+$0x0] =	vst.idx.add.f32.msk $0xffff, v7;
	v4 =	vshrl.u32 v3, $0x12  }
0x1be: {  	v7 =	vld [tilespmem:s14+$0x430]  }
0x1bf: {  	[tilespmem:v5+s8+$0x0] =	vst.idx.add.f32.msk $0xffff, v1  }
0x1c0: {  	[tilespmem:v5+s9+$0x0] =	vst.idx.add.f32.msk $0xffff, v6;
	v5 =	vshrl.u32 v2, $0x12  }
0x1c1: {  	v6 =	vld [tilespmem:s23+$0x0]  }
0x1c2: {  	[tilespmem:v4+s8+$0x0] =	vst.idx.add.f32.msk $0xffff, v1  }
0x1c3: {  	v8 =	vshrl.u32 v7, $0x12;
	[tilespmem:v4+s9+$0x0] =	vst.idx.add.f32.msk $0xffff, v3  }
0x1c4: {  	v3 =	vld [tilespmem:s14+$0x4C0]  }
0x1c5: {  	[tilespmem:v5+s8+$0x0] =	vst.idx.add.f32.msk $0xffff, v1  }
0x1c6: {  	s23 =	sor.u32 $0xC40, s19;
	v4 =	vshrl.u32 v6, $0x12;
	[tilespmem:v5+s9+$0x0] =	vst.idx.add.f32.msk $0xffff, v2  }
0x1c7: {  	v2 =	vld [tilespmem:s23+$0x0]  }
0x1c8: {  	[tilespmem:v8+s8+$0x0] =	vst.idx.add.f32.msk $0xffff, v1  }
0x1c9: {  	[tilespmem:v8+s9+$0x0] =	vst.idx.add.f32.msk $0xffff, v7;
	v5 =	vshrl.u32 v3, $0x12  }
0x1ca: {  	v7 =	vld [tilespmem:s14+$0x440]  }
0x1cb: {  	[tilespmem:v4+s8+$0x0] =	vst.idx.add.f32.msk $0xffff, v1  }
0x1cc: {  	[tilespmem:v4+s9+$0x0] =	vst.idx.add.f32.msk $0xffff, v6;
	v4 =	vshrl.u32 v2, $0x12  }
0x1cd: {  	v6 =	vld [tilespmem:s22+$0x0]  }
0x1ce: {  	[tilespmem:v5+s8+$0x0] =	vst.idx.add.f32.msk $0xffff, v1  }
0x1cf: {  	v8 =	vshrl.u32 v7, $0x12;
	[tilespmem:v5+s9+$0x0] =	vst.idx.add.f32.msk $0xffff, v3  }
0x1d0: {  	v3 =	vld [tilespmem:s14+$0x4D0]  }
0x1d1: {  	[tilespmem:v4+s8+$0x0] =	vst.idx.add.f32.msk $0xffff, v1  }
0x1d2: {  	s22 =	sor.u32 $0xC50, s19;
	v5 =	vshrl.u32 v6, $0x12;
	[tilespmem:v4+s9+$0x0] =	vst.idx.add.f32.msk $0xffff, v2  }
0x1d3: {  	v2 =	vld [tilespmem:s22+$0x0]  }
0x1d4: {  	[tilespmem:v8+s8+$0x0] =	vst.idx.add.f32.msk $0xffff, v1  }
0x1d5: {  	[tilespmem:v8+s9+$0x0] =	vst.idx.add.f32.msk $0xffff, v7;
	v4 =	vshrl.u32 v3, $0x12  }
0x1d6: {  	v7 =	vld [tilespmem:s14+$0x450]  }
0x1d7: {  	[tilespmem:v5+s8+$0x0] =	vst.idx.add.f32.msk $0xffff, v1  }
0x1d8: {  	[tilespmem:v5+s9+$0x0] =	vst.idx.add.f32.msk $0xffff, v6;
	v5 =	vshrl.u32 v2, $0x12  }
0x1d9: {  	v6 =	vld [tilespmem:s21+$0x0]  }
0x1da: {  	[tilespmem:v4+s8+$0x0] =	vst.idx.add.f32.msk $0xffff, v1  }
0x1db: {  	v8 =	vshrl.u32 v7, $0x12;
	[tilespmem:v4+s9+$0x0] =	vst.idx.add.f32.msk $0xffff, v3  }
0x1dc: {  	v4 =	vld [tilespmem:s14+$0x4E0]  }
0x1dd: {  	[tilespmem:v5+s8+$0x0] =	vst.idx.add.f32.msk $0xffff, v1  }
0x1de: {  	s21 =	sor.u32 $0xC60, s19;
	v3 =	vshrl.u32 v6, $0x12;
	[tilespmem:v5+s9+$0x0] =	vst.idx.add.f32.msk $0xffff, v2  }
0x1df: {  	v2 =	vld [tilespmem:s21+$0x0]  }
0x1e0: {  	[tilespmem:v8+s8+$0x0] =	vst.idx.add.f32.msk $0xffff, v1  }
0x1e1: {  	[tilespmem:v8+s9+$0x0] =	vst.idx.add.f32.msk $0xffff, v7;
	v5 =	vshrl.u32 v4, $0x12  }
0x1e2: {  	v7 =	vld [tilespmem:s14+$0x460]  }
0x1e3: {  	[tilespmem:v3+s8+$0x0] =	vst.idx.add.f32.msk $0xffff, v1  }
0x1e4: {  	[tilespmem:v3+s9+$0x0] =	vst.idx.add.f32.msk $0xffff, v6;
	v6 =	vshrl.u32 v2, $0x12  }
0x1e5: {  	v3 =	vld [tilespmem:s20+$0x0]  }
0x1e6: {  	[tilespmem:v5+s8+$0x0] =	vst.idx.add.f32.msk $0xffff, v1  }
0x1e7: {  	v8 =	vshrl.u32 v7, $0x12;
	[tilespmem:v5+s9+$0x0] =	vst.idx.add.f32.msk $0xffff, v4  }
0x1e8: {  	v5 =	vld [tilespmem:s14+$0x4F0]  }
0x1e9: {  	[tilespmem:v6+s8+$0x0] =	vst.idx.add.f32.msk $0xffff, v1  }
0x1ea: {  	s19 =	sor.u32 $0xC70, s19;
	v4 =	vshrl.u32 v3, $0x12;
	[tilespmem:v6+s9+$0x0] =	vst.idx.add.f32.msk $0xffff, v2  }
.Ltmp1:
0x1eb: {  	v2 =	vld [tilespmem:s19+$0x0];
	(pc) =	sbr.rel @p0 .LBB2_4-.Ltmp1, $4  }
0x1ec: {  	[tilespmem:v8+s8+$0x0] =	vst.idx.add.f32.msk $0xffff, v1  }
0x1ed: {  	[tilespmem:v8+s9+$0x0] =	vst.idx.add.f32.msk $0xffff, v7  }
0x1ee: {  	v7 =	vshrl.u32 v5, $0x12;
	v6 =	vld [tilespmem:s14+$0x470]  }
0x1ef: {  	s16 =	sadd.s32 $0x100, s16;
	s17 =	sadd.s32 $0x400, s17;
	[tilespmem:v4+s8+$0x0] =	vst.idx.add.f32.msk $0xffff, v1  }
0x1f0: {  	_ =	sdelay $0x2  }
0x1f1: {  	v8 =	vshrl.u32 v6, $0x12;
	_ =	sdelay $0x1  }
0x1f2: {  	[tilespmem:v7+s8+$0x0] =	vst.idx.add.f32.msk $0xffff, v1  }
0x1f3: {  	[tilespmem:v7+s9+$0x0] =	vst.idx.add.f32.msk $0xffff, v5  }
0x1f4: {  	v5 =	vld [tilespmem:s14+$0x880]  }
0x1f5: {  	[tilespmem:v8+s8+$0x0] =	vst.idx.add.f32.msk $0xffff, v1  }
0x1f6: {  	[tilespmem:v8+s9+$0x0] =	vst.idx.add.f32.msk $0xffff, v6  }
0x1f7: {  	v6 =	vld [tilespmem:s14+$0x800];
	_ =	sdelay $0x1  }
0x1f8: {  	v32 =	vshrl.u32 v5, $0x12;
	_ =	sdelay $0x2  }
0x1f9: {  	v33 =	vshrl.u32 v6, $0x12;
	_ =	sdelay $0x1  }
0x1fa: {  	[tilespmem:v32+s8+$0x0] =	vst.idx.add.f32.msk $0xffff, v1  }
0x1fb: {  	[tilespmem:v32+s9+$0x0] =	vst.idx.add.f32.msk $0xffff, v5  }
0x1fc: {  	v5 =	vld [tilespmem:s14+$0x890]  }
0x1fd: {  	[tilespmem:v33+s8+$0x0] =	vst.idx.add.f32.msk $0xffff, v1  }
0x1fe: {  	[tilespmem:v33+s9+$0x0] =	vst.idx.add.f32.msk $0xffff, v6  }
0x1ff: {  	v6 =	vld [tilespmem:s14+$0x810];
	_ =	sdelay $0x1  }
0x200: {  	v34 =	vshrl.u32 v5, $0x12;
	_ =	sdelay $0x2  }
0x201: {  	v35 =	vshrl.u32 v6, $0x12;
	_ =	sdelay $0x1  }
0x202: {  	[tilespmem:v34+s8+$0x0] =	vst.idx.add.f32.msk $0xffff, v1  }
0x203: {  	[tilespmem:v34+s9+$0x0] =	vst.idx.add.f32.msk $0xffff, v5  }
0x204: {  	v5 =	vld [tilespmem:s14+$0x8A0]  }
0x205: {  	[tilespmem:v35+s8+$0x0] =	vst.idx.add.f32.msk $0xffff, v1  }
0x206: {  	[tilespmem:v35+s9+$0x0] =	vst.idx.add.f32.msk $0xffff, v6  }
0x207: {  	v6 =	vld [tilespmem:s14+$0x820];
	_ =	sdelay $0x1  }
0x208: {  	v36 =	vshrl.u32 v5, $0x12;
	_ =	sdelay $0x2  }
0x209: {  	v37 =	vshrl.u32 v6, $0x12;
	_ =	sdelay $0x1  }
0x20a: {  	[tilespmem:v36+s8+$0x0] =	vst.idx.add.f32.msk $0xffff, v1  }
0x20b: {  	[tilespmem:v36+s9+$0x0] =	vst.idx.add.f32.msk $0xffff, v5  }
0x20c: {  	v5 =	vld [tilespmem:s14+$0x8B0]  }
0x20d: {  	[tilespmem:v37+s8+$0x0] =	vst.idx.add.f32.msk $0xffff, v1  }
0x20e: {  	[tilespmem:v37+s9+$0x0] =	vst.idx.add.f32.msk $0xffff, v6  }
0x20f: {  	v6 =	vld [tilespmem:s14+$0x830];
	_ =	sdelay $0x1  }
0x210: {  	v38 =	vshrl.u32 v5, $0x12;
	_ =	sdelay $0x2  }
0x211: {  	v39 =	vshrl.u32 v6, $0x12;
	_ =	sdelay $0x1  }
0x212: {  	[tilespmem:v38+s8+$0x0] =	vst.idx.add.f32.msk $0xffff, v1  }
0x213: {  	[tilespmem:v38+s9+$0x0] =	vst.idx.add.f32.msk $0xffff, v5  }
0x214: {  	v5 =	vld [tilespmem:s14+$0x8C0]  }
0x215: {  	[tilespmem:v39+s8+$0x0] =	vst.idx.add.f32.msk $0xffff, v1  }
0x216: {  	[tilespmem:v39+s9+$0x0] =	vst.idx.add.f32.msk $0xffff, v6  }
0x217: {  	v6 =	vld [tilespmem:s14+$0x840];
	_ =	sdelay $0x1  }
0x218: {  	v40 =	vshrl.u32 v5, $0x12;
	_ =	sdelay $0x2  }
0x219: {  	v41 =	vshrl.u32 v6, $0x12;
	_ =	sdelay $0x1  }
0x21a: {  	[tilespmem:v40+s8+$0x0] =	vst.idx.add.f32.msk $0xffff, v1  }
0x21b: {  	[tilespmem:v40+s9+$0x0] =	vst.idx.add.f32.msk $0xffff, v5  }
0x21c: {  	v5 =	vld [tilespmem:s14+$0x8D0]  }
0x21d: {  	[tilespmem:v41+s8+$0x0] =	vst.idx.add.f32.msk $0xffff, v1  }
0x21e: {  	[tilespmem:v41+s9+$0x0] =	vst.idx.add.f32.msk $0xffff, v6  }
0x21f: {  	v6 =	vld [tilespmem:s14+$0x850];
	_ =	sdelay $0x1  }
0x220: {  	v42 =	vshrl.u32 v5, $0x12;
	_ =	sdelay $0x2  }
0x221: {  	v43 =	vshrl.u32 v6, $0x12;
	_ =	sdelay $0x1  }
0x222: {  	[tilespmem:v42+s8+$0x0] =	vst.idx.add.f32.msk $0xffff, v1  }
0x223: {  	[tilespmem:v42+s9+$0x0] =	vst.idx.add.f32.msk $0xffff, v5  }
0x224: {  	v5 =	vld [tilespmem:s14+$0x8E0]  }
0x225: {  	[tilespmem:v43+s8+$0x0] =	vst.idx.add.f32.msk $0xffff, v1  }
0x226: {  	[tilespmem:v43+s9+$0x0] =	vst.idx.add.f32.msk $0xffff, v6  }
0x227: {  	v6 =	vld [tilespmem:s14+$0x860];
	_ =	sdelay $0x1  }
0x228: {  	v44 =	vshrl.u32 v5, $0x12;
	_ =	sdelay $0x2  }
0x229: {  	v45 =	vshrl.u32 v6, $0x12;
	_ =	sdelay $0x1  }
0x22a: {  	[tilespmem:v44+s8+$0x0] =	vst.idx.add.f32.msk $0xffff, v1  }
0x22b: {  	[tilespmem:v44+s9+$0x0] =	vst.idx.add.f32.msk $0xffff, v5  }
0x22c: {  	v5 =	vld [tilespmem:s14+$0x8F0]  }
0x22d: {  	[tilespmem:v45+s8+$0x0] =	vst.idx.add.f32.msk $0xffff, v1  }
0x22e: {  	[tilespmem:v45+s9+$0x0] =	vst.idx.add.f32.msk $0xffff, v6  }
0x22f: {  	v6 =	vld [tilespmem:s14+$0x870];
	_ =	sdelay $0x1  }
0x230: {  	v46 =	vshrl.u32 v5, $0x12  }
0x231: {  	s12 =	sadd.s32 $0x1, s12  }
0x232: {  	s12 =	sand.u32 $0x3, s12  }
0x233: {  	s12 =	sshll.u32 s12, $0x8;
	v47 =	vshrl.u32 v6, $0x12  }
0x234: {  	s12 =	sadd.s32 s12, s13  }
0x235: {  	s13 =	sadd.s32 $0x80, s12;
	[tilespmem:v46+s8+$0x0] =	vst.idx.add.f32.msk $0xffff, v1  }
0x236: {  	s16 =	sor.u32 $0xC00, s13;
	[tilespmem:v46+s9+$0x0] =	vst.idx.add.f32.msk $0xffff, v5  }
0x237: {  	v5 =	vld [tilespmem:s16+$0x0]  }
0x238: {  	[tilespmem:v47+s8+$0x0] =	vst.idx.add.f32.msk $0xffff, v1  }
0x239: {  	s17 =	sor.u32 $0xC00, s12;
	[tilespmem:v47+s9+$0x0] =	vst.idx.add.f32.msk $0xffff, v6  }
0x23a: {  	v6 =	vld [tilespmem:s17+$0x0];
	_ =	sdelay $0x1  }
0x23b: {  	v48 =	vshrl.u32 v5, $0x12;
	_ =	sdelay $0x2  }
0x23c: {  	v49 =	vshrl.u32 v6, $0x12;
	_ =	sdelay $0x1  }
0x23d: {  	[tilespmem:v48+s8+$0x0] =	vst.idx.add.f32.msk $0xffff, v1  }
0x23e: {  	s19 =	sor.u32 $0xC10, s13;
	[tilespmem:v48+s9+$0x0] =	vst.idx.add.f32.msk $0xffff, v5  }
0x23f: {  	v5 =	vld [tilespmem:s19+$0x0]  }
0x240: {  	[tilespmem:v49+s8+$0x0] =	vst.idx.add.f32.msk $0xffff, v1  }
0x241: {  	s20 =	sor.u32 $0xC10, s12;
	[tilespmem:v49+s9+$0x0] =	vst.idx.add.f32.msk $0xffff, v6  }
0x242: {  	v6 =	vld [tilespmem:s20+$0x0];
	_ =	sdelay $0x1  }
0x243: {  	v50 =	vshrl.u32 v5, $0x12;
	_ =	sdelay $0x2  }
0x244: {  	v51 =	vshrl.u32 v6, $0x12;
	_ =	sdelay $0x1  }
0x245: {  	[tilespmem:v50+s8+$0x0] =	vst.idx.add.f32.msk $0xffff, v1  }
0x246: {  	s21 =	sor.u32 $0xC20, s13;
	[tilespmem:v50+s9+$0x0] =	vst.idx.add.f32.msk $0xffff, v5  }
0x247: {  	v5 =	vld [tilespmem:s21+$0x0]  }
0x248: {  	[tilespmem:v51+s8+$0x0] =	vst.idx.add.f32.msk $0xffff, v1  }
0x249: {  	s22 =	sor.u32 $0xC20, s12;
	[tilespmem:v51+s9+$0x0] =	vst.idx.add.f32.msk $0xffff, v6  }
0x24a: {  	v6 =	vld [tilespmem:s22+$0x0];
	_ =	sdelay $0x1  }
0x24b: {  	v52 =	vshrl.u32 v5, $0x12;
	_ =	sdelay $0x2  }
0x24c: {  	v53 =	vshrl.u32 v6, $0x12;
	_ =	sdelay $0x1  }
0x24d: {  	[tilespmem:v52+s8+$0x0] =	vst.idx.add.f32.msk $0xffff, v1  }
0x24e: {  	s23 =	sor.u32 $0xC30, s13;
	[tilespmem:v52+s9+$0x0] =	vst.idx.add.f32.msk $0xffff, v5  }
0x24f: {  	v5 =	vld [tilespmem:s23+$0x0]  }
0x250: {  	[tilespmem:v53+s8+$0x0] =	vst.idx.add.f32.msk $0xffff, v1  }
0x251: {  	s24 =	sor.u32 $0xC30, s12;
	[tilespmem:v53+s9+$0x0] =	vst.idx.add.f32.msk $0xffff, v6  }
0x252: {  	v6 =	vld [tilespmem:s24+$0x0];
	_ =	sdelay $0x1  }
0x253: {  	v54 =	vshrl.u32 v5, $0x12;
	_ =	sdelay $0x2  }
0x254: {  	v55 =	vshrl.u32 v6, $0x12;
	_ =	sdelay $0x1  }
0x255: {  	[tilespmem:v54+s8+$0x0] =	vst.idx.add.f32.msk $0xffff, v1  }
0x256: {  	s25 =	sor.u32 $0xC40, s13;
	[tilespmem:v54+s9+$0x0] =	vst.idx.add.f32.msk $0xffff, v5  }
0x257: {  	v5 =	vld [tilespmem:s25+$0x0]  }
0x258: {  	[tilespmem:v55+s8+$0x0] =	vst.idx.add.f32.msk $0xffff, v1  }
0x259: {  	s26 =	sor.u32 $0xC40, s12;
	[tilespmem:v55+s9+$0x0] =	vst.idx.add.f32.msk $0xffff, v6  }
0x25a: {  	v6 =	vld [tilespmem:s26+$0x0];
	_ =	sdelay $0x1  }
0x25b: {  	v56 =	vshrl.u32 v5, $0x12;
	_ =	sdelay $0x2  }
0x25c: {  	v57 =	vshrl.u32 v6, $0x12;
	_ =	sdelay $0x1  }
0x25d: {  	[tilespmem:v56+s8+$0x0] =	vst.idx.add.f32.msk $0xffff, v1  }
0x25e: {  	s28 =	sor.u32 $0xC50, s13;
	[tilespmem:v56+s9+$0x0] =	vst.idx.add.f32.msk $0xffff, v5  }
0x25f: {  	v5 =	vld [tilespmem:s28+$0x0]  }
0x260: {  	[tilespmem:v57+s8+$0x0] =	vst.idx.add.f32.msk $0xffff, v1  }
0x261: {  	s29 =	sor.u32 $0xC50, s12;
	[tilespmem:v57+s9+$0x0] =	vst.idx.add.f32.msk $0xffff, v6  }
0x262: {  	v6 =	vld [tilespmem:s29+$0x0];
	_ =	sdelay $0x1  }
0x263: {  	v58 =	vshrl.u32 v5, $0x12;
	_ =	sdelay $0x2  }
0x264: {  	v59 =	vshrl.u32 v6, $0x12;
	_ =	sdelay $0x1  }
0x265: {  	[tilespmem:v58+s8+$0x0] =	vst.idx.add.f32.msk $0xffff, v1  }
0x266: {  	s30 =	sor.u32 $0xC60, s13;
	[tilespmem:v58+s9+$0x0] =	vst.idx.add.f32.msk $0xffff, v5  }
0x267: {  	v5 =	vld [tilespmem:s30+$0x0]  }
0x268: {  	[tilespmem:v59+s8+$0x0] =	vst.idx.add.f32.msk $0xffff, v1  }
0x269: {  	s31 =	sor.u32 $0xC60, s12;
	[tilespmem:v59+s9+$0x0] =	vst.idx.add.f32.msk $0xffff, v6  }
0x26a: {  	v6 =	vld [tilespmem:s31+$0x0];
	_ =	sdelay $0x1  }
0x26b: {  	v60 =	vshrl.u32 v5, $0x12;
	_ =	sdelay $0x2  }
0x26c: {  	[tilespmem:v4+s9+$0x0] =	vst.idx.add.f32.msk $0xffff, v3;
	v3 =	vshrl.u32 v6, $0x12  }
0x26d: {  	v4 =	vld [tilespmem:s18+$0x0]  }
0x26e: {  	[tilespmem:v60+s8+$0x0] =	vst.idx.add.f32.msk $0xffff, v1  }
0x26f: {  	s13 =	sor.u32 $0xC70, s13;
	[tilespmem:v60+s9+$0x0] =	vst.idx.add.f32.msk $0xffff, v5  }
0x270: {  	v5 =	vld [tilespmem:s13+$0x0]  }
0x271: {  	[tilespmem:v3+s8+$0x0] =	vst.idx.add.f32.msk $0xffff, v1  }
0x272: {  	v61 =	vshrl.u32 v2, $0x12;
	s12 =	sor.u32 $0xC70, s12;
	[tilespmem:v3+s9+$0x0] =	vst.idx.add.f32.msk $0xffff, v6  }
0x273: {  	v3 =	vld [tilespmem:s12+$0x0]  }
0x274: {  	v62 =	vshrl.u32 v4, $0x12;
	_ =	sdelay $0x1  }
0x275: {  	v63 =	vshrl.u32 v5, $0x12  }
0x276: {  	[tilespmem:v61+s8+$0x0] =	vst.idx.add.f32.msk $0xffff, v1  }
0x277: {  	[tilespmem:v61+s9+$0x0] =	vst.idx.add.f32.msk $0xffff, v2;
	v2 =	vshrl.u32 v3, $0x12  }
0x278: {  	[tilespmem:v62+s8+$0x0] =	vst.idx.add.f32.msk $0xffff, v1  }
0x279: {  	[tilespmem:v62+s9+$0x0] =	vst.idx.add.f32.msk $0xffff, v4  }
0x27a: {  	[tilespmem:v63+s8+$0x0] =	vst.idx.add.f32.msk $0xffff, v1  }
0x27b: {  	[tilespmem:v63+s9+$0x0] =	vst.idx.add.f32.msk $0xffff, v5  }
0x27c: {  	[tilespmem:v2+s8+$0x0] =	vst.idx.add.f32.msk $0xffff, v1  }
0x27d: {  	[tilespmem:v2+s9+$0x0] =	vst.idx.add.f32.msk $0xffff, v3  }
0x27e: {  	[hbm4b:s4+s10] =	stream.strided.scatter [tilespmem:s8], [sflag:$0x1], $0x4000, s11, s10, $0x38;
	[tilespmem:$0x10000] =	vst v63  }
0x27f: {  	s2 =	sadd.s32 $0x1, s2;
	_ =	swait.ge [sflag:s7], $0x4000  }
0x280: {  	p0 =	sne.s32 s2, s6;
	[sflag:s7] =	ssyncset.done $0x0  }
.Ltmp2:
0x281: {  	[sflag:s7] =	ssyncadd.s32 $0xFFFFC000;
	(pc) =	sbr.rel @p0 .LBB2_1-.Ltmp2, $4  }
0x282: {  	[hbm4b:s5+s10] =	stream.strided.scatter [tilespmem:s9], [sflag:$0x1], $0x4000, s11, s10, $0x38;
	[tilespmem:$0x10000] =	vst v63  }
0x283: {  	_ =	swait.ge [sflag:s7], $0x4000  }
0x284: {  	[sflag:s7] =	ssyncset.done $0x0  }
0x285: {  	[sflag:s7] =	ssyncadd.s32 $0xFFFFC000  }
0x286: {  	_ =	sfence.sel $0x180000  }
0x287: {  	[bflag:$0x0] =	sbarrier.arrive $0xFFFF  }
0x288: {  	p0 =	sne.s32 s0, $0x0;
	_ =	strace $0x9000004A  }
0x289: {  	s0 =	sadd.s32 @!p0 $0x100000, s1;
	[bflag:$0x2] =	sbarrier.arrive $0xFFFF  }
0x28a: {  	[sflag:s0] =	ssyncadd.tile.s32 @!p0 $0x1;
	_ =	shalt  }
.Lfunc_end2:
_tile_overlayer_lowered:
.L_overlay_start_2:
0x28b: {  	(tag) =	ssettag $0x2  }
0x28c: {  	s0 =	rddreg [dreg:$0x0];
	s2 =	stileid.u32  }
0x28d: {  	s1 =	rddreg [dreg:$0x1];
	p0 =	sne.s32 s2, $0x0  }
0x28e: {  	s3 =	rddreg [dreg:$0x2];
	[bflag:$0x3] =	sbarrier.arrive $0xFFFF;
	s2 =	simm.s32 @!p0 $0x1C01  }
0x28f: {  	[timem:s3], [sflag:s2] =	dma.local @!p0 [hbm:s0], s1  }
0x290: {  	s0 =	simm.s32 @!p0 $0x1  }
0x291: {  	_ =	swait.ge @!p0 [sflag:s0], s1  }
0x292: {  	s1 =	ssub.s32 @!p0 $0x0, s1;
	[sflag:s0] =	ssyncset.done @!p0 $0x0  }
0x293: {  	[sflag:s0] =	ssyncadd.s32 @!p0 s1  }
0x294: {  	[bflag:$0x3] =	sbarrier.arrive $0xFFFF  }
0x295: {  	_ =	shalt  }

// kernel: kernel.7.cloned.1.call-start
scs
__scs_entry_jumppad:
0x0: {  	(pc) =	sbr.rel $0x88, $3  }
0x1: {  	(tag) =	ssettag $0x0;
	lr =	simm.s32 $0x1  }
0x2: {  	[smem:$0x3F9E] =	sst lr;
	_ =	strace $0xD0000000  }
0x3: {  	_ = 	snop  }
0x4: {  	_ = 	snop  }
0x5: {  	_ = 	snop  }
0x6: {  	_ = 	snop  }
0x7: {  	_ = 	snop  }
__scs_overlays_trampoline_lowered:
0x8: {  	[smem:$0x3FAD] =	sst s0  }
0x9: {  	[smem:$0x3FAE] =	sst s1  }
0xa: {  	[smem:$0x3FAF] =	sst s2  }
0xb: {  	[smem:$0x3FB0] =	sst s3  }
0xc: {  	[smem:$0x3FB1] =	sst s4  }
0xd: {  	[smem:$0x3FB2] =	sst s5  }
0xe: {  	[smem:$0x3FB3] =	sst s6  }
0xf: {  	[smem:$0x3FB4] =	sst s7  }
0x10: {  	[smem:$0x3FB5] =	sst s8  }
0x11: {  	[smem:$0x3FB6] =	sst s9;
	s0 =	simm.s32 @!p0 $0x0  }
0x12: {  	s1 =	sld [smem:$0x3F9C];
	s0 =	simm.s32 @p0 $0x1  }
0x13: {  	[smem:$0x3FB7] =	sst s0;
	s0 =	simm.s32 @!p1 $0x0  }
0x14: {  	s2 =	sld [smem:$0x3F9B];
	s0 =	simm.s32 @p1 $0x1  }
0x15: {  	[smem:$0x3FB8] =	sst s0;
	s0 =	simm.s32 @!p2 $0x0  }
0x16: {  	s3 =	sld [smem:$0x3FDB];
	s0 =	simm.s32 @p2 $0x1  }
0x17: {  	s4 =	simm.s32 $0x1BF5;
	[smem:$0x3FBA] =	sst s0  }
0x18: {  	s0 =	sld [smem:$0x3F9D];
	_ =	swait.ge [sflag:s4], $0x0  }
0x19: {  	s7 =	sld [smem:$0x3F9E]  }
0x1a: {  	s8 =	sadd.s32 $0xFFFFE003, lr  }
0x1b: {  	s9 =	sadd.s32 $0xFFFFFEF7, lr;
	s5 =	simm.s32 $0xFFFFFFFF;
	p2 =	slt.u32 s8, $0xFFFFF086  }
0x1c: {  	p1 =	slt.u32 s9, $0xF7A;
	s5 =	simm.s32 @!p2 $0x0  }
0x1d: {  	s5 =	simm.s32 @p1 $0x1;
	p0 =	seq.s32 s7, s2  }
0x1e: {  	s7 =	smul.u32 @!p0 $0xF7A, s2;
	p2 =	seq.s32 @!p0 s5, $0x0  }
0x1f: {  	s9 =	smul.u32 $0xF7A, s1;
	s8 =	simm.s32 @!p0 $0x1BF5;
	p2 =	por !p2, p0  }
0x20: {  	[sflag:s8] =	ssyncset.s32 @!p0 $0xFFFFF086;
	s6 =	sadd.s32 @!p0 s3, s7;
	s7 =	simm.s32 @!p0 $0x108  }
0x21: {  	s3 =	sadd.s32 s3, s9;
	s6 =	sadd.s32 @!p0 $0x88, s6;
	s7 =	simm.s32 @p2 $0x1082  }
0x22: {  	[simem:s7], [sflag:s8] =	dma.local @!p0 [hbm:s6], $0xF7A  }
0x23: {  	s9 =	sor.u32 $0xD0000000, s2;
	s6 =	simm.s32 $0x108;
	_ =	swait.ge @!p0 [sflag:s8], $0x0  }
0x24: {  	s3 =	sadd.s32 $0x88, s3;
	s6 =	simm.s32 @!p1 $0x1082;
	[sflag:s4] =	ssyncset.s32 $0xFFFFF086  }
0x25: {  	[simem:s6], [sflag:s4] =	dma.local [hbm:s3], $0xF7A  }
0x26: {  	[smem:$0x3F9E] =	sst s1;
	(tag) =	ssettag s2;
	_ =	strace s9  }
0x27: {  	s1 =	sld [smem:$0x3FAE]  }
0x28: {  	s2 =	sld [smem:$0x3FAF]  }
0x29: {  	s4 =	sld [smem:$0x3FB1]  }
0x2a: {  	p0 =	seq.s32 s5, $0x0;
	s5 =	sld [smem:$0x3FB2]  }
0x2b: {  	s6 =	sld [smem:$0x3FB3]  }
0x2c: {  	s7 =	sld [smem:$0x3FB4]  }
0x2d: {  	s3 =	simm.s32 $0x108;
	s8 =	sld [smem:$0x3FB5]  }
0x2e: {  	s3 =	simm.s32 @!p0 $0x1082;
	s9 =	sld [smem:$0x3FB6]  }
0x2f: {  	lr =	sadd.s32 s0, s3;
	s0 =	sld [smem:$0x3FAD]  }
0x30: {  	s3 =	sld [smem:$0x3FB0]  }
0x31: {  	[smem:$0x3FB9] =	sst s10  }
0x32: {  	s10 =	sld [smem:$0x3FB7];
	_ =	sdelay $0x3  }
0x33: {  	p0 =	seq.s32 s10, $0x1;
	s10 =	sld [smem:$0x3FB9];
	_ =	sdelay $0x3  }
0x34: {  	[smem:$0x3FB9] =	sst s10  }
0x35: {  	s10 =	sld [smem:$0x3FB8];
	_ =	sdelay $0x3  }
0x36: {  	p1 =	seq.s32 s10, $0x1;
	s10 =	sld [smem:$0x3FB9];
	_ =	sdelay $0x3  }
0x37: {  	[smem:$0x3FB9] =	sst s10  }
0x38: {  	s10 =	sld [smem:$0x3FBA]  }
0x39: {  	_ = 	snop;
	(pc) =	sbr.ind lr, $3  }
0x3a: {  	_ = 	snop  }
0x3b: {  	_ = 	snop  }
0x3c: {  	p2 =	seq.s32 s10, $0x1;
	s10 =	sld [smem:$0x3FB9]  }
0x3d: {  	_ =	shalt  }
0x3e: {  	_ =	shalt  }
0x3f: {  	_ =	shalt  }
0x40: {  	_ =	shalt  }
0x41: {  	_ =	shalt  }
0x42: {  	_ =	shalt  }
0x43: {  	_ =	shalt  }
0x44: {  	_ =	shalt  }
0x45: {  	_ =	shalt  }
0x46: {  	_ =	shalt  }
0x47: {  	_ =	shalt  }
0x48: {  	_ =	shalt  }
0x49: {  	_ =	shalt  }
0x4a: {  	_ =	shalt  }
0x4b: {  	_ =	shalt  }
0x4c: {  	_ =	shalt  }
0x4d: {  	_ =	shalt  }
0x4e: {  	_ =	shalt  }
0x4f: {  	_ =	shalt  }
0x50: {  	_ =	shalt  }
0x51: {  	_ =	shalt  }
0x52: {  	_ =	shalt  }
0x53: {  	_ =	shalt  }
0x54: {  	_ =	shalt  }
0x55: {  	_ =	shalt  }
0x56: {  	_ =	shalt  }
0x57: {  	_ =	shalt  }
0x58: {  	_ =	shalt  }
0x59: {  	_ =	shalt  }
0x5a: {  	_ =	shalt  }
0x5b: {  	_ =	shalt  }
0x5c: {  	_ =	shalt  }
0x5d: {  	_ =	shalt  }
0x5e: {  	_ =	shalt  }
0x5f: {  	_ =	shalt  }
0x60: {  	_ =	shalt  }
0x61: {  	_ =	shalt  }
0x62: {  	_ =	shalt  }
0x63: {  	_ =	shalt  }
0x64: {  	_ =	shalt  }
0x65: {  	_ =	shalt  }
0x66: {  	_ =	shalt  }
0x67: {  	_ =	shalt  }
0x68: {  	_ =	shalt  }
0x69: {  	_ =	shalt  }
0x6a: {  	_ =	shalt  }
0x6b: {  	_ =	shalt  }
0x6c: {  	_ =	shalt  }
0x6d: {  	_ =	shalt  }
0x6e: {  	_ =	shalt  }
0x6f: {  	_ =	shalt  }
0x70: {  	_ =	shalt  }
0x71: {  	_ =	shalt  }
0x72: {  	_ =	shalt  }
0x73: {  	_ =	shalt  }
0x74: {  	_ =	shalt  }
0x75: {  	_ =	shalt  }
0x76: {  	_ =	shalt  }
0x77: {  	_ =	shalt  }
0x78: {  	_ =	shalt  }
0x79: {  	_ =	shalt  }
0x7a: {  	_ =	shalt  }
0x7b: {  	_ =	shalt  }
0x7c: {  	_ =	shalt  }
0x7d: {  	_ =	shalt  }
0x7e: {  	_ =	shalt  }
0x7f: {  	_ =	shalt  }
0x80: {  	_ =	shalt  }
0x81: {  	_ =	shalt  }
0x82: {  	_ =	shalt  }
0x83: {  	_ =	shalt  }
0x84: {  	_ =	shalt  }
0x85: {  	_ =	shalt  }
0x86: {  	_ =	shalt  }
0x87: {  	_ =	shalt  }
.Lfunc_end0:
.L_simem_size_0:
called_computation_lowered:
.L_overlay_start_0:
0x88: {  	s2 =	sld [smem:$0x3FD9]  }
0x89: {  	s3 =	sld [smem:$0x3FFE];
	_ =	sdelay $0x1  }
0x8a: {  	s1 =	srdreg.scid  }
0x8b: {  	s0 =	sand.u32 $0x1, s1  }
0x8c: {  	s16 =	sshll.u32 s0, $0xA;
	s2 =	sadd.s32 s3, s2  }
0x8d: {  	s2 =	sadd.s32 s2, s16  }
0x8e: {  	[smem:$0x3FC5] =	sst s2  }
0x8f: {  	_ = 	snop  }
0x90: {  	(tm) =	ssettm $0x1  }
0x91: {  	s17 =	sld [smem:$0x3FFB];
	_ =	sdelay $0x3  }
0x92: {  	_ =	strace s17  }
0x93: {  	s2 =	sld [smem:$0x3FFC];
	_ =	sdelay $0x3  }
0x94: {  	_ =	strace s2  }
0x95: {  	s2 =	sld [smem:$0x3FFD];
	_ =	sdelay $0x3  }
0x96: {  	_ =	strace s2  }
0x97: {  	_ =	strace $0x8FFFFFFF  }
0x98: {  	s18 =	sld [smem:$0x3FDB];
	_ =	sdelay $0x1  }
0x99: {  	s19 =	simm.s32 $_scs_section_size  }
0x9a: {  	s4 =	simm.s32 $_size__tile_overlayer_lowered;
	s5 =	simm.s32 $_tile_overlayer_lowered  }
0x9b: {  	s22 =	simm.s32 $0x1BFF;
	s21 =	sshll.u32 s5, $0x1;
	s2 =	sadd.s32 s19, s18  }
0x9c: {  	s6 =	simm.s32 $0x0;
	s20 =	sshll.u32 s4, $0x1;
	s4 =	sadd.s32 s21, s2  }
0x9d: {  	[timem:s6], [sflag:s22] =	dma.local [hbm:s4], s20  }
0x9e: {  	_ =	swait.ge [sflag:s22], s20  }
0x9f: {  	s3 =	ssub.s32 $0x0, s20;
	[sflag:s22] =	ssyncset.done $0x0  }
0xa0: {  	[sflag:s22] =	ssyncadd.s32 s3;
	_ =	sdelay $0x1  }
0xa1: {  	s23 =	simm.s32 $0x1B8B  }
0xa2: {  	_ =	swait.ge [sflag:s23], $0x1  }
0xa3: {  	[sflag:s23] =	ssyncset.done $0x0  }
0xa4: {  	s25 =	simm.s32 $0x1B8E;
	s24 =	sld [smem:$0x3FFE];
	[sflag:s23] =	ssyncadd.s32 $0xFFFFFFFF  }
0xa5: {  	s26 =	simm.s32 $execute0_lowered;
	[smem:$0x3FD2] =	sst s25  }
0xa6: {  	s4 =	sshll.u32 s26, $0x1;
	_ =	strace $0x80000046;
	[dreg:$0x1] =	wrdreg $0xFFFFFFFF  }
0xa7: {  	s28 =	simm.s32 $_size_execute0_lowered;
	s2 =	sadd.s32 s2, s4;
	[dreg:$0x0] =	wrdreg $0x0  }
0xa8: {  	s4 =	sshll.u32 s28, $0x1;
	[dreg:$0x2] =	wrdreg s2  }
0xa9: {  	[dreg:$0x3] =	wrdreg s4  }
0xaa: {  	[dreg:$0x4] =	wrdreg $0xC0  }
0xab: {  	_ =	task [dreg:s6], $0x5FFFF  }
0xac: {  	[dreg:$0x1] =	wrdreg $0xFFFFFFFF  }
0xad: {  	[dreg:$0x0] =	wrdreg $0x60  }
0xae: {  	[dreg:$0x2] =	wrdreg s24  }
0xaf: {  	[dreg:$0x3] =	wrdreg $0x9  }
0xb0: {  	_ =	task.clear_ibuf [dreg:s6], $0x4FFFF;
	_ =	strace $0x90000046  }
0xb1: {  	s29 =	simm.s32 $0x9;
	_ =	strace $0x80000048  }
0xb2: {  	_ =	swait.ge [sflag:s29], $0x1  }
0xb3: {  	[sflag:s29] =	ssyncadd.s32 $0xFFFFFFFF  }
0xb4: {  	_ =	strace $0x90000048  }
0xb5: {  	_ =	sfence  }
0xb6: {  	s30 =	sld [smem:$0x0];
	_ =	sdelay $0x2  }
0xb7: {  	s31 =	sshll.u32 s1, $0xD;
	s1 =	sshrl.u32 s1, $0x2  }
0xb8: {  	s3 =	sand.u32 $0x4000, s31;
	s1 =	sadd.s32 s1, s30  }
0xb9: {  	s0 =	sor.u32 s3, s0;
	s1 =	sshll.u32 s1, $0x11  }
0xba: {  	s0 =	sor.u32 s1, s0  }
0xbb: {  	s0 =	sadd.s32 $0x8F2B, s0  }
0xbc: {  	[sflag:s0] =	ssyncadd.remote.s32 $0x1  }
0xbd: {  	_ =	sfence.sel $0xFFFF  }
0xbe: {  	[dreg:$0x0] =	wrdreg $0xFFFFFFFF;
	(pc) =	sbr.abs _section_cstart, $3  }
0xbf: {  	[dreg:$0x1] =	wrdreg $0xFFFFFFFF  }
0xc0: {  	_ =	task.clear_ibuf [dreg:s6], $0x2FFFF;
	_ =	strace $0x9FFFFFFF  }
0xc1: {  	(tm) =	ssettm $0x7FFFFFFF  }
tec
execute0_lowered:
.L_overlay_start_1:
0x0: {  	(tag) =	ssettag $0x1  }
0x1: {  	s1 =	srdreg.scid;
	s0 =	stileid.u32  }
0x2: {  	s3 =	rddreg [dreg:$0x0];
	s2 =	simm.s32 $0x0;
	s8 =	simm.s32 $0x8000  }
0x3: {  	s9 =	simm.s32 $0xC000;
	s4 =	sand.u32 $0x1, s1;
	s5 =	sshll.u32 s0, $0x1  }
0x4: {  	s10 =	simm.s32 $0x80;
	s11 =	simm.s32 $0x400;
	s5 =	sor.u32 s4, s5  }
0x5: {  	[smem:$0x7FF] =	sst s2;
	s6 =	sshll.u32 s0, $0xC;
	s7 =	sshll.u32 s5, $0x4  }
0x6: {  	s1 =	rddreg [dreg:$0x1];
	_ =	strace $0x80000047;
	s6 =	sor.u32 s6, s7  }
0x7: {  	s4 =	ssub.s32 $0x2, s4;
	s5 =	sshll.u32 s5, $0xC;
	s6 =	sand.u32 $0xC070, s6  }
0x8: {  	s31 =	sshrl.u32 s4, $0x1;
	s5 =	sadd.s32 s5, s3;
	s6 =	sadd.s32 s6, s3  }
0x9: {  	s7 =	ssub.s32 s4, s31;
	s3 =	sadd.s32 $0x2000, s5;
	s4 =	sadd.s32 $0x22000, s6  }
0xa: {  	v0 =	vimm.f32 $0.0e+00;
	v1 =	vimm.f32 $1.000000000e+00;
	s5 =	sadd.s32 $0x32000, s6;
	s6 =	smax.u32 s7, $0x1;
	s7 =	simm.s32 $0x1  }
.LBB2_1:
0xb: {  	s12 =	simm.s32 $0x40;
	s13 =	simm.s32 $0x0  }
.LBB2_2:
0xc: {  	p0 =	sne.s32 s12, $0xFFC0;
	[tilespmem:s13+$0x8000] =	vst v0;
	s14 =	smov.u32 s12;
	s12 =	sadd.s32 $0x40, s12  }
.Ltmp0:
0xd: {  	[tilespmem:s13+$0xC000] =	vst v0;
	(pc) =	sbr.rel @p0 .LBB2_2-.Ltmp0, $2  }
0xe: {  	_ =	sdelay $0x2  }
0xf: {  	s13 =	sshra.s32 s14, $0x2  }
0x10: {  	[tilespmem:s13+$0x8000] =	vst v0  }
0x11: {  	[tilespmem:s13+$0xC000] =	vst v0;
	s12 =	simm.s32 $0x0  }
0x12: {  	[tilespmem:s12], [sflag:$0x1] =	stream.linear.gather [hbm4b:s3+s12], $0x8000, $0x38;
	[tilespmem:$0x10000] =	vst v63  }
0x13: {  	_ =	swait.ge [sflag:s7], $0x8000  }
0x14: {  	s30 =	sand.u32 $0x7000, s12;
	s14 =	sand.u32 $0x300, s12;
	[sflag:s7] =	ssyncset.done $0x0  }
0x15: {  	s15 =	sor.u32 s14, s30;
	[sflag:s7] =	ssyncadd.s32 $0xFFFF8000  }
0x16: {  	v2 =	vld [tilespmem:s15+$0x80];
	_ =	sdelay $0x4  }
0x17: {  	v3 =	vshrl.u32 v2, $0x12  }
0x18: {  	v4 =	vld [tilespmem:s15+$0x0];
	_ =	sdelay $0x3  }
0x19: {  	[tilespmem:v3+s8+$0x0] =	vst.idx.add.f32.msk $0xffff, v1  }
0x1a: {  	v5 =	vshrl.u32 v4, $0x12;
	[tilespmem:v3+s9+$0x0] =	vst.idx.add.f32.msk $0xffff, v2  }
0x1b: {  	v2 =	vld [tilespmem:s15+$0x90];
	_ =	sdelay $0x3  }
0x1c: {  	[tilespmem:v5+s8+$0x0] =	vst.idx.add.f32.msk $0xffff, v1  }
0x1d: {  	[tilespmem:v5+s9+$0x0] =	vst.idx.add.f32.msk $0xffff, v4;
	v3 =	vshrl.u32 v2, $0x12  }
0x1e: {  	v4 =	vld [tilespmem:s15+$0x10];
	_ =	sdelay $0x3  }
0x1f: {  	[tilespmem:v3+s8+$0x0] =	vst.idx.add.f32.msk $0xffff, v1  }
0x20: {  	v5 =	vshrl.u32 v4, $0x12;
	[tilespmem:v3+s9+$0x0] =	vst.idx.add.f32.msk $0xffff, v2  }
0x21: {  	v2 =	vld [tilespmem:s15+$0xA0];
	_ =	sdelay $0x3  }
0x22: {  	[tilespmem:v5+s8+$0x0] =	vst.idx.add.f32.msk $0xffff, v1  }
0x23: {  	[tilespmem:v5+s9+$0x0] =	vst.idx.add.f32.msk $0xffff, v4;
	v3 =	vshrl.u32 v2, $0x12  }
0x24: {  	v4 =	vld [tilespmem:s15+$0x20];
	_ =	sdelay $0x3  }
0x25: {  	[tilespmem:v3+s8+$0x0] =	vst.idx.add.f32.msk $0xffff, v1  }
0x26: {  	v5 =	vshrl.u32 v4, $0x12;
	[tilespmem:v3+s9+$0x0] =	vst.idx.add.f32.msk $0xffff, v2  }
0x27: {  	v2 =	vld [tilespmem:s15+$0xB0];
	_ =	sdelay $0x3  }
0x28: {  	[tilespmem:v5+s8+$0x0] =	vst.idx.add.f32.msk $0xffff, v1  }
0x29: {  	[tilespmem:v5+s9+$0x0] =	vst.idx.add.f32.msk $0xffff, v4;
	v3 =	vshrl.u32 v2, $0x12  }
0x2a: {  	v4 =	vld [tilespmem:s15+$0x30];
	_ =	sdelay $0x3  }
0x2b: {  	[tilespmem:v3+s8+$0x0] =	vst.idx.add.f32.msk $0xffff, v1  }
0x2c: {  	v5 =	vshrl.u32 v4, $0x12;
	[tilespmem:v3+s9+$0x0] =	vst.idx.add.f32.msk $0xffff, v2  }
0x2d: {  	v2 =	vld [tilespmem:s15+$0xC0];
	_ =	sdelay $0x3  }
0x2e: {  	[tilespmem:v5+s8+$0x0] =	vst.idx.add.f32.msk $0xffff, v1  }
0x2f: {  	[tilespmem:v5+s9+$0x0] =	vst.idx.add.f32.msk $0xffff, v4;
	v3 =	vshrl.u32 v2, $0x12  }
0x30: {  	v4 =	vld [tilespmem:s15+$0x40];
	_ =	sdelay $0x3  }
0x31: {  	[tilespmem:v3+s8+$0x0] =	vst.idx.add.f32.msk $0xffff, v1  }
0x32: {  	v5 =	vshrl.u32 v4, $0x12;
	[tilespmem:v3+s9+$0x0] =	vst.idx.add.f32.msk $0xffff, v2  }
0x33: {  	v2 =	vld [tilespmem:s15+$0xD0];
	_ =	sdelay $0x3  }
0x34: {  	[tilespmem:v5+s8+$0x0] =	vst.idx.add.f32.msk $0xffff, v1  }
0x35: {  	[tilespmem:v5+s9+$0x0] =	vst.idx.add.f32.msk $0xffff, v4;
	v3 =	vshrl.u32 v2, $0x12  }
0x36: {  	v4 =	vld [tilespmem:s15+$0x50];
	_ =	sdelay $0x3  }
0x37: {  	[tilespmem:v3+s8+$0x0] =	vst.idx.add.f32.msk $0xffff, v1  }
0x38: {  	v5 =	vshrl.u32 v4, $0x12;
	[tilespmem:v3+s9+$0x0] =	vst.idx.add.f32.msk $0xffff, v2  }
0x39: {  	v2 =	vld [tilespmem:s15+$0xE0];
	_ =	sdelay $0x3  }
0x3a: {  	[tilespmem:v5+s8+$0x0] =	vst.idx.add.f32.msk $0xffff, v1  }
0x3b: {  	[tilespmem:v5+s9+$0x0] =	vst.idx.add.f32.msk $0xffff, v4;
	v3 =	vshrl.u32 v2, $0x12  }
0x3c: {  	v4 =	vld [tilespmem:s15+$0x60];
	_ =	sdelay $0x3  }
0x3d: {  	[tilespmem:v3+s8+$0x0] =	vst.idx.add.f32.msk $0xffff, v1  }
0x3e: {  	v5 =	vshrl.u32 v4, $0x12;
	[tilespmem:v3+s9+$0x0] =	vst.idx.add.f32.msk $0xffff, v2  }
0x3f: {  	v2 =	vld [tilespmem:s15+$0xF0];
	_ =	sdelay $0x3  }
0x40: {  	[tilespmem:v5+s8+$0x0] =	vst.idx.add.f32.msk $0xffff, v1  }
0x41: {  	[tilespmem:v5+s9+$0x0] =	vst.idx.add.f32.msk $0xffff, v4;
	v3 =	vshrl.u32 v2, $0x12  }
0x42: {  	v4 =	vld [tilespmem:s15+$0x70];
	_ =	sdelay $0x3  }
0x43: {  	[tilespmem:v3+s8+$0x0] =	vst.idx.add.f32.msk $0xffff, v1  }
0x44: {  	v5 =	vshrl.u32 v4, $0x12;
	[tilespmem:v3+s9+$0x0] =	vst.idx.add.f32.msk $0xffff, v2  }
0x45: {  	v2 =	vld [tilespmem:s15+$0x480];
	_ =	sdelay $0x3  }
0x46: {  	[tilespmem:v5+s8+$0x0] =	vst.idx.add.f32.msk $0xffff, v1  }
0x47: {  	[tilespmem:v5+s9+$0x0] =	vst.idx.add.f32.msk $0xffff, v4;
	v3 =	vshrl.u32 v2, $0x12  }
0x48: {  	v4 =	vld [tilespmem:s15+$0x400];
	_ =	sdelay $0x3  }
0x49: {  	[tilespmem:v3+s8+$0x0] =	vst.idx.add.f32.msk $0xffff, v1  }
0x4a: {  	v5 =	vshrl.u32 v4, $0x12;
	[tilespmem:v3+s9+$0x0] =	vst.idx.add.f32.msk $0xffff, v2  }
0x4b: {  	v2 =	vld [tilespmem:s15+$0x490];
	_ =	sdelay $0x3  }
0x4c: {  	[tilespmem:v5+s8+$0x0] =	vst.idx.add.f32.msk $0xffff, v1  }
0x4d: {  	[tilespmem:v5+s9+$0x0] =	vst.idx.add.f32.msk $0xffff, v4;
	v3 =	vshrl.u32 v2, $0x12  }
0x4e: {  	v4 =	vld [tilespmem:s15+$0x410];
	_ =	sdelay $0x3  }
0x4f: {  	[tilespmem:v3+s8+$0x0] =	vst.idx.add.f32.msk $0xffff, v1  }
0x50: {  	v5 =	vshrl.u32 v4, $0x12;
	[tilespmem:v3+s9+$0x0] =	vst.idx.add.f32.msk $0xffff, v2  }
0x51: {  	v2 =	vld [tilespmem:s15+$0x4A0];
	_ =	sdelay $0x3  }
0x52: {  	[tilespmem:v5+s8+$0x0] =	vst.idx.add.f32.msk $0xffff, v1  }
0x53: {  	[tilespmem:v5+s9+$0x0] =	vst.idx.add.f32.msk $0xffff, v4;
	v3 =	vshrl.u32 v2, $0x12  }
0x54: {  	v4 =	vld [tilespmem:s15+$0x420];
	_ =	sdelay $0x3  }
0x55: {  	[tilespmem:v3+s8+$0x0] =	vst.idx.add.f32.msk $0xffff, v1  }
0x56: {  	v5 =	vshrl.u32 v4, $0x12;
	[tilespmem:v3+s9+$0x0] =	vst.idx.add.f32.msk $0xffff, v2  }
0x57: {  	v2 =	vld [tilespmem:s15+$0x4B0];
	_ =	sdelay $0x3  }
0x58: {  	[tilespmem:v5+s8+$0x0] =	vst.idx.add.f32.msk $0xffff, v1  }
0x59: {  	[tilespmem:v5+s9+$0x0] =	vst.idx.add.f32.msk $0xffff, v4;
	v3 =	vshrl.u32 v2, $0x12  }
0x5a: {  	v4 =	vld [tilespmem:s15+$0x430];
	_ =	sdelay $0x3  }
0x5b: {  	[tilespmem:v3+s8+$0x0] =	vst.idx.add.f32.msk $0xffff, v1  }
0x5c: {  	v5 =	vshrl.u32 v4, $0x12;
	[tilespmem:v3+s9+$0x0] =	vst.idx.add.f32.msk $0xffff, v2  }
0x5d: {  	v2 =	vld [tilespmem:s15+$0x4C0];
	_ =	sdelay $0x3  }
0x5e: {  	[tilespmem:v5+s8+$0x0] =	vst.idx.add.f32.msk $0xffff, v1  }
0x5f: {  	[tilespmem:v5+s9+$0x0] =	vst.idx.add.f32.msk $0xffff, v4;
	v3 =	vshrl.u32 v2, $0x12  }
0x60: {  	v4 =	vld [tilespmem:s15+$0x440];
	_ =	sdelay $0x3  }
0x61: {  	[tilespmem:v3+s8+$0x0] =	vst.idx.add.f32.msk $0xffff, v1  }
0x62: {  	v5 =	vshrl.u32 v4, $0x12;
	[tilespmem:v3+s9+$0x0] =	vst.idx.add.f32.msk $0xffff, v2  }
0x63: {  	v2 =	vld [tilespmem:s15+$0x4D0];
	_ =	sdelay $0x3  }
0x64: {  	[tilespmem:v5+s8+$0x0] =	vst.idx.add.f32.msk $0xffff, v1  }
0x65: {  	[tilespmem:v5+s9+$0x0] =	vst.idx.add.f32.msk $0xffff, v4;
	v3 =	vshrl.u32 v2, $0x12  }
0x66: {  	v4 =	vld [tilespmem:s15+$0x450];
	_ =	sdelay $0x3  }
0x67: {  	[tilespmem:v3+s8+$0x0] =	vst.idx.add.f32.msk $0xffff, v1  }
0x68: {  	v5 =	vshrl.u32 v4, $0x12;
	[tilespmem:v3+s9+$0x0] =	vst.idx.add.f32.msk $0xffff, v2  }
0x69: {  	v2 =	vld [tilespmem:s15+$0x4E0];
	_ =	sdelay $0x3  }
0x6a: {  	[tilespmem:v5+s8+$0x0] =	vst.idx.add.f32.msk $0xffff, v1  }
0x6b: {  	[tilespmem:v5+s9+$0x0] =	vst.idx.add.f32.msk $0xffff, v4;
	v3 =	vshrl.u32 v2, $0x12  }
0x6c: {  	v4 =	vld [tilespmem:s15+$0x460];
	_ =	sdelay $0x3  }
0x6d: {  	[tilespmem:v3+s8+$0x0] =	vst.idx.add.f32.msk $0xffff, v1  }
0x6e: {  	v5 =	vshrl.u32 v4, $0x12;
	[tilespmem:v3+s9+$0x0] =	vst.idx.add.f32.msk $0xffff, v2  }
0x6f: {  	v2 =	vld [tilespmem:s15+$0x4F0];
	_ =	sdelay $0x3  }
0x70: {  	[tilespmem:v5+s8+$0x0] =	vst.idx.add.f32.msk $0xffff, v1  }
0x71: {  	[tilespmem:v5+s9+$0x0] =	vst.idx.add.f32.msk $0xffff, v4;
	v3 =	vshrl.u32 v2, $0x12  }
0x72: {  	s31 =	simm.s32 $0x100;
	s13 =	simm.s32 $0x400;
	v4 =	vld [tilespmem:s15+$0x470]  }
0x73: {  	s16 =	sand.u32 $0x7000, s13;
	s14 =	sand.u32 $0x300, s31  }
0x74: {  	s14 =	sor.u32 s14, s16  }
0x75: {  	v5 =	vld [tilespmem:s14+$0x80]  }
0x76: {  	[tilespmem:v3+s8+$0x0] =	vst.idx.add.f32.msk $0xffff, v1  }
0x77: {  	v6 =	vshrl.u32 v4, $0x12;
	[tilespmem:v3+s9+$0x0] =	vst.idx.add.f32.msk $0xffff, v2  }
0x78: {  	v2 =	vld [tilespmem:s15+$0x880];
	_ =	sdelay $0x1  }
0x79: {  	v3 =	vshrl.u32 v5, $0x12  }
0x7a: {  	v7 =	vld [tilespmem:s14+$0x0]  }
0x7b: {  	[tilespmem:v6+s8+$0x0] =	vst.idx.add.f32.msk $0xffff, v1  }
0x7c: {  	[tilespmem:v6+s9+$0x0] =	vst.idx.add.f32.msk $0xffff, v4;
	v4 =	vshrl.u32 v2, $0x12  }
0x7d: {  	v6 =	vld [tilespmem:s15+$0x800]  }
0x7e: {  	[tilespmem:v3+s8+$0x0] =	vst.idx.add.f32.msk $0xffff, v1  }
0x7f: {  	v8 =	vshrl.u32 v7, $0x12;
	[tilespmem:v3+s9+$0x0] =	vst.idx.add.f32.msk $0xffff, v5  }
0x80: {  	v3 =	vld [tilespmem:s14+$0x90]  }
0x81: {  	[tilespmem:v4+s8+$0x0] =	vst.idx.add.f32.msk $0xffff, v1  }
0x82: {  	v5 =	vshrl.u32 v6, $0x12;
	[tilespmem:v4+s9+$0x0] =	vst.idx.add.f32.msk $0xffff, v2  }
0x83: {  	v2 =	vld [tilespmem:s15+$0x890]  }
0x84: {  	[tilespmem:v8+s8+$0x0] =	vst.idx.add.f32.msk $0xffff, v1  }
0x85: {  	[tilespmem:v8+s9+$0x0] =	vst.idx.add.f32.msk $0xffff, v7;
	v4 =	vshrl.u32 v3, $0x12  }
0x86: {  	v7 =	vld [tilespmem:s14+$0x10]  }
0x87: {  	[tilespmem:v5+s8+$0x0] =	vst.idx.add.f32.msk $0xffff, v1  }
0x88: {  	[tilespmem:v5+s9+$0x0] =	vst.idx.add.f32.msk $0xffff, v6;
	v5 =	vshrl.u32 v2, $0x12  }
0x89: {  	v6 =	vld [tilespmem:s15+$0x810]  }
0x8a: {  	[tilespmem:v4+s8+$0x0] =	vst.idx.add.f32.msk $0xffff, v1  }
0x8b: {  	v8 =	vshrl.u32 v7, $0x12;
	[tilespmem:v4+s9+$0x0] =	vst.idx.add.f32.msk $0xffff, v3  }
0x8c: {  	v3 =	vld [tilespmem:s14+$0xA0]  }
0x8d: {  	[tilespmem:v5+s8+$0x0] =	vst.idx.add.f32.msk $0xffff, v1  }
0x8e: {  	v4 =	vshrl.u32 v6, $0x12;
	[tilespmem:v5+s9+$0x0] =	vst.idx.add.f32.msk $0xffff, v2  }
0x8f: {  	v2 =	vld [tilespmem:s15+$0x8A0]  }
0x90: {  	[tilespmem:v8+s8+$0x0] =	vst.idx.add.f32.msk $0xffff, v1  }
0x91: {  	[tilespmem:v8+s9+$0x0] =	vst.idx.add.f32.msk $0xffff, v7;
	v5 =	vshrl.u32 v3, $0x12  }
0x92: {  	v7 =	vld [tilespmem:s14+$0x20]  }
0x93: {  	[tilespmem:v4+s8+$0x0] =	vst.idx.add.f32.msk $0xffff, v1  }
0x94: {  	[tilespmem:v4+s9+$0x0] =	vst.idx.add.f32.msk $0xffff, v6;
	v4 =	vshrl.u32 v2, $0x12  }
0x95: {  	v6 =	vld [tilespmem:s15+$0x820]  }
0x96: {  	[tilespmem:v5+s8+$0x0] =	vst.idx.add.f32.msk $0xffff, v1  }
0x97: {  	v8 =	vshrl.u32 v7, $0x12;
	[tilespmem:v5+s9+$0x0] =	vst.idx.add.f32.msk $0xffff, v3  }
0x98: {  	v3 =	vld [tilespmem:s14+$0xB0]  }
0x99: {  	[tilespmem:v4+s8+$0x0] =	vst.idx.add.f32.msk $0xffff, v1  }
0x9a: {  	v5 =	vshrl.u32 v6, $0x12;
	[tilespmem:v4+s9+$0x0] =	vst.idx.add.f32.msk $0xffff, v2  }
0x9b: {  	v2 =	vld [tilespmem:s15+$0x8B0]  }
0x9c: {  	[tilespmem:v8+s8+$0x0] =	vst.idx.add.f32.msk $0xffff, v1  }
0x9d: {  	[tilespmem:v8+s9+$0x0] =	vst.idx.add.f32.msk $0xffff, v7;
	v4 =	vshrl.u32 v3, $0x12  }
0x9e: {  	v7 =	vld [tilespmem:s14+$0x30]  }
0x9f: {  	[tilespmem:v5+s8+$0x0] =	vst.idx.add.f32.msk $0xffff, v1  }
0xa0: {  	[tilespmem:v5+s9+$0x0] =	vst.idx.add.f32.msk $0xffff, v6;
	v5 =	vshrl.u32 v2, $0x12  }
0xa1: {  	v6 =	vld [tilespmem:s15+$0x830]  }
0xa2: {  	[tilespmem:v4+s8+$0x0] =	vst.idx.add.f32.msk $0xffff, v1  }
0xa3: {  	v8 =	vshrl.u32 v7, $0x12;
	[tilespmem:v4+s9+$0x0] =	vst.idx.add.f32.msk $0xffff, v3  }
0xa4: {  	v3 =	vld [tilespmem:s14+$0xC0]  }
0xa5: {  	[tilespmem:v5+s8+$0x0] =	vst.idx.add.f32.msk $0xffff, v1  }
0xa6: {  	v4 =	vshrl.u32 v6, $0x12;
	[tilespmem:v5+s9+$0x0] =	vst.idx.add.f32.msk $0xffff, v2  }
0xa7: {  	v2 =	vld [tilespmem:s15+$0x8C0]  }
0xa8: {  	[tilespmem:v8+s8+$0x0] =	vst.idx.add.f32.msk $0xffff, v1  }
0xa9: {  	[tilespmem:v8+s9+$0x0] =	vst.idx.add.f32.msk $0xffff, v7;
	v5 =	vshrl.u32 v3, $0x12  }
0xaa: {  	v7 =	vld [tilespmem:s14+$0x40]  }
0xab: {  	[tilespmem:v4+s8+$0x0] =	vst.idx.add.f32.msk $0xffff, v1  }
0xac: {  	[tilespmem:v4+s9+$0x0] =	vst.idx.add.f32.msk $0xffff, v6;
	v4 =	vshrl.u32 v2, $0x12  }
0xad: {  	v6 =	vld [tilespmem:s15+$0x840]  }
0xae: {  	[tilespmem:v5+s8+$0x0] =	vst.idx.add.f32.msk $0xffff, v1  }
0xaf: {  	v8 =	vshrl.u32 v7, $0x12;
	[tilespmem:v5+s9+$0x0] =	vst.idx.add.f32.msk $0xffff, v3  }
0xb0: {  	v3 =	vld [tilespmem:s14+$0xD0]  }
0xb1: {  	[tilespmem:v4+s8+$0x0] =	vst.idx.add.f32.msk $0xffff, v1  }
0xb2: {  	v5 =	vshrl.u32 v6, $0x12;
	[tilespmem:v4+s9+$0x0] =	vst.idx.add.f32.msk $0xffff, v2  }
0xb3: {  	v2 =	vld [tilespmem:s15+$0x8D0]  }
0xb4: {  	[tilespmem:v8+s8+$0x0] =	vst.idx.add.f32.msk $0xffff, v1  }
0xb5: {  	[tilespmem:v8+s9+$0x0] =	vst.idx.add.f32.msk $0xffff, v7;
	v4 =	vshrl.u32 v3, $0x12  }
0xb6: {  	v7 =	vld [tilespmem:s14+$0x50]  }
0xb7: {  	[tilespmem:v5+s8+$0x0] =	vst.idx.add.f32.msk $0xffff, v1  }
0xb8: {  	[tilespmem:v5+s9+$0x0] =	vst.idx.add.f32.msk $0xffff, v6;
	v5 =	vshrl.u32 v2, $0x12  }
0xb9: {  	v6 =	vld [tilespmem:s15+$0x850]  }
0xba: {  	[tilespmem:v4+s8+$0x0] =	vst.idx.add.f32.msk $0xffff, v1  }
0xbb: {  	v8 =	vshrl.u32 v7, $0x12;
	[tilespmem:v4+s9+$0x0] =	vst.idx.add.f32.msk $0xffff, v3  }
0xbc: {  	v3 =	vld [tilespmem:s14+$0xE0]  }
0xbd: {  	[tilespmem:v5+s8+$0x0] =	vst.idx.add.f32.msk $0xffff, v1  }
0xbe: {  	v4 =	vshrl.u32 v6, $0x12;
	[tilespmem:v5+s9+$0x0] =	vst.idx.add.f32.msk $0xffff, v2  }
0xbf: {  	v2 =	vld [tilespmem:s15+$0x8E0]  }
0xc0: {  	[tilespmem:v8+s8+$0x0] =	vst.idx.add.f32.msk $0xffff, v1  }
0xc1: {  	[tilespmem:v8+s9+$0x0] =	vst.idx.add.f32.msk $0xffff, v7;
	v5 =	vshrl.u32 v3, $0x12  }
0xc2: {  	v7 =	vld [tilespmem:s14+$0x60]  }
0xc3: {  	[tilespmem:v4+s8+$0x0] =	vst.idx.add.f32.msk $0xffff, v1  }
0xc4: {  	[tilespmem:v4+s9+$0x0] =	vst.idx.add.f32.msk $0xffff, v6;
	v4 =	vshrl.u32 v2, $0x12  }
0xc5: {  	v6 =	vld [tilespmem:s15+$0x860]  }
0xc6: {  	[tilespmem:v5+s8+$0x0] =	vst.idx.add.f32.msk $0xffff, v1  }
0xc7: {  	v8 =	vshrl.u32 v7, $0x12;
	[tilespmem:v5+s9+$0x0] =	vst.idx.add.f32.msk $0xffff, v3  }
0xc8: {  	v3 =	vld [tilespmem:s14+$0xF0]  }
0xc9: {  	[tilespmem:v4+s8+$0x0] =	vst.idx.add.f32.msk $0xffff, v1  }
0xca: {  	v5 =	vshrl.u32 v6, $0x12;
	[tilespmem:v4+s9+$0x0] =	vst.idx.add.f32.msk $0xffff, v2  }
0xcb: {  	v2 =	vld [tilespmem:s15+$0x8F0]  }
0xcc: {  	[tilespmem:v8+s8+$0x0] =	vst.idx.add.f32.msk $0xffff, v1  }
0xcd: {  	[tilespmem:v8+s9+$0x0] =	vst.idx.add.f32.msk $0xffff, v7;
	v4 =	vshrl.u32 v3, $0x12  }
0xce: {  	v7 =	vld [tilespmem:s14+$0x70]  }
0xcf: {  	[tilespmem:v5+s8+$0x0] =	vst.idx.add.f32.msk $0xffff, v1  }
0xd0: {  	[tilespmem:v5+s9+$0x0] =	vst.idx.add.f32.msk $0xffff, v6;
	v5 =	vshrl.u32 v2, $0x12  }
0xd1: {  	v6 =	vld [tilespmem:s15+$0x870]  }
0xd2: {  	s17 =	sand.u32 $0x3, s12;
	[tilespmem:v4+s8+$0x0] =	vst.idx.add.f32.msk $0xffff, v1  }
0xd3: {  	v8 =	vshrl.u32 v7, $0x12;
	s15 =	sshll.u32 s17, $0x8;
	[tilespmem:v4+s9+$0x0] =	vst.idx.add.f32.msk $0xffff, v3  }
0xd4: {  	s16 =	sadd.s32 $0x0, s15;
	v3 =	vld [tilespmem:s14+$0x480]  }
0xd5: {  	s15 =	sadd.s32 $0x80, s16;
	[tilespmem:v5+s8+$0x0] =	vst.idx.add.f32.msk $0xffff, v1  }
0xd6: {  	s17 =	sor.u32 $0xC00, s15;
	v4 =	vshrl.u32 v6, $0x12;
	[tilespmem:v5+s9+$0x0] =	vst.idx.add.f32.msk $0xffff, v2  }
0xd7: {  	v2 =	vld [tilespmem:s17+$0x0]  }
0xd8: {  	[tilespmem:v8+s8+$0x0] =	vst.idx.add.f32.msk $0xffff, v1  }
0xd9: {  	[tilespmem:v8+s9+$0x0] =	vst.idx.add.f32.msk $0xffff, v7;
	v5 =	vshrl.u32 v3, $0x12  }
0xda: {  	v7 =	vld [tilespmem:s14+$0x400]  }
0xdb: {  	[tilespmem:v4+s8+$0x0] =	vst.idx.add.f32.msk $0xffff, v1  }
0xdc: {  	s18 =	sor.u32 $0xC00, s16;
	[tilespmem:v4+s9+$0x0] =	vst.idx.add.f32.msk $0xffff, v6;
	v4 =	vshrl.u32 v2, $0x12  }
0xdd: {  	v6 =	vld [tilespmem:s18+$0x0]  }
0xde: {  	[tilespmem:v5+s8+$0x0] =	vst.idx.add.f32.msk $0xffff, v1  }
0xdf: {  	v8 =	vshrl.u32 v7, $0x12;
	[tilespmem:v5+s9+$0x0] =	vst.idx.add.f32.msk $0xffff, v3  }
0xe0: {  	v3 =	vld [tilespmem:s14+$0x490]  }
0xe1: {  	[tilespmem:v4+s8+$0x0] =	vst.idx.add.f32.msk $0xffff, v1  }
0xe2: {  	s19 =	sor.u32 $0xC10, s15;
	v5 =	vshrl.u32 v6, $0x12;
	[tilespmem:v4+s9+$0x0] =	vst.idx.add.f32.msk $0xffff, v2  }
0xe3: {  	v2 =	vld [tilespmem:s19+$0x0]  }
0xe4: {  	[tilespmem:v8+s8+$0x0] =	vst.idx.add.f32.msk $0xffff, v1  }
0xe5: {  	[tilespmem:v8+s9+$0x0] =	vst.idx.add.f32.msk $0xffff, v7;
	v4 =	vshrl.u32 v3, $0x12  }
0xe6: {  	v7 =	vld [tilespmem:s14+$0x410]  }
0xe7: {  	[tilespmem:v5+s8+$0x0] =	vst.idx.add.f32.msk $0xffff, v1  }
0xe8: {  	s20 =	sor.u32 $0xC10, s16;
	[tilespmem:v5+s9+$0x0] =	vst.idx.add.f32.msk $0xffff, v6;
	v5 =	vshrl.u32 v2, $0x12  }
0xe9: {  	v6 =	vld [tilespmem:s20+$0x0]  }
0xea: {  	[tilespmem:v4+s8+$0x0] =	vst.idx.add.f32.msk $0xffff, v1  }
0xeb: {  	v8 =	vshrl.u32 v7, $0x12;
	[tilespmem:v4+s9+$0x0] =	vst.idx.add.f32.msk $0xffff, v3  }
0xec: {  	v3 =	vld [tilespmem:s14+$0x4A0]  }
0xed: {  	[tilespmem:v5+s8+$0x0] =	vst.idx.add.f32.msk $0xffff, v1  }
0xee: {  	s21 =	sor.u32 $0xC20, s15;
	v4 =	vshrl.u32 v6, $0x12;
	[tilespmem:v5+s9+$0x0] =	vst.idx.add.f32.msk $0xffff, v2  }
0xef: {  	v2 =	vld [tilespmem:s21+$0x0]  }
0xf0: {  	[tilespmem:v8+s8+$0x0] =	vst.idx.add.f32.msk $0xffff, v1  }
0xf1: {  	[tilespmem:v8+s9+$0x0] =	vst.idx.add.f32.msk $0xffff, v7;
	v5 =	vshrl.u32 v3, $0x12  }
0xf2: {  	v7 =	vld [tilespmem:s14+$0x420]  }
0xf3: {  	[tilespmem:v4+s8+$0x0] =	vst.idx.add.f32.msk $0xffff, v1  }
0xf4: {  	s22 =	sor.u32 $0xC20, s16;
	[tilespmem:v4+s9+$0x0] =	vst.idx.add.f32.msk $0xffff, v6;
	v4 =	vshrl.u32 v2, $0x12  }
0xf5: {  	v6 =	vld [tilespmem:s22+$0x0]  }
0xf6: {  	[tilespmem:v5+s8+$0x0] =	vst.idx.add.f32.msk $0xffff, v1  }
0xf7: {  	v8 =	vshrl.u32 v7, $0x12;
	[tilespmem:v5+s9+$0x0] =	vst.idx.add.f32.msk $0xffff, v3  }
0xf8: {  	v3 =	vld [tilespmem:s14+$0x4B0]  }
0xf9: {  	[tilespmem:v4+s8+$0x0] =	vst.idx.add.f32.msk $0xffff, v1  }
0xfa: {  	s23 =	sor.u32 $0xC30, s15;
	v5 =	vshrl.u32 v6, $0x12;
	[tilespmem:v4+s9+$0x0] =	vst.idx.add.f32.msk $0xffff, v2  }
0xfb: {  	v2 =	vld [tilespmem:s23+$0x0]  }
0xfc: {  	[tilespmem:v8+s8+$0x0] =	vst.idx.add.f32.msk $0xffff, v1  }
0xfd: {  	[tilespmem:v8+s9+$0x0] =	vst.idx.add.f32.msk $0xffff, v7;
	v4 =	vshrl.u32 v3, $0x12  }
0xfe: {  	v7 =	vld [tilespmem:s14+$0x430]  }
0xff: {  	[tilespmem:v5+s8+$0x0] =	vst.idx.add.f32.msk $0xffff, v1  }
0x100: {  	s24 =	sor.u32 $0xC30, s16;
	[tilespmem:v5+s9+$0x0] =	vst.idx.add.f32.msk $0xffff, v6;
	v5 =	vshrl.u32 v2, $0x12  }
0x101: {  	v6 =	vld [tilespmem:s24+$0x0]  }
0x102: {  	[tilespmem:v4+s8+$0x0] =	vst.idx.add.f32.msk $0xffff, v1  }
0x103: {  	v8 =	vshrl.u32 v7, $0x12;
	[tilespmem:v4+s9+$0x0] =	vst.idx.add.f32.msk $0xffff, v3  }
0x104: {  	v3 =	vld [tilespmem:s14+$0x4C0]  }
0x105: {  	[tilespmem:v5+s8+$0x0] =	vst.idx.add.f32.msk $0xffff, v1  }
0x106: {  	s25 =	sor.u32 $0xC40, s15;
	v4 =	vshrl.u32 v6, $0x12;
	[tilespmem:v5+s9+$0x0] =	vst.idx.add.f32.msk $0xffff, v2  }
0x107: {  	v2 =	vld [tilespmem:s25+$0x0]  }
0x108: {  	[tilespmem:v8+s8+$0x0] =	vst.idx.add.f32.msk $0xffff, v1  }
0x109: {  	[tilespmem:v8+s9+$0x0] =	vst.idx.add.f32.msk $0xffff, v7;
	v5 =	vshrl.u32 v3, $0x12  }
0x10a: {  	v7 =	vld [tilespmem:s14+$0x440]  }
0x10b: {  	[tilespmem:v4+s8+$0x0] =	vst.idx.add.f32.msk $0xffff, v1  }
0x10c: {  	s26 =	sor.u32 $0xC40, s16;
	[tilespmem:v4+s9+$0x0] =	vst.idx.add.f32.msk $0xffff, v6;
	v4 =	vshrl.u32 v2, $0x12  }
0x10d: {  	v6 =	vld [tilespmem:s26+$0x0]  }
0x10e: {  	[tilespmem:v5+s8+$0x0] =	vst.idx.add.f32.msk $0xffff, v1  }
0x10f: {  	v8 =	vshrl.u32 v7, $0x12;
	[tilespmem:v5+s9+$0x0] =	vst.idx.add.f32.msk $0xffff, v3  }
0x110: {  	v3 =	vld [tilespmem:s14+$0x4D0]  }
0x111: {  	[tilespmem:v4+s8+$0x0] =	vst.idx.add.f32.msk $0xffff, v1  }
0x112: {  	s28 =	sor.u32 $0xC50, s15;
	v5 =	vshrl.u32 v6, $0x12;
	[tilespmem:v4+s9+$0x0] =	vst.idx.add.f32.msk $0xffff, v2  }
0x113: {  	v2 =	vld [tilespmem:s28+$0x0]  }
0x114: {  	[tilespmem:v8+s8+$0x0] =	vst.idx.add.f32.msk $0xffff, v1  }
0x115: {  	[tilespmem:v8+s9+$0x0] =	vst.idx.add.f32.msk $0xffff, v7;
	v4 =	vshrl.u32 v3, $0x12  }
0x116: {  	v7 =	vld [tilespmem:s14+$0x450]  }
0x117: {  	[tilespmem:v5+s8+$0x0] =	vst.idx.add.f32.msk $0xffff, v1  }
0x118: {  	s29 =	sor.u32 $0xC50, s16;
	[tilespmem:v5+s9+$0x0] =	vst.idx.add.f32.msk $0xffff, v6;
	v5 =	vshrl.u32 v2, $0x12  }
0x119: {  	v6 =	vld [tilespmem:s29+$0x0]  }
0x11a: {  	[tilespmem:v4+s8+$0x0] =	vst.idx.add.f32.msk $0xffff, v1  }
0x11b: {  	v8 =	vshrl.u32 v7, $0x12;
	[tilespmem:v4+s9+$0x0] =	vst.idx.add.f32.msk $0xffff, v3  }
0x11c: {  	v4 =	vld [tilespmem:s14+$0x4E0]  }
0x11d: {  	[tilespmem:v5+s8+$0x0] =	vst.idx.add.f32.msk $0xffff, v1  }
0x11e: {  	s30 =	sor.u32 $0xC60, s15;
	v3 =	vshrl.u32 v6, $0x12;
	[tilespmem:v5+s9+$0x0] =	vst.idx.add.f32.msk $0xffff, v2  }
0x11f: {  	v2 =	vld [tilespmem:s30+$0x0]  }
0x120: {  	[tilespmem:v8+s8+$0x0] =	vst.idx.add.f32.msk $0xffff, v1  }
0x121: {  	[tilespmem:v8+s9+$0x0] =	vst.idx.add.f32.msk $0xffff, v7;
	v5 =	vshrl.u32 v4, $0x12  }
0x122: {  	v7 =	vld [tilespmem:s14+$0x460]  }
0x123: {  	[tilespmem:v3+s8+$0x0] =	vst.idx.add.f32.msk $0xffff, v1  }
0x124: {  	s31 =	sor.u32 $0xC60, s16;
	[tilespmem:v3+s9+$0x0] =	vst.idx.add.f32.msk $0xffff, v6;
	v6 =	vshrl.u32 v2, $0x12  }
0x125: {  	v3 =	vld [tilespmem:s31+$0x0]  }
0x126: {  	[tilespmem:v5+s8+$0x0] =	vst.idx.add.f32.msk $0xffff, v1  }
0x127: {  	v8 =	vshrl.u32 v7, $0x12;
	[tilespmem:v5+s9+$0x0] =	vst.idx.add.f32.msk $0xffff, v4  }
0x128: {  	v5 =	vld [tilespmem:s14+$0x4F0]  }
0x129: {  	[tilespmem:v6+s8+$0x0] =	vst.idx.add.f32.msk $0xffff, v1  }
0x12a: {  	s15 =	sor.u32 $0xC70, s15;
	v4 =	vshrl.u32 v3, $0x12;
	[tilespmem:v6+s9+$0x0] =	vst.idx.add.f32.msk $0xffff, v2  }
0x12b: {  	v2 =	vld [tilespmem:s15+$0x0]  }
0x12c: {  	[tilespmem:v8+s8+$0x0] =	vst.idx.add.f32.msk $0xffff, v1  }
0x12d: {  	[tilespmem:v8+s9+$0x0] =	vst.idx.add.f32.msk $0xffff, v7  }
0x12e: {  	s18 =	sor.u32 $0xC70, s16;
	v6 =	vld [tilespmem:s14+$0x470];
	v7 =	vshrl.u32 v5, $0x12  }
0x12f: {  	s16 =	simm.s32 $0x200;
	s17 =	simm.s32 $0x800;
	[tilespmem:v4+s8+$0x0] =	vst.idx.add.f32.msk $0xffff, v1;
	s15 =	simm.s32 $0x2  }
.LBB2_4:
0x130: {  	s19 =	sand.u32 $0x7000, s17;
	s20 =	sand.u32 $0x300, s16;
	[tilespmem:v4+s9+$0x0] =	vst.idx.add.f32.msk $0xffff, v3;
	v3 =	vshrl.u32 v2, $0x12  }
0x131: {  	s19 =	sor.u32 s20, s19;
	v4 =	vld [tilespmem:s18+$0x0]  }
0x132: {  	v8 =	vld [tilespmem:s19+$0x80]  }
0x133: {  	v9 =	vshrl.u32 v6, $0x12;
	[tilespmem:v7+s8+$0x0] =	vst.idx.add.f32.msk $0xffff, v1  }
0x134: {  	[tilespmem:v7+s9+$0x0] =	vst.idx.add.f32.msk $0xffff, v5  }
0x135: {  	[tilespmem:v3+s8+$0x0] =	vst.idx.add.f32.msk $0xffff, v1  }
0x136: {  	v5 =	vshrl.u32 v4, $0x12;
	[tilespmem:v3+s9+$0x0] =	vst.idx.add.f32.msk $0xffff, v2  }
0x137: {  	v2 =	vld [tilespmem:s14+$0x880]  }
0x138: {  	v3 =	vld [tilespmem:s19+$0x0]  }
0x139: {  	v7 =	vshrl.u32 v8, $0x12;
	[tilespmem:v9+s8+$0x0] =	vst.idx.add.f32.msk $0xffff, v1  }
0x13a: {  	[tilespmem:v9+s9+$0x0] =	vst.idx.add.f32.msk $0xffff, v6  }
0x13b: {  	v6 =	vld [tilespmem:s14+$0x800]  }
0x13c: {  	v9 =	vshrl.u32 v2, $0x12;
	[tilespmem:v5+s8+$0x0] =	vst.idx.add.f32.msk $0xffff, v1  }
0x13d: {  	v10 =	vshrl.u32 v3, $0x12;
	[tilespmem:v5+s9+$0x0] =	vst.idx.add.f32.msk $0xffff, v4  }
0x13e: {  	[tilespmem:v7+s8+$0x0] =	vst.idx.add.f32.msk $0xffff, v1  }
0x13f: {  	[tilespmem:v7+s9+$0x0] =	vst.idx.add.f32.msk $0xffff, v8  }
0x140: {  	v4 =	vld [tilespmem:s19+$0x90];
	v5 =	vshrl.u32 v6, $0x12  }
0x141: {  	[tilespmem:v9+s8+$0x0] =	vst.idx.add.f32.msk $0xffff, v1  }
0x142: {  	[tilespmem:v9+s9+$0x0] =	vst.idx.add.f32.msk $0xffff, v2  }
0x143: {  	v2 =	vld [tilespmem:s14+$0x890]  }
0x144: {  	[tilespmem:v10+s8+$0x0] =	vst.idx.add.f32.msk $0xffff, v1  }
0x145: {  	[tilespmem:v10+s9+$0x0] =	vst.idx.add.f32.msk $0xffff, v3;
	v3 =	vshrl.u32 v4, $0x12  }
0x146: {  	v7 =	vld [tilespmem:s19+$0x10]  }
0x147: {  	[tilespmem:v5+s8+$0x0] =	vst.idx.add.f32.msk $0xffff, v1  }
0x148: {  	[tilespmem:v5+s9+$0x0] =	vst.idx.add.f32.msk $0xffff, v6;
	v5 =	vshrl.u32 v2, $0x12  }
0x149: {  	v6 =	vld [tilespmem:s14+$0x810]  }
0x14a: {  	[tilespmem:v3+s8+$0x0] =	vst.idx.add.f32.msk $0xffff, v1  }
0x14b: {  	v8 =	vshrl.u32 v7, $0x12;
	[tilespmem:v3+s9+$0x0] =	vst.idx.add.f32.msk $0xffff, v4  }
0x14c: {  	v3 =	vld [tilespmem:s19+$0xA0]  }
0x14d: {  	[tilespmem:v5+s8+$0x0] =	vst.idx.add.f32.msk $0xffff, v1  }
0x14e: {  	v4 =	vshrl.u32 v6, $0x12;
	[tilespmem:v5+s9+$0x0] =	vst.idx.add.f32.msk $0xffff, v2  }
0x14f: {  	v2 =	vld [tilespmem:s14+$0x8A0]  }
0x150: {  	[tilespmem:v8+s8+$0x0] =	vst.idx.add.f32.msk $0xffff, v1  }
0x151: {  	[tilespmem:v8+s9+$0x0] =	vst.idx.add.f32.msk $0xffff, v7;
	v5 =	vshrl.u32 v3, $0x12  }
0x152: {  	v7 =	vld [tilespmem:s19+$0x20]  }
0x153: {  	[tilespmem:v4+s8+$0x0] =	vst.idx.add.f32.msk $0xffff, v1  }
0x154: {  	[tilespmem:v4+s9+$0x0] =	vst.idx.add.f32.msk $0xffff, v6;
	v4 =	vshrl.u32 v2, $0x12  }
0x155: {  	s15 =	sadd.s32 $0x2, s15;
	v6 =	vld [tilespmem:s14+$0x820]  }
0x156: {  	p0 =	slt.u32 s15, $0x3E;
	[tilespmem:v5+s8+$0x0] =	vst.idx.add.f32.msk $0xffff, v1  }
0x157: {  	v8 =	vshrl.u32 v7, $0x12;
	[tilespmem:v5+s9+$0x0] =	vst.idx.add.f32.msk $0xffff, v3  }
0x158: {  	v3 =	vld [tilespmem:s19+$0xB0]  }
0x159: {  	[tilespmem:v4+s8+$0x0] =	vst.idx.add.f32.msk $0xffff, v1  }
0x15a: {  	v5 =	vshrl.u32 v6, $0x12;
	[tilespmem:v4+s9+$0x0] =	vst.idx.add.f32.msk $0xffff, v2  }
0x15b: {  	v2 =	vld [tilespmem:s14+$0x8B0]  }
0x15c: {  	[tilespmem:v8+s8+$0x0] =	vst.idx.add.f32.msk $0xffff, v1  }
0x15d: {  	[tilespmem:v8+s9+$0x0] =	vst.idx.add.f32.msk $0xffff, v7;
	v4 =	vshrl.u32 v3, $0x12  }
0x15e: {  	v7 =	vld [tilespmem:s19+$0x30]  }
0x15f: {  	[tilespmem:v5+s8+$0x0] =	vst.idx.add.f32.msk $0xffff, v1  }
0x160: {  	[tilespmem:v5+s9+$0x0] =	vst.idx.add.f32.msk $0xffff, v6;
	v5 =	vshrl.u32 v2, $0x12  }
0x161: {  	v6 =	vld [tilespmem:s14+$0x830]  }
0x162: {  	[tilespmem:v4+s8+$0x0] =	vst.idx.add.f32.msk $0xffff, v1  }
0x163: {  	v8 =	vshrl.u32 v7, $0x12;
	[tilespmem:v4+s9+$0x0] =	vst.idx.add.f32.msk $0xffff, v3  }
0x164: {  	v3 =	vld [tilespmem:s19+$0xC0]  }
0x165: {  	[tilespmem:v5+s8+$0x0] =	vst.idx.add.f32.msk $0xffff, v1  }
0x166: {  	v4 =	vshrl.u32 v6, $0x12;
	[tilespmem:v5+s9+$0x0] =	vst.idx.add.f32.msk $0xffff, v2  }
0x167: {  	v2 =	vld [tilespmem:s14+$0x8C0]  }
0x168: {  	[tilespmem:v8+s8+$0x0] =	vst.idx.add.f32.msk $0xffff, v1  }
0x169: {  	[tilespmem:v8+s9+$0x0] =	vst.idx.add.f32.msk $0xffff, v7;
	v5 =	vshrl.u32 v3, $0x12  }
0x16a: {  	v7 =	vld [tilespmem:s19+$0x40]  }
0x16b: {  	[tilespmem:v4+s8+$0x0] =	vst.idx.add.f32.msk $0xffff, v1  }
0x16c: {  	[tilespmem:v4+s9+$0x0] =	vst.idx.add.f32.msk $0xffff, v6;
	v4 =	vshrl.u32 v2, $0x12  }
0x16d: {  	v6 =	vld [tilespmem:s14+$0x840]  }
0x16e: {  	[tilespmem:v5+s8+$0x0] =	vst.idx.add.f32.msk $0xffff, v1  }
0x16f: {  	v8 =	vshrl.u32 v7, $0x12;
	[tilespmem:v5+s9+$0x0] =	vst.idx.add.f32.msk $0xffff, v3  }
0x170: {  	v3 =	vld [tilespmem:s19+$0xD0]  }
0x171: {  	[tilespmem:v4+s8+$0x0] =	vst.idx.add.f32.msk $0xffff, v1  }
0x172: {  	v5 =	vshrl.u32 v6, $0x12;
	[tilespmem:v4+s9+$0x0] =	vst.idx.add.f32.msk $0xffff, v2  }
0x173: {  	v2 =	vld [tilespmem:s14+$0x8D0]  }
0x174: {  	[tilespmem:v8+s8+$0x0] =	vst.idx.add.f32.msk $0xffff, v1  }
0x175: {  	[tilespmem:v8+s9+$0x0] =	vst.idx.add.f32.msk $0xffff, v7;
	v4 =	vshrl.u32 v3, $0x12  }
0x176: {  	v7 =	vld [tilespmem:s19+$0x50]  }
0x177: {  	[tilespmem:v5+s8+$0x0] =	vst.idx.add.f32.msk $0xffff, v1  }
0x178: {  	[tilespmem:v5+s9+$0x0] =	vst.idx.add.f32.msk $0xffff, v6;
	v5 =	vshrl.u32 v2, $0x12  }
0x179: {  	v6 =	vld [tilespmem:s14+$0x850]  }
0x17a: {  	[tilespmem:v4+s8+$0x0] =	vst.idx.add.f32.msk $0xffff, v1  }
0x17b: {  	v8 =	vshrl.u32 v7, $0x12;
	[tilespmem:v4+s9+$0x0] =	vst.idx.add.f32.msk $0xffff, v3  }
0x17c: {  	v3 =	vld [tilespmem:s19+$0xE0]  }
0x17d: {  	[tilespmem:v5+s8+$0x0] =	vst.idx.add.f32.msk $0xffff, v1  }
0x17e: {  	v4 =	vshrl.u32 v6, $0x12;
	[tilespmem:v5+s9+$0x0] =	vst.idx.add.f32.msk $0xffff, v2  }
0x17f: {  	v2 =	vld [tilespmem:s14+$0x8E0]  }
0x180: {  	[tilespmem:v8+s8+$0x0] =	vst.idx.add.f32.msk $0xffff, v1  }
0x181: {  	[tilespmem:v8+s9+$0x0] =	vst.idx.add.f32.msk $0xffff, v7;
	v5 =	vshrl.u32 v3, $0x12  }
0x182: {  	v7 =	vld [tilespmem:s19+$0x60]  }
0x183: {  	[tilespmem:v4+s8+$0x0] =	vst.idx.add.f32.msk $0xffff, v1  }
0x184: {  	[tilespmem:v4+s9+$0x0] =	vst.idx.add.f32.msk $0xffff, v6;
	v4 =	vshrl.u32 v2, $0x12  }
0x185: {  	v6 =	vld [tilespmem:s14+$0x860]  }
0x186: {  	[tilespmem:v5+s8+$0x0] =	vst.idx.add.f32.msk $0xffff, v1  }
0x187: {  	v8 =	vshrl.u32 v7, $0x12;
	[tilespmem:v5+s9+$0x0] =	vst.idx.add.f32.msk $0xffff, v3  }
0x188: {  	v3 =	vld [tilespmem:s19+$0xF0]  }
0x189: {  	[tilespmem:v4+s8+$0x0] =	vst.idx.add.f32.msk $0xffff, v1  }
0x18a: {  	v5 =	vshrl.u32 v6, $0x12;
	[tilespmem:v4+s9+$0x0] =	vst.idx.add.f32.msk $0xffff, v2  }
0x18b: {  	v2 =	vld [tilespmem:s14+$0x8F0]  }
0x18c: {  	[tilespmem:v8+s8+$0x0] =	vst.idx.add.f32.msk $0xffff, v1  }
0x18d: {  	[tilespmem:v8+s9+$0x0] =	vst.idx.add.f32.msk $0xffff, v7;
	v4 =	vshrl.u32 v3, $0x12  }
0x18e: {  	v7 =	vld [tilespmem:s19+$0x70]  }
0x18f: {  	[tilespmem:v5+s8+$0x0] =	vst.idx.add.f32.msk $0xffff, v1  }
0x190: {  	[tilespmem:v5+s9+$0x0] =	vst.idx.add.f32.msk $0xffff, v6;
	v5 =	vshrl.u32 v2, $0x12  }
0x191: {  	s12 =	sadd.s32 $0x1, s12;
	v6 =	vld [tilespmem:s14+$0x870];
	s14 =	smov.u32 s19  }
0x192: {  	s18 =	sand.u32 $0x3, s12;
	[tilespmem:v4+s8+$0x0] =	vst.idx.add.f32.msk $0xffff, v1  }
0x193: {  	s18 =	sshll.u32 s18, $0x8;
	v8 =	vshrl.u32 v7, $0x12;
	[tilespmem:v4+s9+$0x0] =	vst.idx.add.f32.msk $0xffff, v3  }
0x194: {  	s18 =	sadd.s32 s18, s13;
	s13 =	smov.u32 s17;
	v3 =	vld [tilespmem:s14+$0x480]  }
0x195: {  	s25 =	sor.u32 $0xC00, s18;
	s26 =	sor.u32 $0xC10, s18;
	s19 =	sadd.s32 $0x80, s18;
	[tilespmem:v5+s8+$0x0] =	vst.idx.add.f32.msk $0xffff, v1  }
0x196: {  	s24 =	sor.u32 $0xC20, s18;
	s23 =	sor.u32 $0xC30, s18;
	s28 =	sor.u32 $0xC00, s19;
	v4 =	vshrl.u32 v6, $0x12;
	[tilespmem:v5+s9+$0x0] =	vst.idx.add.f32.msk $0xffff, v2  }
0x197: {  	s22 =	sor.u32 $0xC40, s18;
	s21 =	sor.u32 $0xC50, s18;
	s20 =	sor.u32 $0xC60, s18;
	v2 =	vld [tilespmem:s28+$0x0]  }
0x198: {  	s18 =	sor.u32 $0xC70, s18;
	[tilespmem:v8+s8+$0x0] =	vst.idx.add.f32.msk $0xffff, v1  }
0x199: {  	[tilespmem:v8+s9+$0x0] =	vst.idx.add.f32.msk $0xffff, v7;
	v5 =	vshrl.u32 v3, $0x12  }
0x19a: {  	v7 =	vld [tilespmem:s14+$0x400]  }
0x19b: {  	[tilespmem:v4+s8+$0x0] =	vst.idx.add.f32.msk $0xffff, v1  }
0x19c: {  	[tilespmem:v4+s9+$0x0] =	vst.idx.add.f32.msk $0xffff, v6;
	v4 =	vshrl.u32 v2, $0x12  }
0x19d: {  	v6 =	vld [tilespmem:s25+$0x0]  }
0x19e: {  	[tilespmem:v5+s8+$0x0] =	vst.idx.add.f32.msk $0xffff, v1  }
0x19f: {  	v8 =	vshrl.u32 v7, $0x12;
	[tilespmem:v5+s9+$0x0] =	vst.idx.add.f32.msk $0xffff, v3  }
0x1a0: {  	v3 =	vld [tilespmem:s14+$0x490]  }
0x1a1: {  	[tilespmem:v4+s8+$0x0] =	vst.idx.add.f32.msk $0xffff, v1  }
0x1a2: {  	s25 =	sor.u32 $0xC10, s19;
	v5 =	vshrl.u32 v6, $0x12;
	[tilespmem:v4+s9+$0x0] =	vst.idx.add.f32.msk $0xffff, v2  }
0x1a3: {  	v2 =	vld [tilespmem:s25+$0x0]  }
0x1a4: {  	[tilespmem:v8+s8+$0x0] =	vst.idx.add.f32.msk $0xffff, v1  }
0x1a5: {  	[tilespmem:v8+s9+$0x0] =	vst.idx.add.f32.msk $0xffff, v7;
	v4 =	vshrl.u32 v3, $0x12  }
0x1a6: {  	v7 =	vld [tilespmem:s14+$0x410]  }
0x1a7: {  	[tilespmem:v5+s8+$0x0] =	vst.idx.add.f32.msk $0xffff, v1  }
0x1a8: {  	[tilespmem:v5+s9+$0x0] =	vst.idx.add.f32.msk $0xffff, v6;
	v5 =	vshrl.u32 v2, $0x12  }
0x1a9: {  	v6 =	vld [tilespmem:s26+$0x0]  }
0x1aa: {  	[tilespmem:v4+s8+$0x0] =	vst.idx.add.f32.msk $0xffff, v1  }
0x1ab: {  	v8 =	vshrl.u32 v7, $0x12;
	[tilespmem:v4+s9+$0x0] =	vst.idx.add.f32.msk $0xffff, v3  }
0x1ac: {  	v3 =	vld [tilespmem:s14+$0x4A0]  }
0x1ad: {  	[tilespmem:v5+s8+$0x0] =	vst.idx.add.f32.msk $0xffff, v1  }
0x1ae: {  	s25 =	sor.u32 $0xC20, s19;
	v4 =	vshrl.u32 v6, $0x12;
	[tilespmem:v5+s9+$0x0] =	vst.idx.add.f32.msk $0xffff, v2  }
0x1af: {  	v2 =	vld [tilespmem:s25+$0x0]  }
0x1b0: {  	[tilespmem:v8+s8+$0x0] =	vst.idx.add.f32.msk $0xffff, v1  }
0x1b1: {  	[tilespmem:v8+s9+$0x0] =	vst.idx.add.f32.msk $0xffff, v7;
	v5 =	vshrl.u32 v3, $0x12  }
0x1b2: {  	v7 =	vld [tilespmem:s14+$0x420]  }
0x1b3: {  	[tilespmem:v4+s8+$0x0] =	vst.idx.add.f32.msk $0xffff, v1  }
0x1b4: {  	[tilespmem:v4+s9+$0x0] =	vst.idx.add.f32.msk $0xffff, v6;
	v4 =	vshrl.u32 v2, $0x12  }
0x1b5: {  	v6 =	vld [tilespmem:s24+$0x0]  }
0x1b6: {  	[tilespmem:v5+s8+$0x0] =	vst.idx.add.f32.msk $0xffff, v1  }
0x1b7: {  	v8 =	vshrl.u32 v7, $0x12;
	[tilespmem:v5+s9+$0x0] =	vst.idx.add.f32.msk $0xffff, v3  }
0x1b8: {  	v3 =	vld [tilespmem:s14+$0x4B0]  }
0x1b9: {  	[tilespmem:v4+s8+$0x0] =	vst.idx.add.f32.msk $0xffff, v1  }
0x1ba: {  	s24 =	sor.u32 $0xC30, s19;
	v5 =	vshrl.u32 v6, $0x12;
	[tilespmem:v4+s9+$0x0] =	vst.idx.add.f32.msk $0xffff, v2  }
0x1bb: {  	v2 =	vld [tilespmem:s24+$0x0]  }
0x1bc: {  	[tilespmem:v8+s8+$0x0] =	vst.idx.add.f32.msk $0xffff, v1  }
0x1bd: {  	[tilespmem:v8+s9+$0x0] =	vst.idx.add.f32.msk $0xffff, v7;
	v4 =	vshrl.u32 v3, $0x12  }
0x1be: {  	v7 =	vld [tilespmem:s14+$0x430]  }
0x1bf: {  	[tilespmem:v5+s8+$0x0] =	vst.idx.add.f32.msk $0xffff, v1  }
0x1c0: {  	[tilespmem:v5+s9+$0x0] =	vst.idx.add.f32.msk $0xffff, v6;
	v5 =	vshrl.u32 v2, $0x12  }
0x1c1: {  	v6 =	vld [tilespmem:s23+$0x0]  }
0x1c2: {  	[tilespmem:v4+s8+$0x0] =	vst.idx.add.f32.msk $0xffff, v1  }
0x1c3: {  	v8 =	vshrl.u32 v7, $0x12;
	[tilespmem:v4+s9+$0x0] =	vst.idx.add.f32.msk $0xffff, v3  }
0x1c4: {  	v3 =	vld [tilespmem:s14+$0x4C0]  }
0x1c5: {  	[tilespmem:v5+s8+$0x0] =	vst.idx.add.f32.msk $0xffff, v1  }
0x1c6: {  	s23 =	sor.u32 $0xC40, s19;
	v4 =	vshrl.u32 v6, $0x12;
	[tilespmem:v5+s9+$0x0] =	vst.idx.add.f32.msk $0xffff, v2  }
0x1c7: {  	v2 =	vld [tilespmem:s23+$0x0]  }
0x1c8: {  	[tilespmem:v8+s8+$0x0] =	vst.idx.add.f32.msk $0xffff, v1  }
0x1c9: {  	[tilespmem:v8+s9+$0x0] =	vst.idx.add.f32.msk $0xffff, v7;
	v5 =	vshrl.u32 v3, $0x12  }
0x1ca: {  	v7 =	vld [tilespmem:s14+$0x440]  }
0x1cb: {  	[tilespmem:v4+s8+$0x0] =	vst.idx.add.f32.msk $0xffff, v1  }
0x1cc: {  	[tilespmem:v4+s9+$0x0] =	vst.idx.add.f32.msk $0xffff, v6;
	v4 =	vshrl.u32 v2, $0x12  }
0x1cd: {  	v6 =	vld [tilespmem:s22+$0x0]  }
0x1ce: {  	[tilespmem:v5+s8+$0x0] =	vst.idx.add.f32.msk $0xffff, v1  }
0x1cf: {  	v8 =	vshrl.u32 v7, $0x12;
	[tilespmem:v5+s9+$0x0] =	vst.idx.add.f32.msk $0xffff, v3  }
0x1d0: {  	v3 =	vld [tilespmem:s14+$0x4D0]  }
0x1d1: {  	[tilespmem:v4+s8+$0x0] =	vst.idx.add.f32.msk $0xffff, v1  }
0x1d2: {  	s22 =	sor.u32 $0xC50, s19;
	v5 =	vshrl.u32 v6, $0x12;
	[tilespmem:v4+s9+$0x0] =	vst.idx.add.f32.msk $0xffff, v2  }
0x1d3: {  	v2 =	vld [tilespmem:s22+$0x0]  }
0x1d4: {  	[tilespmem:v8+s8+$0x0] =	vst.idx.add.f32.msk $0xffff, v1  }
0x1d5: {  	[tilespmem:v8+s9+$0x0] =	vst.idx.add.f32.msk $0xffff, v7;
	v4 =	vshrl.u32 v3, $0x12  }
0x1d6: {  	v7 =	vld [tilespmem:s14+$0x450]  }
0x1d7: {  	[tilespmem:v5+s8+$0x0] =	vst.idx.add.f32.msk $0xffff, v1  }
0x1d8: {  	[tilespmem:v5+s9+$0x0] =	vst.idx.add.f32.msk $0xffff, v6;
	v5 =	vshrl.u32 v2, $0x12  }
0x1d9: {  	v6 =	vld [tilespmem:s21+$0x0]  }
0x1da: {  	[tilespmem:v4+s8+$0x0] =	vst.idx.add.f32.msk $0xffff, v1  }
0x1db: {  	v8 =	vshrl.u32 v7, $0x12;
	[tilespmem:v4+s9+$0x0] =	vst.idx.add.f32.msk $0xffff, v3  }
0x1dc: {  	v4 =	vld [tilespmem:s14+$0x4E0]  }
0x1dd: {  	[tilespmem:v5+s8+$0x0] =	vst.idx.add.f32.msk $0xffff, v1  }
0x1de: {  	s21 =	sor.u32 $0xC60, s19;
	v3 =	vshrl.u32 v6, $0x12;
	[tilespmem:v5+s9+$0x0] =	vst.idx.add.f32.msk $0xffff, v2  }
0x1df: {  	v2 =	vld [tilespmem:s21+$0x0]  }
0x1e0: {  	[tilespmem:v8+s8+$0x0] =	vst.idx.add.f32.msk $0xffff, v1  }
0x1e1: {  	[tilespmem:v8+s9+$0x0] =	vst.idx.add.f32.msk $0xffff, v7;
	v5 =	vshrl.u32 v4, $0x12  }
0x1e2: {  	v7 =	vld [tilespmem:s14+$0x460]  }
0x1e3: {  	[tilespmem:v3+s8+$0x0] =	vst.idx.add.f32.msk $0xffff, v1  }
0x1e4: {  	[tilespmem:v3+s9+$0x0] =	vst.idx.add.f32.msk $0xffff, v6;
	v6 =	vshrl.u32 v2, $0x12  }
0x1e5: {  	v3 =	vld [tilespmem:s20+$0x0]  }
0x1e6: {  	[tilespmem:v5+s8+$0x0] =	vst.idx.add.f32.msk $0xffff, v1  }
0x1e7: {  	v8 =	vshrl.u32 v7, $0x12;
	[tilespmem:v5+s9+$0x0] =	vst.idx.add.f32.msk $0xffff, v4  }
0x1e8: {  	v5 =	vld [tilespmem:s14+$0x4F0]  }
0x1e9: {  	[tilespmem:v6+s8+$0x0] =	vst.idx.add.f32.msk $0xffff, v1  }
0x1ea: {  	s19 =	sor.u32 $0xC70, s19;
	v4 =	vshrl.u32 v3, $0x12;
	[tilespmem:v6+s9+$0x0] =	vst.idx.add.f32.msk $0xffff, v2  }
.Ltmp1:
0x1eb: {  	v2 =	vld [tilespmem:s19+$0x0];
	(pc) =	sbr.rel @p0 .LBB2_4-.Ltmp1, $4  }
0x1ec: {  	[tilespmem:v8+s8+$0x0] =	vst.idx.add.f32.msk $0xffff, v1  }
0x1ed: {  	[tilespmem:v8+s9+$0x0] =	vst.idx.add.f32.msk $0xffff, v7  }
0x1ee: {  	v7 =	vshrl.u32 v5, $0x12;
	v6 =	vld [tilespmem:s14+$0x470]  }
0x1ef: {  	s16 =	sadd.s32 $0x100, s16;
	s17 =	sadd.s32 $0x400, s17;
	[tilespmem:v4+s8+$0x0] =	vst.idx.add.f32.msk $0xffff, v1  }
0x1f0: {  	_ =	sdelay $0x2  }
0x1f1: {  	v8 =	vshrl.u32 v6, $0x12;
	_ =	sdelay $0x1  }
0x1f2: {  	[tilespmem:v7+s8+$0x0] =	vst.idx.add.f32.msk $0xffff, v1  }
0x1f3: {  	[tilespmem:v7+s9+$0x0] =	vst.idx.add.f32.msk $0xffff, v5  }
0x1f4: {  	v5 =	vld [tilespmem:s14+$0x880]  }
0x1f5: {  	[tilespmem:v8+s8+$0x0] =	vst.idx.add.f32.msk $0xffff, v1  }
0x1f6: {  	[tilespmem:v8+s9+$0x0] =	vst.idx.add.f32.msk $0xffff, v6  }
0x1f7: {  	v6 =	vld [tilespmem:s14+$0x800];
	_ =	sdelay $0x1  }
0x1f8: {  	v32 =	vshrl.u32 v5, $0x12;
	_ =	sdelay $0x2  }
0x1f9: {  	v33 =	vshrl.u32 v6, $0x12;
	_ =	sdelay $0x1  }
0x1fa: {  	[tilespmem:v32+s8+$0x0] =	vst.idx.add.f32.msk $0xffff, v1  }
0x1fb: {  	[tilespmem:v32+s9+$0x0] =	vst.idx.add.f32.msk $0xffff, v5  }
0x1fc: {  	v5 =	vld [tilespmem:s14+$0x890]  }
0x1fd: {  	[tilespmem:v33+s8+$0x0] =	vst.idx.add.f32.msk $0xffff, v1  }
0x1fe: {  	[tilespmem:v33+s9+$0x0] =	vst.idx.add.f32.msk $0xffff, v6  }
0x1ff: {  	v6 =	vld [tilespmem:s14+$0x810];
	_ =	sdelay $0x1  }
0x200: {  	v34 =	vshrl.u32 v5, $0x12;
	_ =	sdelay $0x2  }
0x201: {  	v35 =	vshrl.u32 v6, $0x12;
	_ =	sdelay $0x1  }
0x202: {  	[tilespmem:v34+s8+$0x0] =	vst.idx.add.f32.msk $0xffff, v1  }
0x203: {  	[tilespmem:v34+s9+$0x0] =	vst.idx.add.f32.msk $0xffff, v5  }
0x204: {  	v5 =	vld [tilespmem:s14+$0x8A0]  }
0x205: {  	[tilespmem:v35+s8+$0x0] =	vst.idx.add.f32.msk $0xffff, v1  }
0x206: {  	[tilespmem:v35+s9+$0x0] =	vst.idx.add.f32.msk $0xffff, v6  }
0x207: {  	v6 =	vld [tilespmem:s14+$0x820];
	_ =	sdelay $0x1  }
0x208: {  	v36 =	vshrl.u32 v5, $0x12;
	_ =	sdelay $0x2  }
0x209: {  	v37 =	vshrl.u32 v6, $0x12;
	_ =	sdelay $0x1  }
0x20a: {  	[tilespmem:v36+s8+$0x0] =	vst.idx.add.f32.msk $0xffff, v1  }
0x20b: {  	[tilespmem:v36+s9+$0x0] =	vst.idx.add.f32.msk $0xffff, v5  }
0x20c: {  	v5 =	vld [tilespmem:s14+$0x8B0]  }
0x20d: {  	[tilespmem:v37+s8+$0x0] =	vst.idx.add.f32.msk $0xffff, v1  }
0x20e: {  	[tilespmem:v37+s9+$0x0] =	vst.idx.add.f32.msk $0xffff, v6  }
0x20f: {  	v6 =	vld [tilespmem:s14+$0x830];
	_ =	sdelay $0x1  }
0x210: {  	v38 =	vshrl.u32 v5, $0x12;
	_ =	sdelay $0x2  }
0x211: {  	v39 =	vshrl.u32 v6, $0x12;
	_ =	sdelay $0x1  }
0x212: {  	[tilespmem:v38+s8+$0x0] =	vst.idx.add.f32.msk $0xffff, v1  }
0x213: {  	[tilespmem:v38+s9+$0x0] =	vst.idx.add.f32.msk $0xffff, v5  }
0x214: {  	v5 =	vld [tilespmem:s14+$0x8C0]  }
0x215: {  	[tilespmem:v39+s8+$0x0] =	vst.idx.add.f32.msk $0xffff, v1  }
0x216: {  	[tilespmem:v39+s9+$0x0] =	vst.idx.add.f32.msk $0xffff, v6  }
0x217: {  	v6 =	vld [tilespmem:s14+$0x840];
	_ =	sdelay $0x1  }
0x218: {  	v40 =	vshrl.u32 v5, $0x12;
	_ =	sdelay $0x2  }
0x219: {  	v41 =	vshrl.u32 v6, $0x12;
	_ =	sdelay $0x1  }
0x21a: {  	[tilespmem:v40+s8+$0x0] =	vst.idx.add.f32.msk $0xffff, v1  }
0x21b: {  	[tilespmem:v40+s9+$0x0] =	vst.idx.add.f32.msk $0xffff, v5  }
0x21c: {  	v5 =	vld [tilespmem:s14+$0x8D0]  }
0x21d: {  	[tilespmem:v41+s8+$0x0] =	vst.idx.add.f32.msk $0xffff, v1  }
0x21e: {  	[tilespmem:v41+s9+$0x0] =	vst.idx.add.f32.msk $0xffff, v6  }
0x21f: {  	v6 =	vld [tilespmem:s14+$0x850];
	_ =	sdelay $0x1  }
0x220: {  	v42 =	vshrl.u32 v5, $0x12;
	_ =	sdelay $0x2  }
0x221: {  	v43 =	vshrl.u32 v6, $0x12;
	_ =	sdelay $0x1  }
0x222: {  	[tilespmem:v42+s8+$0x0] =	vst.idx.add.f32.msk $0xffff, v1  }
0x223: {  	[tilespmem:v42+s9+$0x0] =	vst.idx.add.f32.msk $0xffff, v5  }
0x224: {  	v5 =	vld [tilespmem:s14+$0x8E0]  }
0x225: {  	[tilespmem:v43+s8+$0x0] =	vst.idx.add.f32.msk $0xffff, v1  }
0x226: {  	[tilespmem:v43+s9+$0x0] =	vst.idx.add.f32.msk $0xffff, v6  }
0x227: {  	v6 =	vld [tilespmem:s14+$0x860];
	_ =	sdelay $0x1  }
0x228: {  	v44 =	vshrl.u32 v5, $0x12;
	_ =	sdelay $0x2  }
0x229: {  	v45 =	vshrl.u32 v6, $0x12;
	_ =	sdelay $0x1  }
0x22a: {  	[tilespmem:v44+s8+$0x0] =	vst.idx.add.f32.msk $0xffff, v1  }
0x22b: {  	[tilespmem:v44+s9+$0x0] =	vst.idx.add.f32.msk $0xffff, v5  }
0x22c: {  	v5 =	vld [tilespmem:s14+$0x8F0]  }
0x22d: {  	[tilespmem:v45+s8+$0x0] =	vst.idx.add.f32.msk $0xffff, v1  }
0x22e: {  	[tilespmem:v45+s9+$0x0] =	vst.idx.add.f32.msk $0xffff, v6  }
0x22f: {  	v6 =	vld [tilespmem:s14+$0x870];
	_ =	sdelay $0x1  }
0x230: {  	v46 =	vshrl.u32 v5, $0x12  }
0x231: {  	s12 =	sadd.s32 $0x1, s12  }
0x232: {  	s12 =	sand.u32 $0x3, s12  }
0x233: {  	s12 =	sshll.u32 s12, $0x8;
	v47 =	vshrl.u32 v6, $0x12  }
0x234: {  	s12 =	sadd.s32 s12, s13  }
0x235: {  	s13 =	sadd.s32 $0x80, s12;
	[tilespmem:v46+s8+$0x0] =	vst.idx.add.f32.msk $0xffff, v1  }
0x236: {  	s16 =	sor.u32 $0xC00, s13;
	[tilespmem:v46+s9+$0x0] =	vst.idx.add.f32.msk $0xffff, v5  }
0x237: {  	v5 =	vld [tilespmem:s16+$0x0]  }
0x238: {  	[tilespmem:v47+s8+$0x0] =	vst.idx.add.f32.msk $0xffff, v1  }
0x239: {  	s17 =	sor.u32 $0xC00, s12;
	[tilespmem:v47+s9+$0x0] =	vst.idx.add.f32.msk $0xffff, v6  }
0x23a: {  	v6 =	vld [tilespmem:s17+$0x0];
	_ =	sdelay $0x1  }
0x23b: {  	v48 =	vshrl.u32 v5, $0x12;
	_ =	sdelay $0x2  }
0x23c: {  	v49 =	vshrl.u32 v6, $0x12;
	_ =	sdelay $0x1  }
0x23d: {  	[tilespmem:v48+s8+$0x0] =	vst.idx.add.f32.msk $0xffff, v1  }
0x23e: {  	s19 =	sor.u32 $0xC10, s13;
	[tilespmem:v48+s9+$0x0] =	vst.idx.add.f32.msk $0xffff, v5  }
0x23f: {  	v5 =	vld [tilespmem:s19+$0x0]  }
0x240: {  	[tilespmem:v49+s8+$0x0] =	vst.idx.add.f32.msk $0xffff, v1  }
0x241: {  	s20 =	sor.u32 $0xC10, s12;
	[tilespmem:v49+s9+$0x0] =	vst.idx.add.f32.msk $0xffff, v6  }
0x242: {  	v6 =	vld [tilespmem:s20+$0x0];
	_ =	sdelay $0x1  }
0x243: {  	v50 =	vshrl.u32 v5, $0x12;
	_ =	sdelay $0x2  }
0x244: {  	v51 =	vshrl.u32 v6, $0x12;
	_ =	sdelay $0x1  }
0x245: {  	[tilespmem:v50+s8+$0x0] =	vst.idx.add.f32.msk $0xffff, v1  }
0x246: {  	s21 =	sor.u32 $0xC20, s13;
	[tilespmem:v50+s9+$0x0] =	vst.idx.add.f32.msk $0xffff, v5  }
0x247: {  	v5 =	vld [tilespmem:s21+$0x0]  }
0x248: {  	[tilespmem:v51+s8+$0x0] =	vst.idx.add.f32.msk $0xffff, v1  }
0x249: {  	s22 =	sor.u32 $0xC20, s12;
	[tilespmem:v51+s9+$0x0] =	vst.idx.add.f32.msk $0xffff, v6  }
0x24a: {  	v6 =	vld [tilespmem:s22+$0x0];
	_ =	sdelay $0x1  }
0x24b: {  	v52 =	vshrl.u32 v5, $0x12;
	_ =	sdelay $0x2  }
0x24c: {  	v53 =	vshrl.u32 v6, $0x12;
	_ =	sdelay $0x1  }
0x24d: {  	[tilespmem:v52+s8+$0x0] =	vst.idx.add.f32.msk $0xffff, v1  }
0x24e: {  	s23 =	sor.u32 $0xC30, s13;
	[tilespmem:v52+s9+$0x0] =	vst.idx.add.f32.msk $0xffff, v5  }
0x24f: {  	v5 =	vld [tilespmem:s23+$0x0]  }
0x250: {  	[tilespmem:v53+s8+$0x0] =	vst.idx.add.f32.msk $0xffff, v1  }
0x251: {  	s24 =	sor.u32 $0xC30, s12;
	[tilespmem:v53+s9+$0x0] =	vst.idx.add.f32.msk $0xffff, v6  }
0x252: {  	v6 =	vld [tilespmem:s24+$0x0];
	_ =	sdelay $0x1  }
0x253: {  	v54 =	vshrl.u32 v5, $0x12;
	_ =	sdelay $0x2  }
0x254: {  	v55 =	vshrl.u32 v6, $0x12;
	_ =	sdelay $0x1  }
0x255: {  	[tilespmem:v54+s8+$0x0] =	vst.idx.add.f32.msk $0xffff, v1  }
0x256: {  	s25 =	sor.u32 $0xC40, s13;
	[tilespmem:v54+s9+$0x0] =	vst.idx.add.f32.msk $0xffff, v5  }
0x257: {  	v5 =	vld [tilespmem:s25+$0x0]  }
0x258: {  	[tilespmem:v55+s8+$0x0] =	vst.idx.add.f32.msk $0xffff, v1  }
0x259: {  	s26 =	sor.u32 $0xC40, s12;
	[tilespmem:v55+s9+$0x0] =	vst.idx.add.f32.msk $0xffff, v6  }
0x25a: {  	v6 =	vld [tilespmem:s26+$0x0];
	_ =	sdelay $0x1  }
0x25b: {  	v56 =	vshrl.u32 v5, $0x12;
	_ =	sdelay $0x2  }
0x25c: {  	v57 =	vshrl.u32 v6, $0x12;
	_ =	sdelay $0x1  }
0x25d: {  	[tilespmem:v56+s8+$0x0] =	vst.idx.add.f32.msk $0xffff, v1  }
0x25e: {  	s28 =	sor.u32 $0xC50, s13;
	[tilespmem:v56+s9+$0x0] =	vst.idx.add.f32.msk $0xffff, v5  }
0x25f: {  	v5 =	vld [tilespmem:s28+$0x0]  }
0x260: {  	[tilespmem:v57+s8+$0x0] =	vst.idx.add.f32.msk $0xffff, v1  }
0x261: {  	s29 =	sor.u32 $0xC50, s12;
	[tilespmem:v57+s9+$0x0] =	vst.idx.add.f32.msk $0xffff, v6  }
0x262: {  	v6 =	vld [tilespmem:s29+$0x0];
	_ =	sdelay $0x1  }
0x263: {  	v58 =	vshrl.u32 v5, $0x12;
	_ =	sdelay $0x2  }
0x264: {  	v59 =	vshrl.u32 v6, $0x12;
	_ =	sdelay $0x1  }
0x265: {  	[tilespmem:v58+s8+$0x0] =	vst.idx.add.f32.msk $0xffff, v1  }
0x266: {  	s30 =	sor.u32 $0xC60, s13;
	[tilespmem:v58+s9+$0x0] =	vst.idx.add.f32.msk $0xffff, v5  }
0x267: {  	v5 =	vld [tilespmem:s30+$0x0]  }
0x268: {  	[tilespmem:v59+s8+$0x0] =	vst.idx.add.f32.msk $0xffff, v1  }
0x269: {  	s31 =	sor.u32 $0xC60, s12;
	[tilespmem:v59+s9+$0x0] =	vst.idx.add.f32.msk $0xffff, v6  }
0x26a: {  	v6 =	vld [tilespmem:s31+$0x0];
	_ =	sdelay $0x1  }
0x26b: {  	v60 =	vshrl.u32 v5, $0x12;
	_ =	sdelay $0x2  }
0x26c: {  	[tilespmem:v4+s9+$0x0] =	vst.idx.add.f32.msk $0xffff, v3;
	v3 =	vshrl.u32 v6, $0x12  }
0x26d: {  	v4 =	vld [tilespmem:s18+$0x0]  }
0x26e: {  	[tilespmem:v60+s8+$0x0] =	vst.idx.add.f32.msk $0xffff, v1  }
0x26f: {  	s13 =	sor.u32 $0xC70, s13;
	[tilespmem:v60+s9+$0x0] =	vst.idx.add.f32.msk $0xffff, v5  }
0x270: {  	v5 =	vld [tilespmem:s13+$0x0]  }
0x271: {  	[tilespmem:v3+s8+$0x0] =	vst.idx.add.f32.msk $0xffff, v1  }
0x272: {  	v61 =	vshrl.u32 v2, $0x12;
	s12 =	sor.u32 $0xC70, s12;
	[tilespmem:v3+s9+$0x0] =	vst.idx.add.f32.msk $0xffff, v6  }
0x273: {  	v3 =	vld [tilespmem:s12+$0x0]  }
0x274: {  	v62 =	vshrl.u32 v4, $0x12;
	_ =	sdelay $0x1  }
0x275: {  	v63 =	vshrl.u32 v5, $0x12  }
0x276: {  	[tilespmem:v61+s8+$0x0] =	vst.idx.add.f32.msk $0xffff, v1  }
0x277: {  	[tilespmem:v61+s9+$0x0] =	vst.idx.add.f32.msk $0xffff, v2;
	v2 =	vshrl.u32 v3, $0x12  }
0x278: {  	[tilespmem:v62+s8+$0x0] =	vst.idx.add.f32.msk $0xffff, v1  }
0x279: {  	[tilespmem:v62+s9+$0x0] =	vst.idx.add.f32.msk $0xffff, v4  }
0x27a: {  	[tilespmem:v63+s8+$0x0] =	vst.idx.add.f32.msk $0xffff, v1  }
0x27b: {  	[tilespmem:v63+s9+$0x0] =	vst.idx.add.f32.msk $0xffff, v5  }
0x27c: {  	[tilespmem:v2+s8+$0x0] =	vst.idx.add.f32.msk $0xffff, v1  }
0x27d: {  	[tilespmem:v2+s9+$0x0] =	vst.idx.add.f32.msk $0xffff, v3  }
0x27e: {  	[hbm4b:s4+s10] =	stream.strided.scatter [tilespmem:s8], [sflag:$0x1], $0x4000, s11, s10, $0x38;
	[tilespmem:$0x10000] =	vst v63  }
0x27f: {  	s2 =	sadd.s32 $0x1, s2;
	_ =	swait.ge [sflag:s7], $0x4000  }
0x280: {  	p0 =	sne.s32 s2, s6;
	[sflag:s7] =	ssyncset.done $0x0  }
.Ltmp2:
0x281: {  	[sflag:s7] =	ssyncadd.s32 $0xFFFFC000;
	(pc) =	sbr.rel @p0 .LBB2_1-.Ltmp2, $4  }
0x282: {  	[hbm4b:s5+s10] =	stream.strided.scatter [tilespmem:s9], [sflag:$0x1], $0x4000, s11, s10, $0x38;
	[tilespmem:$0x10000] =	vst v63  }
0x283: {  	_ =	swait.ge [sflag:s7], $0x4000  }
0x284: {  	[sflag:s7] =	ssyncset.done $0x0  }
0x285: {  	[sflag:s7] =	ssyncadd.s32 $0xFFFFC000  }
0x286: {  	_ =	sfence.sel $0x180000  }
0x287: {  	[bflag:$0x0] =	sbarrier.arrive $0xFFFF  }
0x288: {  	p0 =	sne.s32 s0, $0x0;
	_ =	strace $0x90000047  }
0x289: {  	s0 =	sadd.s32 @!p0 $0x100000, s1;
	[bflag:$0x2] =	sbarrier.arrive $0xFFFF  }
0x28a: {  	[sflag:s0] =	ssyncadd.tile.s32 @!p0 $0x1;
	_ =	shalt  }
.Lfunc_end2:
_tile_overlayer_lowered:
.L_overlay_start_2:
0x28b: {  	(tag) =	ssettag $0x2  }
0x28c: {  	s0 =	rddreg [dreg:$0x0];
	s2 =	stileid.u32  }
0x28d: {  	s1 =	rddreg [dreg:$0x1];
	p0 =	sne.s32 s2, $0x0  }
0x28e: {  	s3 =	rddreg [dreg:$0x2];
	[bflag:$0x3] =	sbarrier.arrive $0xFFFF;
	s2 =	simm.s32 @!p0 $0x1C01  }
0x28f: {  	[timem:s3], [sflag:s2] =	dma.local @!p0 [hbm:s0], s1  }
0x290: {  	s0 =	simm.s32 @!p0 $0x1  }
0x291: {  	_ =	swait.ge @!p0 [sflag:s0], s1  }
0x292: {  	s1 =	ssub.s32 @!p0 $0x0, s1;
	[sflag:s0] =	ssyncset.done @!p0 $0x0  }
0x293: {  	[sflag:s0] =	ssyncadd.s32 @!p0 s1  }
0x294: {  	[bflag:$0x3] =	sbarrier.arrive $0xFFFF  }
0x295: {  	_ =	shalt  }

</sc_bundles>
